<compile_context>
chip_gen: v7x
topology: tpu7x:2x2x1
jax: 0.10.2.dev20260603
libtpu: 0.0.44.dev20260713+nightly
codegen_flags: <defaults>
</compile_context>

<pallas_src>
import functools

import jax
import jax.numpy as jnp
from jax import lax
from jax.experimental import pallas as pl
from jax.experimental.pallas import tpu as pltpu
from jax.experimental.pallas import tpu_sc as plsc

_BATCH_SIZE = 64
_ROW_BLK = 4000
_N_TILES = 16


_OUT_COLS = 500


def _rowsum_body(a_ref, b_ref, o_ref):
    d = a_ref[...] - b_ref[...]
    rs = jnp.sum(d * d, axis=1)
    o_ref[...] = rs.reshape(o_ref.shape)


def _rowsums_tc(pred_v, adv):
    n, d = pred_v.shape
    blk = _ROW_BLK
    assert n % blk == 0 and blk % _OUT_COLS == 0
    rows = blk // _OUT_COLS
    assert rows % 8 == 0
    return pl.pallas_call(
        _rowsum_body,
        grid=(n // blk,),
        in_specs=[
            pl.BlockSpec((blk, d), lambda i: (i, 0)),
            pl.BlockSpec((blk, d), lambda i: (i, 0)),
        ],
        out_specs=pl.BlockSpec((rows, _OUT_COLS), lambda i: (i, 0)),
        out_shape=jax.ShapeDtypeStruct((n // _OUT_COLS, _OUT_COLS),
                                       jnp.float32),
    )(pred_v, adv)


def _chunking(n):
    chunk = ((n + _N_TILES * 16 - 1) // (_N_TILES * 16)) * 16
    assert chunk % 8 == 0 and (n - chunk) % 8 == 0
    return chunk, chunk // 16


def _sc_mesh():
    return plsc.VectorSubcoreMesh(
        core_axis_name="c", subcore_axis_name="s",
        num_cores=2, num_subcores=16)


def _counts_sc(batch, d_cols):
    n = batch.shape[0]
    chunk, steps = _chunking(n)
    nb = _BATCH_SIZE

    @functools.partial(
        pl.kernel,
        out_type=jax.ShapeDtypeStruct((nb,), jnp.float32),
        mesh=_sc_mesh(),
        compiler_params=pltpu.CompilerParams(needs_layout_passes=False),
        scratch_types=[
            pltpu.VMEM((chunk,), jnp.int32),
            pltpu.VMEM((16, nb), jnp.float32),
            pltpu.VMEM((2 * nb,), jnp.float32),
            pltpu.VMEM((_N_TILES, 2 * nb), jnp.float32),
            pltpu.VMEM((nb,), jnp.float32),
            pltpu.VMEM_SHARED((_N_TILES, 2 * nb), jnp.float32),
        ],
    )
    def cnt_kernel(batch_hbm, out_hbm, batch_v, accc, hist_v, tot_v, out_v,
                   shared):
        cid = lax.axis_index("c")
        sid = lax.axis_index("s")
        lanes = lax.iota(jnp.int32, 16)
        zeros16 = jnp.zeros((16,), jnp.float32)

        @pl.when(cid == 0)
        def _():
            own_lo = sid * chunk
            base = jnp.minimum(own_lo, n - chunk)
            pltpu.sync_copy(batch_hbm.at[pl.ds(base, chunk)], batch_v)
            for r in range(16):
                for k in range(nb // 16):
                    accc[r, pl.ds(k * 16, 16)] = zeros16
            ones = jnp.ones((16,), jnp.float32)

            def step(i, carry):
                b = batch_v[pl.ds(i * 16, 16)]
                gidx = base + i * 16 + lanes
                valid = gidx >= own_lo
                plsc.addupdate_scatter(accc, [lanes, b], ones, mask=valid)
                return carry

            lax.fori_loop(0, steps, step, 0, unroll=4)

            for k in range(nb // 16):
                c = accc[0, pl.ds(k * 16, 16)]
                for r in range(1, 16):
                    c = c + accc[r, pl.ds(k * 16, 16)]
                hist_v[pl.ds(k * 16, 16)] = c
            pltpu.sync_copy(hist_v, shared.at[sid])

        plsc.subcore_barrier()

        @pl.when(jnp.logical_and(cid == 0, sid == 0))
        def _():
            pltpu.sync_copy(shared, tot_v)
            dvec = jnp.full((16,), float(d_cols), jnp.float32)
            for k in range(nb // 16):
                c = tot_v[0, pl.ds(k * 16, 16)]
                for t in range(1, _N_TILES):
                    c = c + tot_v[t, pl.ds(k * 16, 16)]
                out_v[pl.ds(k * 16, 16)] = 1.0 / (dvec * jnp.maximum(c, 1.0))
            pltpu.sync_copy(out_v, out_hbm)

    return cnt_kernel(batch)


def _sums_sc(vals, batch, inv_denom):
    n = vals.shape[0]
    chunk, steps = _chunking(n)
    nb = _BATCH_SIZE

    @functools.partial(
        pl.kernel,
        out_type=jax.ShapeDtypeStruct((nb,), jnp.float32),
        mesh=_sc_mesh(),
        compiler_params=pltpu.CompilerParams(needs_layout_passes=False),
        scratch_types=[
            pltpu.VMEM((chunk,), jnp.float32),
            pltpu.VMEM((chunk,), jnp.int32),
            pltpu.VMEM((16, nb), jnp.float32),
            pltpu.VMEM((2 * nb,), jnp.float32),
            pltpu.VMEM((_N_TILES, 2 * nb), jnp.float32),
            pltpu.VMEM((nb,), jnp.float32),
            pltpu.VMEM((nb,), jnp.float32),
            pltpu.VMEM_SHARED((_N_TILES, 2 * nb), jnp.float32),
        ],
    )
    def sum_kernel(vals_hbm, batch_hbm, inv_hbm, out_hbm,
                   vals_v, batch_v, accs, hist_v, tot_v, inv_v, out_v,
                   shared):
        cid = lax.axis_index("c")
        sid = lax.axis_index("s")
        lanes = lax.iota(jnp.int32, 16)
        zeros16 = jnp.zeros((16,), jnp.float32)

        @pl.when(cid == 0)
        def _():
            own_lo = sid * chunk
            base = jnp.minimum(own_lo, n - chunk)
            pltpu.sync_copy(vals_hbm.at[pl.ds(base, chunk)], vals_v)
            pltpu.sync_copy(batch_hbm.at[pl.ds(base, chunk)], batch_v)
            for r in range(16):
                for k in range(nb // 16):
                    accs[r, pl.ds(k * 16, 16)] = zeros16

            def step(i, carry):
                v = vals_v[pl.ds(i * 16, 16)]
                b = batch_v[pl.ds(i * 16, 16)]
                gidx = base + i * 16 + lanes
                valid = gidx >= own_lo
                plsc.addupdate_scatter(accs, [lanes, b], v, mask=valid)
                return carry

            lax.fori_loop(0, steps, step, 0, unroll=4)

            for k in range(nb // 16):
                s = accs[0, pl.ds(k * 16, 16)]
                for r in range(1, 16):
                    s = s + accs[r, pl.ds(k * 16, 16)]
                hist_v[pl.ds(k * 16, 16)] = s
            pltpu.sync_copy(hist_v, shared.at[sid])

        plsc.subcore_barrier()

        @pl.when(jnp.logical_and(cid == 0, sid == 0))
        def _():
            pltpu.sync_copy(shared, tot_v)
            pltpu.sync_copy(inv_hbm, inv_v)
            for k in range(nb // 16):
                s = tot_v[0, pl.ds(k * 16, 16)]
                for t in range(1, _N_TILES):
                    s = s + tot_v[t, pl.ds(k * 16, 16)]
                out_v[pl.ds(k * 16, 16)] = s * inv_v[pl.ds(k * 16, 16)]
            pltpu.sync_copy(out_v, out_hbm)

    return sum_kernel(vals, batch, inv_denom)


def kernel(pred_v, advection_field, batch):
    n, d = pred_v.shape
    bat = batch.astype(jnp.int32)
    inv_denom = _counts_sc(bat, d)
    rowsums = _rowsums_tc(pred_v, advection_field).reshape(n)
    return _sums_sc(rowsums, bat, inv_denom)

# --- scband reference (transcript-rebuilt; emitter-appended) ---
"""Pipeline reference for scband-flow-matching-loss-62947040690372 (READ-ONLY COPY).

The authoritative reference and input builder live on the scoring server;
editing this copy changes nothing except your own understanding.
"""

import jax, jax.numpy as jnp
import numpy as np

N = 100000
D = 256
BATCH_SIZE = 64


def setup_inputs(seed: int = 0) -> dict:
    key = jax.random.key(seed)
    k1, k2, k3 = jax.random.split(key, 3)
    pred_v = jax.random.normal(k1, (N, D), dtype=jnp.float32)
    advection_field = jax.random.normal(k2, (N, D), dtype=jnp.float32)
    batch = jnp.sort(jax.random.randint(k3, (N,), 0, BATCH_SIZE, dtype=jnp.int64))
    return {"pred_v": pred_v, "advection_field": advection_field, "batch": batch}


def batch_wise_mean(field, batch, batch_size):
    # field: (N,) or (N, D)
    if field.ndim == 2:
        field = jnp.mean(field, axis=1)
    sums = jax.ops.segment_sum(field, batch, num_segments=batch_size)
    counts = jax.ops.segment_sum(jnp.ones_like(field), batch, num_segments=batch_size)
    return sums / jnp.clip(counts, 1.0)


def reference(pred_v, advection_field, batch):
    # FlowMatchingLoss.forward with pred_v = model(graph) precomputed:
    # batch_wise_mean((pred_v - advection_field) ** 2, batch)
    sq_err = (pred_v - advection_field) ** 2
    return batch_wise_mean(sq_err, batch, BATCH_SIZE)

if __name__ == "__main__":
    import jax
    _d = setup_inputs()
    print(jax.jit(kernel)(*tuple(_d.values())))

</pallas_src>

<mosaic_0001>
#map = affine_map<(d0, d1) -> (0)>
module attributes {stable_mosaic.version = 14 : i64} {
  func.func @cnt_kernel(%arg0: i32, %arg1: i32, %arg2: memref<100000xi32, #tpu.memory_space<hbm>>, %arg3: memref<64xf32, #tpu.memory_space<hbm>>, %arg4: memref<6256xi32, #tpu.memory_space<vmem>>, %arg5: memref<16x64xf32, #tpu.memory_space<vmem>>, %arg6: memref<128xf32, #tpu.memory_space<vmem>>, %arg7: memref<16x128xf32, #tpu.memory_space<vmem>>, %arg8: memref<64xf32, #tpu.memory_space<vmem>>, %arg9: memref<16x128xf32, #tpu.memory_space<vmem_shared>>) attributes {dimension_semantics = [#tpu.dimension_semantics<core_parallel>, #tpu.dimension_semantics<subcore_parallel>], iteration_bounds = array<i64: 2, 16>, scalar_prefetch = 0 : i64, scratch_operands = 6 : i64, tpu.core_type = #tpu.core_type<sc_vector_subcore>, window_params = [{transform_indices = #map}, {transform_indices = #map}]} {
    %iota3A = tpu.iota {dimensions = array<i32: 0>} : vector<16xi32>
    %broadcast_in_dim3A = arith.constant 0.000000e+00 : f32
    %broadcast_in_dim3A_0 = vector.broadcast %broadcast_in_dim3A : f32 to vector<16xf32>
    %eq3A = arith.constant 0 : i32
    %eq3A_1 = arith.cmpi eq, %arg0, %eq3A : i32
    %convert_element_type3A = arith.extui %eq3A_1 : i1 to i32
    %cond3A = arith.constant 0 : i32
    %cond3A_2 = arith.cmpi ne, %convert_element_type3A, %cond3A : i32
    scf.if %cond3A_2 {
      %mul3A = arith.constant 6256 : i32
      %mul3A_10 = arith.muli %arg1, %mul3A : i32
      %min3A = arith.constant 93744 : i32
      %min3A_11 = arith.minsi %mul3A_10, %min3A : i32
      "tpu.region"() ({
        %run_scoped3A = tpu.sem_alloc : memref<!tpu.dma_semaphore, #tpu.memory_space<semaphore_mem>>
        %dma_start3A = tpu.memref_slice %arg2[%min3A_11] : memref<100000xi32, #tpu.memory_space<hbm>> -> memref<6256xi32, #tpu.memory_space<hbm>>
        %dma_start3A_634 = tpu.memref_slice %arg2[%min3A_11] : memref<100000xi32, #tpu.memory_space<hbm>> -> memref<6256xi32, #tpu.memory_space<hbm>>
        tpu.enqueue_dma source(%dma_start3A_634 : memref<6256xi32, #tpu.memory_space<hbm>>) target(%arg4 : memref<6256xi32, #tpu.memory_space<vmem>>) target_semaphore(%run_scoped3A : memref<!tpu.dma_semaphore, #tpu.memory_space<semaphore_mem>>)
        %dma_wait3A = tpu.memref_slice %arg2[%min3A_11] : memref<100000xi32, #tpu.memory_space<hbm>> -> memref<6256xi32, #tpu.memory_space<hbm>>
        %dma_wait3A_635 = tpu.memref_slice %arg2[%min3A_11] : memref<100000xi32, #tpu.memory_space<hbm>> -> memref<6256xi32, #tpu.memory_space<hbm>>
        tpu.wait_dma2 semaphore(%run_scoped3A : memref<!tpu.dma_semaphore, #tpu.memory_space<semaphore_mem>>) src(%dma_wait3A_635 : memref<6256xi32, #tpu.memory_space<hbm>>) dst(%arg4 : memref<6256xi32, #tpu.memory_space<vmem>>)
        tpu.yield
      }) : () -> ()
      %swap3A = arith.constant 0 : i32
      %swap3A_12 = arith.index_cast %swap3A : i32 to index
      %swap3A_13 = arith.constant 0 : index
      %swap3A_14 = tpu.vector_load %arg5[%swap3A_12, %swap3A_13] {strides = array<i32>} : memref<16x64xf32, #tpu.memory_space<vmem>>, vector<16xf32>,
      tpu.vector_store %arg5[%swap3A_12, %swap3A_13], %broadcast_in_dim3A_0 {strides = array<i32>} : memref<16x64xf32, #tpu.memory_space<vmem>>, vector<16xf32>,
      %swap3A_15 = arith.constant 0 : i32
      %swap3A_16 = arith.index_cast %swap3A_15 : i32 to index
      %swap3A_17 = arith.constant 16 : index
      %swap3A_18 = tpu.vector_load %arg5[%swap3A_16, %swap3A_17] {strides = array<i32>} : memref<16x64xf32, #tpu.memory_space<vmem>>, vector<16xf32>,
      tpu.vector_store %arg5[%swap3A_16, %swap3A_17], %broadcast_in_dim3A_0 {strides = array<i32>} : memref<16x64xf32, #tpu.memory_space<vmem>>, vector<16xf32>,
      %swap3A_19 = arith.constant 0 : i32
      %swap3A_20 = arith.index_cast %swap3A_19 : i32 to index
      %swap3A_21 = arith.constant 32 : index
      %swap3A_22 = tpu.vector_load %arg5[%swap3A_20, %swap3A_21] {strides = array<i32>} : memref<16x64xf32, #tpu.memory_space<vmem>>, vector<16xf32>,
      tpu.vector_store %arg5[%swap3A_20, %swap3A_21], %broadcast_in_dim3A_0 {strides = array<i32>} : memref<16x64xf32, #tpu.memory_space<vmem>>, vector<16xf32>,
      %swap3A_23 = arith.constant 0 : i32
      %swap3A_24 = arith.index_cast %swap3A_23 : i32 to index
      %swap3A_25 = arith.constant 48 : index
      %swap3A_26 = tpu.vector_load %arg5[%swap3A_24, %swap3A_25] {strides = array<i32>} : memref<16x64xf32, #tpu.memory_space<vmem>>, vector<16xf32>,
      tpu.vector_store %arg5[%swap3A_24, %swap3A_25], %broadcast_in_dim3A_0 {strides = array<i32>} : memref<16x64xf32, #tpu.memory_space<vmem>>, vector<16xf32>,
      %swap3A_27 = arith.constant 1 : i32
      %swap3A_28 = arith.index_cast %swap3A_27 : i32 to index
      %swap3A_29 = arith.constant 0 : index
      %swap3A_30 = tpu.vector_load %arg5[%swap3A_28, %swap3A_29] {strides = array<i32>} : memref<16x64xf32, #tpu.memory_space<vmem>>, vector<16xf32>,
      tpu.vector_store %arg5[%swap3A_28, %swap3A_29], %broadcast_in_dim3A_0 {strides = array<i32>} : memref<16x64xf32, #tpu.memory_space<vmem>>, vector<16xf32>,
      %swap3A_31 = arith.constant 1 : i32
      %swap3A_32 = arith.index_cast %swap3A_31 : i32 to index
      %swap3A_33 = arith.constant 16 : index
      %swap3A_34 = tpu.vector_load %arg5[%swap3A_32, %swap3A_33] {strides = array<i32>} : memref<16x64xf32, #tpu.memory_space<vmem>>, vector<16xf32>,
      tpu.vector_store %arg5[%swap3A_32, %swap3A_33], %broadcast_in_dim3A_0 {strides = array<i32>} : memref<16x64xf32, #tpu.memory_space<vmem>>, vector<16xf32>,
      %swap3A_35 = arith.constant 1 : i32
      %swap3A_36 = arith.index_cast %swap3A_35 : i32 to index
      %swap3A_37 = arith.constant 32 : index
      %swap3A_38 = tpu.vector_load %arg5[%swap3A_36, %swap3A_37] {strides = array<i32>} : memref<16x64xf32, #tpu.memory_space<vmem>>, vector<16xf32>,
      tpu.vector_store %arg5[%swap3A_36, %swap3A_37], %broadcast_in_dim3A_0 {strides = array<i32>} : memref<16x64xf32, #tpu.memory_space<vmem>>, vector<16xf32>,
      %swap3A_39 = arith.constant 1 : i32
      %swap3A_40 = arith.index_cast %swap3A_39 : i32 to index
      %swap3A_41 = arith.constant 48 : index
      %swap3A_42 = tpu.vector_load %arg5[%swap3A_40, %swap3A_41] {strides = array<i32>} : memref<16x64xf32, #tpu.memory_space<vmem>>, vector<16xf32>,
      tpu.vector_store %arg5[%swap3A_40, %swap3A_41], %broadcast_in_dim3A_0 {strides = array<i32>} : memref<16x64xf32, #tpu.memory_space<vmem>>, vector<16xf32>,
      %swap3A_43 = arith.constant 2 : i32
      %swap3A_44 = arith.index_cast %swap3A_43 : i32 to index
      %swap3A_45 = arith.constant 0 : index
      %swap3A_46 = tpu.vector_load %arg5[%swap3A_44, %swap3A_45] {strides = array<i32>} : memref<16x64xf32, #tpu.memory_space<vmem>>, vector<16xf32>,
      tpu.vector_store %arg5[%swap3A_44, %swap3A_45], %broadcast_in_dim3A_0 {strides = array<i32>} : memref<16x64xf32, #tpu.memory_space<vmem>>, vector<16xf32>,
      %swap3A_47 = arith.constant 2 : i32
      %swap3A_48 = arith.index_cast %swap3A_47 : i32 to index
      %swap3A_49 = arith.constant 16 : index
      %swap3A_50 = tpu.vector_load %arg5[%swap3A_48, %swap3A_49] {strides = array<i32>} : memref<16x64xf32, #tpu.memory_space<vmem>>, vector<16xf32>,
      tpu.vector_store %arg5[%swap3A_48, %swap3A_49], %broadcast_in_dim3A_0 {strides = array<i32>} : memref<16x64xf32, #tpu.memory_space<vmem>>, vector<16xf32>,
      %swap3A_51 = arith.constant 2 : i32
      %swap3A_52 = arith.index_cast %swap3A_51 : i32 to index
      %swap3A_53 = arith.constant 32 : index
      %swap3A_54 = tpu.vector_load %arg5[%swap3A_52, %swap3A_53] {strides = array<i32>} : memref<16x64xf32, #tpu.memory_space<vmem>>, vector<16xf32>,
      tpu.vector_store %arg5[%swap3A_52, %swap3A_53], %broadcast_in_dim3A_0 {strides = array<i32>} : memref<16x64xf32, #tpu.memory_space<vmem>>, vector<16xf32>,
      %swap3A_55 = arith.constant 2 : i32
      %swap3A_56 = arith.index_cast %swap3A_55 : i32 to index
      %swap3A_57 = arith.constant 48 : index
      %swap3A_58 = tpu.vector_load %arg5[%swap3A_56, %swap3A_57] {strides = array<i32>} : memref<16x64xf32, #tpu.memory_space<vmem>>, vector<16xf32>,
      tpu.vector_store %arg5[%swap3A_56, %swap3A_57], %broadcast_in_dim3A_0 {strides = array<i32>} : memref<16x64xf32, #tpu.memory_space<vmem>>, vector<16xf32>,
      %swap3A_59 = arith.constant 3 : i32
      %swap3A_60 = arith.index_cast %swap3A_59 : i32 to index
      %swap3A_61 = arith.constant 0 : index
      %swap3A_62 = tpu.vector_load %arg5[%swap3A_60, %swap3A_61] {strides = array<i32>} : memref<16x64xf32, #tpu.memory_space<vmem>>, vector<16xf32>,
      tpu.vector_store %arg5[%swap3A_60, %swap3A_61], %broadcast_in_dim3A_0 {strides = array<i32>} : memref<16x64xf32, #tpu.memory_space<vmem>>, vector<16xf32>,
      %swap3A_63 = arith.constant 3 : i32
      %swap3A_64 = arith.index_cast %swap3A_63 : i32 to index
      %swap3A_65 = arith.constant 16 : index
      %swap3A_66 = tpu.vector_load %arg5[%swap3A_64, %swap3A_65] {strides = array<i32>} : memref<16x64xf32, #tpu.memory_space<vmem>>, vector<16xf32>,
      tpu.vector_store %arg5[%swap3A_64, %swap3A_65], %broadcast_in_dim3A_0 {strides = array<i32>} : memref<16x64xf32, #tpu.memory_space<vmem>>, vector<16xf32>,
      %swap3A_67 = arith.constant 3 : i32
      %swap3A_68 = arith.index_cast %swap3A_67 : i32 to index
      %swap3A_69 = arith.constant 32 : index
      %swap3A_70 = tpu.vector_load %arg5[%swap3A_68, %swap3A_69] {strides = array<i32>} : memref<16x64xf32, #tpu.memory_space<vmem>>, vector<16xf32>,
      tpu.vector_store %arg5[%swap3A_68, %swap3A_69], %broadcast_in_dim3A_0 {strides = array<i32>} : memref<16x64xf32, #tpu.memory_space<vmem>>, vector<16xf32>,
      %swap3A_71 = arith.constant 3 : i32
      %swap3A_72 = arith.index_cast %swap3A_71 : i32 to index
      %swap3A_73 = arith.constant 48 : index
      %swap3A_74 = tpu.vector_load %arg5[%swap3A_72, %swap3A_73] {strides = array<i32>} : memref<16x64xf32, #tpu.memory_space<vmem>>, vector<16xf32>,
      tpu.vector_store %arg5[%swap3A_72, %swap3A_73], %broadcast_in_dim3A_0 {strides = array<i32>} : memref<16x64xf32, #tpu.memory_space<vmem>>, vector<16xf32>,
      %swap3A_75 = arith.constant 4 : i32
      %swap3A_76 = arith.index_cast %swap3A_75 : i32 to index
      %swap3A_77 = arith.constant 0 : index
      %swap3A_78 = tpu.vector_load %arg5[%swap3A_76, %swap3A_77] {strides = array<i32>} : memref<16x64xf32, #tpu.memory_space<vmem>>, vector<16xf32>,
      tpu.vector_store %arg5[%swap3A_76, %swap3A_77], %broadcast_in_dim3A_0 {strides = array<i32>} : memref<16x64xf32, #tpu.memory_space<vmem>>, vector<16xf32>,
      %swap3A_79 = arith.constant 4 : i32
      %swap3A_80 = arith.index_cast %swap3A_79 : i32 to index
      %swap3A_81 = arith.constant 16 : index
      %swap3A_82 = tpu.vector_load %arg5[%swap3A_80, %swap3A_81] {strides = array<i32>} : memref<16x64xf32, #tpu.memory_space<vmem>>, vector<16xf32>,
      tpu.vector_store %arg5[%swap3A_80, %swap3A_81], %broadcast_in_dim3A_0 {strides = array<i32>} : memref<16x64xf32, #tpu.memory_space<vmem>>, vector<16xf32>,
      %swap3A_83 = arith.constant 4 : i32
      %swap3A_84 = arith.index_cast %swap3A_83 : i32 to index
      %swap3A_85 = arith.constant 32 : index
      %swap3A_86 = tpu.vector_load %arg5[%swap3A_84, %swap3A_85] {strides = array<i32>} : memref<16x64xf32, #tpu.memory_space<vmem>>, vector<16xf32>,
      tpu.vector_store %arg5[%swap3A_84, %swap3A_85], %broadcast_in_dim3A_0 {strides = array<i32>} : memref<16x64xf32, #tpu.memory_space<vmem>>, vector<16xf32>,
      %swap3A_87 = arith.constant 4 : i32
      %swap3A_88 = arith.index_cast %swap3A_87 : i32 to index
      %swap3A_89 = arith.constant 48 : index
      %swap3A_90 = tpu.vector_load %arg5[%swap3A_88, %swap3A_89] {strides = array<i32>} : memref<16x64xf32, #tpu.memory_space<vmem>>, vector<16xf32>,
      tpu.vector_store %arg5[%swap3A_88, %swap3A_89], %broadcast_in_dim3A_0 {strides = array<i32>} : memref<16x64xf32, #tpu.memory_space<vmem>>, vector<16xf32>,
      %swap3A_91 = arith.constant 5 : i32
      %swap3A_92 = arith.index_cast %swap3A_91 : i32 to index
      %swap3A_93 = arith.constant 0 : index
      %swap3A_94 = tpu.vector_load %arg5[%swap3A_92, %swap3A_93] {strides = array<i32>} : memref<16x64xf32, #tpu.memory_space<vmem>>, vector<16xf32>,
      tpu.vector_store %arg5[%swap3A_92, %swap3A_93], %broadcast_in_dim3A_0 {strides = array<i32>} : memref<16x64xf32, #tpu.memory_space<vmem>>, vector<16xf32>,
      %swap3A_95 = arith.constant 5 : i32
      %swap3A_96 = arith.index_cast %swap3A_95 : i32 to index
      %swap3A_97 = arith.constant 16 : index
      %swap3A_98 = tpu.vector_load %arg5[%swap3A_96, %swap3A_97] {strides = array<i32>} : memref<16x64xf32, #tpu.memory_space<vmem>>, vector<16xf32>,
      tpu.vector_store %arg5[%swap3A_96, %swap3A_97], %broadcast_in_dim3A_0 {strides = array<i32>} : memref<16x64xf32, #tpu.memory_space<vmem>>, vector<16xf32>,
      %swap3A_99 = arith.constant 5 : i32
      %swap3A_100 = arith.index_cast %swap3A_99 : i32 to index
      %swap3A_101 = arith.constant 32 : index
      %swap3A_102 = tpu.vector_load %arg5[%swap3A_100, %swap3A_101] {strides = array<i32>} : memref<16x64xf32, #tpu.memory_space<vmem>>, vector<16xf32>,
      tpu.vector_store %arg5[%swap3A_100, %swap3A_101], %broadcast_in_dim3A_0 {strides = array<i32>} : memref<16x64xf32, #tpu.memory_space<vmem>>, vector<16xf32>,
      %swap3A_103 = arith.constant 5 : i32
      %swap3A_104 = arith.index_cast %swap3A_103 : i32 to index
      %swap3A_105 = arith.constant 48 : index
      %swap3A_106 = tpu.vector_load %arg5[%swap3A_104, %swap3A_105] {strides = array<i32>} : memref<16x64xf32, #tpu.memory_space<vmem>>, vector<16xf32>,
      tpu.vector_store %arg5[%swap3A_104, %swap3A_105], %broadcast_in_dim3A_0 {strides = array<i32>} : memref<16x64xf32, #tpu.memory_space<vmem>>, vector<16xf32>,
      %swap3A_107 = arith.constant 6 : i32
      %swap3A_108 = arith.index_cast %swap3A_107 : i32 to index
      %swap3A_109 = arith.constant 0 : index
      %swap3A_110 = tpu.vector_load %arg5[%swap3A_108, %swap3A_109] {strides = array<i32>} : memref<16x64xf32, #tpu.memory_space<vmem>>, vector<16xf32>,
      tpu.vector_store %arg5[%swap3A_108, %swap3A_109], %broadcast_in_dim3A_0 {strides = array<i32>} : memref<16x64xf32, #tpu.memory_space<vmem>>, vector<16xf32>,
      %swap3A_111 = arith.constant 6 : i32
      %swap3A_112 = arith.index_cast %swap3A_111 : i32 to index
      %swap3A_113 = arith.constant 16 : index
      %swap3A_114 = tpu.vector_load %arg5[%swap3A_112, %swap3A_113] {strides = array<i32>} : memref<16x64xf32, #tpu.memory_space<vmem>>, vector<16xf32>,
      tpu.vector_store %arg5[%swap3A_112, %swap3A_113], %broadcast_in_dim3A_0 {strides = array<i32>} : memref<16x64xf32, #tpu.memory_space<vmem>>, vector<16xf32>,
      %swap3A_115 = arith.constant 6 : i32
      %swap3A_116 = arith.index_cast %swap3A_115 : i32 to index
      %swap3A_117 = arith.constant 32 : index
      %swap3A_118 = tpu.vector_load %arg5[%swap3A_116, %swap3A_117] {strides = array<i32>} : memref<16x64xf32, #tpu.memory_space<vmem>>, vector<16xf32>,
      tpu.vector_store %arg5[%swap3A_116, %swap3A_117], %broadcast_in_dim3A_0 {strides = array<i32>} : memref<16x64xf32, #tpu.memory_space<vmem>>, vector<16xf32>,
      %swap3A_119 = arith.constant 6 : i32
      %swap3A_120 = arith.index_cast %swap3A_119 : i32 to index
      %swap3A_121 = arith.constant 48 : index
      %swap3A_122 = tpu.vector_load %arg5[%swap3A_120, %swap3A_121] {strides = array<i32>} : memref<16x64xf32, #tpu.memory_space<vmem>>, vector<16xf32>,
      tpu.vector_store %arg5[%swap3A_120, %swap3A_121], %broadcast_in_dim3A_0 {strides = array<i32>} : memref<16x64xf32, #tpu.memory_space<vmem>>, vector<16xf32>,
      %swap3A_123 = arith.constant 7 : i32
      %swap3A_124 = arith.index_cast %swap3A_123 : i32 to index
      %swap3A_125 = arith.constant 0 : index
      %swap3A_126 = tpu.vector_load %arg5[%swap3A_124, %swap3A_125] {strides = array<i32>} : memref<16x64xf32, #tpu.memory_space<vmem>>, vector<16xf32>,
      tpu.vector_store %arg5[%swap3A_124, %swap3A_125], %broadcast_in_dim3A_0 {strides = array<i32>} : memref<16x64xf32, #tpu.memory_space<vmem>>, vector<16xf32>,
      %swap3A_127 = arith.constant 7 : i32
      %swap3A_128 = arith.index_cast %swap3A_127 : i32 to index
      %swap3A_129 = arith.constant 16 : index
      %swap3A_130 = tpu.vector_load %arg5[%swap3A_128, %swap3A_129] {strides = array<i32>} : memref<16x64xf32, #tpu.memory_space<vmem>>, vector<16xf32>,
      tpu.vector_store %arg5[%swap3A_128, %swap3A_129], %broadcast_in_dim3A_0 {strides = array<i32>} : memref<16x64xf32, #tpu.memory_space<vmem>>, vector<16xf32>,
      %swap3A_131 = arith.constant 7 : i32
      %swap3A_132 = arith.index_cast %swap3A_131 : i32 to index
      %swap3A_133 = arith.constant 32 : index
      %swap3A_134 = tpu.vector_load %arg5[%swap3A_132, %swap3A_133] {strides = array<i32>} : memref<16x64xf32, #tpu.memory_space<vmem>>, vector<16xf32>,
      tpu.vector_store %arg5[%swap3A_132, %swap3A_133], %broadcast_in_dim3A_0 {strides = array<i32>} : memref<16x64xf32, #tpu.memory_space<vmem>>, vector<16xf32>,
      %swap3A_135 = arith.constant 7 : i32
      %swap3A_136 = arith.index_cast %swap3A_135 : i32 to index
      %swap3A_137 = arith.constant 48 : index
      %swap3A_138 = tpu.vector_load %arg5[%swap3A_136, %swap3A_137] {strides = array<i32>} : memref<16x64xf32, #tpu.memory_space<vmem>>, vector<16xf32>,
      tpu.vector_store %arg5[%swap3A_136, %swap3A_137], %broadcast_in_dim3A_0 {strides = array<i32>} : memref<16x64xf32, #tpu.memory_space<vmem>>, vector<16xf32>,
      %swap3A_139 = arith.constant 8 : i32
      %swap3A_140 = arith.index_cast %swap3A_139 : i32 to index
      %swap3A_141 = arith.constant 0 : index
      %swap3A_142 = tpu.vector_load %arg5[%swap3A_140, %swap3A_141] {strides = array<i32>} : memref<16x64xf32, #tpu.memory_space<vmem>>, vector<16xf32>,
      tpu.vector_store %arg5[%swap3A_140, %swap3A_141], %broadcast_in_dim3A_0 {strides = array<i32>} : memref<16x64xf32, #tpu.memory_space<vmem>>, vector<16xf32>,
      %swap3A_143 = arith.constant 8 : i32
      %swap3A_144 = arith.index_cast %swap3A_143 : i32 to index
      %swap3A_145 = arith.constant 16 : index
      %swap3A_146 = tpu.vector_load %arg5[%swap3A_144, %swap3A_145] {strides = array<i32>} : memref<16x64xf32, #tpu.memory_space<vmem>>, vector<16xf32>,
      tpu.vector_store %arg5[%swap3A_144, %swap3A_145], %broadcast_in_dim3A_0 {strides = array<i32>} : memref<16x64xf32, #tpu.memory_space<vmem>>, vector<16xf32>,
      %swap3A_147 = arith.constant 8 : i32
      %swap3A_148 = arith.index_cast %swap3A_147 : i32 to index
      %swap3A_149 = arith.constant 32 : index
      %swap3A_150 = tpu.vector_load %arg5[%swap3A_148, %swap3A_149] {strides = array<i32>} : memref<16x64xf32, #tpu.memory_space<vmem>>, vector<16xf32>,
      tpu.vector_store %arg5[%swap3A_148, %swap3A_149], %broadcast_in_dim3A_0 {strides = array<i32>} : memref<16x64xf32, #tpu.memory_space<vmem>>, vector<16xf32>,
      %swap3A_151 = arith.constant 8 : i32
      %swap3A_152 = arith.index_cast %swap3A_151 : i32 to index
      %swap3A_153 = arith.constant 48 : index
      %swap3A_154 = tpu.vector_load %arg5[%swap3A_152, %swap3A_153] {strides = array<i32>} : memref<16x64xf32, #tpu.memory_space<vmem>>, vector<16xf32>,
      tpu.vector_store %arg5[%swap3A_152, %swap3A_153], %broadcast_in_dim3A_0 {strides = array<i32>} : memref<16x64xf32, #tpu.memory_space<vmem>>, vector<16xf32>,
      %swap3A_155 = arith.constant 9 : i32
      %swap3A_156 = arith.index_cast %swap3A_155 : i32 to index
      %swap3A_157 = arith.constant 0 : index
      %swap3A_158 = tpu.vector_load %arg5[%swap3A_156, %swap3A_157] {strides = array<i32>} : memref<16x64xf32, #tpu.memory_space<vmem>>, vector<16xf32>,
      tpu.vector_store %arg5[%swap3A_156, %swap3A_157], %broadcast_in_dim3A_0 {strides = array<i32>} : memref<16x64xf32, #tpu.memory_space<vmem>>, vector<16xf32>,
      %swap3A_159 = arith.constant 9 : i32
      %swap3A_160 = arith.index_cast %swap3A_159 : i32 to index
      %swap3A_161 = arith.constant 16 : index
      %swap3A_162 = tpu.vector_load %arg5[%swap3A_160, %swap3A_161] {strides = array<i32>} : memref<16x64xf32, #tpu.memory_space<vmem>>, vector<16xf32>,
      tpu.vector_store %arg5[%swap3A_160, %swap3A_161], %broadcast_in_dim3A_0 {strides = array<i32>} : memref<16x64xf32, #tpu.memory_space<vmem>>, vector<16xf32>,
      %swap3A_163 = arith.constant 9 : i32
      %swap3A_164 = arith.index_cast %swap3A_163 : i32 to index
      %swap3A_165 = arith.constant 32 : index
      %swap3A_166 = tpu.vector_load %arg5[%swap3A_164, %swap3A_165] {strides = array<i32>} : memref<16x64xf32, #tpu.memory_space<vmem>>, vector<16xf32>,
      tpu.vector_store %arg5[%swap3A_164, %swap3A_165], %broadcast_in_dim3A_0 {strides = array<i32>} : memref<16x64xf32, #tpu.memory_space<vmem>>, vector<16xf32>,
      %swap3A_167 = arith.constant 9 : i32
      %swap3A_168 = arith.index_cast %swap3A_167 : i32 to index
      %swap3A_169 = arith.constant 48 : index
      %swap3A_170 = tpu.vector_load %arg5[%swap3A_168, %swap3A_169] {strides = array<i32>} : memref<16x64xf32, #tpu.memory_space<vmem>>, vector<16xf32>,
      tpu.vector_store %arg5[%swap3A_168, %swap3A_169], %broadcast_in_dim3A_0 {strides = array<i32>} : memref<16x64xf32, #tpu.memory_space<vmem>>, vector<16xf32>,
      %swap3A_171 = arith.constant 10 : i32
      %swap3A_172 = arith.index_cast %swap3A_171 : i32 to index
      %swap3A_173 = arith.constant 0 : index
      %swap3A_174 = tpu.vector_load %arg5[%swap3A_172, %swap3A_173] {strides = array<i32>} : memref<16x64xf32, #tpu.memory_space<vmem>>, vector<16xf32>,
      tpu.vector_store %arg5[%swap3A_172, %swap3A_173], %broadcast_in_dim3A_0 {strides = array<i32>} : memref<16x64xf32, #tpu.memory_space<vmem>>, vector<16xf32>,
      %swap3A_175 = arith.constant 10 : i32
      %swap3A_176 = arith.index_cast %swap3A_175 : i32 to index
      %swap3A_177 = arith.constant 16 : index
      %swap3A_178 = tpu.vector_load %arg5[%swap3A_176, %swap3A_177] {strides = array<i32>} : memref<16x64xf32, #tpu.memory_space<vmem>>, vector<16xf32>,
      tpu.vector_store %arg5[%swap3A_176, %swap3A_177], %broadcast_in_dim3A_0 {strides = array<i32>} : memref<16x64xf32, #tpu.memory_space<vmem>>, vector<16xf32>,
      %swap3A_179 = arith.constant 10 : i32
      %swap3A_180 = arith.index_cast %swap3A_179 : i32 to index
      %swap3A_181 = arith.constant 32 : index
      %swap3A_182 = tpu.vector_load %arg5[%swap3A_180, %swap3A_181] {strides = array<i32>} : memref<16x64xf32, #tpu.memory_space<vmem>>, vector<16xf32>,
      tpu.vector_store %arg5[%swap3A_180, %swap3A_181], %broadcast_in_dim3A_0 {strides = array<i32>} : memref<16x64xf32, #tpu.memory_space<vmem>>, vector<16xf32>,
      %swap3A_183 = arith.constant 10 : i32
      %swap3A_184 = arith.index_cast %swap3A_183 : i32 to index
      %swap3A_185 = arith.constant 48 : index
      %swap3A_186 = tpu.vector_load %arg5[%swap3A_184, %swap3A_185] {strides = array<i32>} : memref<16x64xf32, #tpu.memory_space<vmem>>, vector<16xf32>,
      tpu.vector_store %arg5[%swap3A_184, %swap3A_185], %broadcast_in_dim3A_0 {strides = array<i32>} : memref<16x64xf32, #tpu.memory_space<vmem>>, vector<16xf32>,
      %swap3A_187 = arith.constant 11 : i32
      %swap3A_188 = arith.index_cast %swap3A_187 : i32 to index
      %swap3A_189 = arith.constant 0 : index
      %swap3A_190 = tpu.vector_load %arg5[%swap3A_188, %swap3A_189] {strides = array<i32>} : memref<16x64xf32, #tpu.memory_space<vmem>>, vector<16xf32>,
      tpu.vector_store %arg5[%swap3A_188, %swap3A_189], %broadcast_in_dim3A_0 {strides = array<i32>} : memref<16x64xf32, #tpu.memory_space<vmem>>, vector<16xf32>,
      %swap3A_191 = arith.constant 11 : i32
      %swap3A_192 = arith.index_cast %swap3A_191 : i32 to index
      %swap3A_193 = arith.constant 16 : index
      %swap3A_194 = tpu.vector_load %arg5[%swap3A_192, %swap3A_193] {strides = array<i32>} : memref<16x64xf32, #tpu.memory_space<vmem>>, vector<16xf32>,
      tpu.vector_store %arg5[%swap3A_192, %swap3A_193], %broadcast_in_dim3A_0 {strides = array<i32>} : memref<16x64xf32, #tpu.memory_space<vmem>>, vector<16xf32>,
      %swap3A_195 = arith.constant 11 : i32
      %swap3A_196 = arith.index_cast %swap3A_195 : i32 to index
      %swap3A_197 = arith.constant 32 : index
      %swap3A_198 = tpu.vector_load %arg5[%swap3A_196, %swap3A_197] {strides = array<i32>} : memref<16x64xf32, #tpu.memory_space<vmem>>, vector<16xf32>,
      tpu.vector_store %arg5[%swap3A_196, %swap3A_197], %broadcast_in_dim3A_0 {strides = array<i32>} : memref<16x64xf32, #tpu.memory_space<vmem>>, vector<16xf32>,
      %swap3A_199 = arith.constant 11 : i32
      %swap3A_200 = arith.index_cast %swap3A_199 : i32 to index
      %swap3A_201 = arith.constant 48 : index
      %swap3A_202 = tpu.vector_load %arg5[%swap3A_200, %swap3A_201] {strides = array<i32>} : memref<16x64xf32, #tpu.memory_space<vmem>>, vector<16xf32>,
      tpu.vector_store %arg5[%swap3A_200, %swap3A_201], %broadcast_in_dim3A_0 {strides = array<i32>} : memref<16x64xf32, #tpu.memory_space<vmem>>, vector<16xf32>,
      %swap3A_203 = arith.constant 12 : i32
      %swap3A_204 = arith.index_cast %swap3A_203 : i32 to index
      %swap3A_205 = arith.constant 0 : index
      %swap3A_206 = tpu.vector_load %arg5[%swap3A_204, %swap3A_205] {strides = array<i32>} : memref<16x64xf32, #tpu.memory_space<vmem>>, vector<16xf32>,
      tpu.vector_store %arg5[%swap3A_204, %swap3A_205], %broadcast_in_dim3A_0 {strides = array<i32>} : memref<16x64xf32, #tpu.memory_space<vmem>>, vector<16xf32>,
      %swap3A_207 = arith.constant 12 : i32
      %swap3A_208 = arith.index_cast %swap3A_207 : i32 to index
      %swap3A_209 = arith.constant 16 : index
      %swap3A_210 = tpu.vector_load %arg5[%swap3A_208, %swap3A_209] {strides = array<i32>} : memref<16x64xf32, #tpu.memory_space<vmem>>, vector<16xf32>,
      tpu.vector_store %arg5[%swap3A_208, %swap3A_209], %broadcast_in_dim3A_0 {strides = array<i32>} : memref<16x64xf32, #tpu.memory_space<vmem>>, vector<16xf32>,
      %swap3A_211 = arith.constant 12 : i32
      %swap3A_212 = arith.index_cast %swap3A_211 : i32 to index
      %swap3A_213 = arith.constant 32 : index
      %swap3A_214 = tpu.vector_load %arg5[%swap3A_212, %swap3A_213] {strides = array<i32>} : memref<16x64xf32, #tpu.memory_space<vmem>>, vector<16xf32>,
      tpu.vector_store %arg5[%swap3A_212, %swap3A_213], %broadcast_in_dim3A_0 {strides = array<i32>} : memref<16x64xf32, #tpu.memory_space<vmem>>, vector<16xf32>,
      %swap3A_215 = arith.constant 12 : i32
      %swap3A_216 = arith.index_cast %swap3A_215 : i32 to index
      %swap3A_217 = arith.constant 48 : index
      %swap3A_218 = tpu.vector_load %arg5[%swap3A_216, %swap3A_217] {strides = array<i32>} : memref<16x64xf32, #tpu.memory_space<vmem>>, vector<16xf32>,
      tpu.vector_store %arg5[%swap3A_216, %swap3A_217], %broadcast_in_dim3A_0 {strides = array<i32>} : memref<16x64xf32, #tpu.memory_space<vmem>>, vector<16xf32>,
      %swap3A_219 = arith.constant 13 : i32
      %swap3A_220 = arith.index_cast %swap3A_219 : i32 to index
      %swap3A_221 = arith.constant 0 : index
      %swap3A_222 = tpu.vector_load %arg5[%swap3A_220, %swap3A_221] {strides = array<i32>} : memref<16x64xf32, #tpu.memory_space<vmem>>, vector<16xf32>,
      tpu.vector_store %arg5[%swap3A_220, %swap3A_221], %broadcast_in_dim3A_0 {strides = array<i32>} : memref<16x64xf32, #tpu.memory_space<vmem>>, vector<16xf32>,
      %swap3A_223 = arith.constant 13 : i32
      %swap3A_224 = arith.index_cast %swap3A_223 : i32 to index
      %swap3A_225 = arith.constant 16 : index
      %swap3A_226 = tpu.vector_load %arg5[%swap3A_224, %swap3A_225] {strides = array<i32>} : memref<16x64xf32, #tpu.memory_space<vmem>>, vector<16xf32>,
      tpu.vector_store %arg5[%swap3A_224, %swap3A_225], %broadcast_in_dim3A_0 {strides = array<i32>} : memref<16x64xf32, #tpu.memory_space<vmem>>, vector<16xf32>,
      %swap3A_227 = arith.constant 13 : i32
      %swap3A_228 = arith.index_cast %swap3A_227 : i32 to index
      %swap3A_229 = arith.constant 32 : index
      %swap3A_230 = tpu.vector_load %arg5[%swap3A_228, %swap3A_229] {strides = array<i32>} : memref<16x64xf32, #tpu.memory_space<vmem>>, vector<16xf32>,
      tpu.vector_store %arg5[%swap3A_228, %swap3A_229], %broadcast_in_dim3A_0 {strides = array<i32>} : memref<16x64xf32, #tpu.memory_space<vmem>>, vector<16xf32>,
      %swap3A_231 = arith.constant 13 : i32
      %swap3A_232 = arith.index_cast %swap3A_231 : i32 to index
      %swap3A_233 = arith.constant 48 : index
      %swap3A_234 = tpu.vector_load %arg5[%swap3A_232, %swap3A_233] {strides = array<i32>} : memref<16x64xf32, #tpu.memory_space<vmem>>, vector<16xf32>,
      tpu.vector_store %arg5[%swap3A_232, %swap3A_233], %broadcast_in_dim3A_0 {strides = array<i32>} : memref<16x64xf32, #tpu.memory_space<vmem>>, vector<16xf32>,
      %swap3A_235 = arith.constant 14 : i32
      %swap3A_236 = arith.index_cast %swap3A_235 : i32 to index
      %swap3A_237 = arith.constant 0 : index
      %swap3A_238 = tpu.vector_load %arg5[%swap3A_236, %swap3A_237] {strides = array<i32>} : memref<16x64xf32, #tpu.memory_space<vmem>>, vector<16xf32>,
      tpu.vector_store %arg5[%swap3A_236, %swap3A_237], %broadcast_in_dim3A_0 {strides = array<i32>} : memref<16x64xf32, #tpu.memory_space<vmem>>, vector<16xf32>,
      %swap3A_239 = arith.constant 14 : i32
      %swap3A_240 = arith.index_cast %swap3A_239 : i32 to index
      %swap3A_241 = arith.constant 16 : index
      %swap3A_242 = tpu.vector_load %arg5[%swap3A_240, %swap3A_241] {strides = array<i32>} : memref<16x64xf32, #tpu.memory_space<vmem>>, vector<16xf32>,
      tpu.vector_store %arg5[%swap3A_240, %swap3A_241], %broadcast_in_dim3A_0 {strides = array<i32>} : memref<16x64xf32, #tpu.memory_space<vmem>>, vector<16xf32>,
      %swap3A_243 = arith.constant 14 : i32
      %swap3A_244 = arith.index_cast %swap3A_243 : i32 to index
      %swap3A_245 = arith.constant 32 : index
      %swap3A_246 = tpu.vector_load %arg5[%swap3A_244, %swap3A_245] {strides = array<i32>} : memref<16x64xf32, #tpu.memory_space<vmem>>, vector<16xf32>,
      tpu.vector_store %arg5[%swap3A_244, %swap3A_245], %broadcast_in_dim3A_0 {strides = array<i32>} : memref<16x64xf32, #tpu.memory_space<vmem>>, vector<16xf32>,
      %swap3A_247 = arith.constant 14 : i32
      %swap3A_248 = arith.index_cast %swap3A_247 : i32 to index
      %swap3A_249 = arith.constant 48 : index
      %swap3A_250 = tpu.vector_load %arg5[%swap3A_248, %swap3A_249] {strides = array<i32>} : memref<16x64xf32, #tpu.memory_space<vmem>>, vector<16xf32>,
      tpu.vector_store %arg5[%swap3A_248, %swap3A_249], %broadcast_in_dim3A_0 {strides = array<i32>} : memref<16x64xf32, #tpu.memory_space<vmem>>, vector<16xf32>,
      %swap3A_251 = arith.constant 15 : i32
      %swap3A_252 = arith.index_cast %swap3A_251 : i32 to index
      %swap3A_253 = arith.constant 0 : index
      %swap3A_254 = tpu.vector_load %arg5[%swap3A_252, %swap3A_253] {strides = array<i32>} : memref<16x64xf32, #tpu.memory_space<vmem>>, vector<16xf32>,
      tpu.vector_store %arg5[%swap3A_252, %swap3A_253], %broadcast_in_dim3A_0 {strides = array<i32>} : memref<16x64xf32, #tpu.memory_space<vmem>>, vector<16xf32>,
      %swap3A_255 = arith.constant 15 : i32
      %swap3A_256 = arith.index_cast %swap3A_255 : i32 to index
      %swap3A_257 = arith.constant 16 : index
      %swap3A_258 = tpu.vector_load %arg5[%swap3A_256, %swap3A_257] {strides = array<i32>} : memref<16x64xf32, #tpu.memory_space<vmem>>, vector<16xf32>,
      tpu.vector_store %arg5[%swap3A_256, %swap3A_257], %broadcast_in_dim3A_0 {strides = array<i32>} : memref<16x64xf32, #tpu.memory_space<vmem>>, vector<16xf32>,
      %swap3A_259 = arith.constant 15 : i32
      %swap3A_260 = arith.index_cast %swap3A_259 : i32 to index
      %swap3A_261 = arith.constant 32 : index
      %swap3A_262 = tpu.vector_load %arg5[%swap3A_260, %swap3A_261] {strides = array<i32>} : memref<16x64xf32, #tpu.memory_space<vmem>>, vector<16xf32>,
      tpu.vector_store %arg5[%swap3A_260, %swap3A_261], %broadcast_in_dim3A_0 {strides = array<i32>} : memref<16x64xf32, #tpu.memory_space<vmem>>, vector<16xf32>,
      %swap3A_263 = arith.constant 15 : i32
      %swap3A_264 = arith.index_cast %swap3A_263 : i32 to index
      %swap3A_265 = arith.constant 48 : index
      %swap3A_266 = tpu.vector_load %arg5[%swap3A_264, %swap3A_265] {strides = array<i32>} : memref<16x64xf32, #tpu.memory_space<vmem>>, vector<16xf32>,
      tpu.vector_store %arg5[%swap3A_264, %swap3A_265], %broadcast_in_dim3A_0 {strides = array<i32>} : memref<16x64xf32, #tpu.memory_space<vmem>>, vector<16xf32>,
      %broadcast_in_dim3A_267 = arith.constant 1.000000e+00 : f32
      %broadcast_in_dim3A_268 = vector.broadcast %broadcast_in_dim3A_267 : f32 to vector<16xf32>
      %scan3A = arith.constant 0 : i32
      %scan3A_269 = arith.constant 0 : i32
      %scan3A_270 = arith.constant 388 : i32
      %scan3A_271 = arith.addi %scan3A_269, %scan3A_270 : i32
      %scan3A_272 = arith.constant 4 : i32
      scf.for %scan3A_634 = %scan3A_269 to %scan3A_271 step %scan3A_272  : i32 {
        %mul3A_635 = arith.constant 16 : i32
        %mul3A_636 = arith.muli %scan3A_634, %mul3A_635 : i32
        %get3A_637 = arith.index_cast %mul3A_636 : i32 to index
        %get3A_638 = tpu.vector_load %arg4[%get3A_637] {strides = array<i32>} : memref<6256xi32, #tpu.memory_space<vmem>>, vector<16xi32>,
        %mul3A_639 = arith.constant 16 : i32
        %mul3A_640 = arith.muli %scan3A_634, %mul3A_639 : i32
        %add3A_641 = arith.addi %min3A_11, %mul3A_640 : i32
        %add3A_642 = vector.broadcast %add3A_641 : i32 to vector<16xi32>
        %add3A_643 = arith.addi %add3A_642, %iota3A : vector<16xi32>
        %ge3A_644 = vector.broadcast %mul3A_10 : i32 to vector<16xi32>
        %ge3A_645 = arith.cmpi sge, %add3A_643, %ge3A_644 : vector<16xi32>
        tpu.vector_store_idx %arg5[%iota3A, %get3A_638], %broadcast_in_dim3A_268 masked %ge3A_645 {add = true} : memref<16x64xf32, #tpu.memory_space<vmem>>[vector<16xi32>, vector<16xi32>], vector<16xf32>, vector<16xi1>
        %scan3A_646 = arith.constant 1 : i32
        %scan3A_647 = arith.addi %scan3A_634, %scan3A_646 : i32
        %mul3A_648 = arith.constant 16 : i32
        %mul3A_649 = arith.muli %scan3A_647, %mul3A_648 : i32
        %get3A_650 = arith.index_cast %mul3A_649 : i32 to index
        %get3A_651 = tpu.vector_load %arg4[%get3A_650] {strides = array<i32>} : memref<6256xi32, #tpu.memory_space<vmem>>, vector<16xi32>,
        %mul3A_652 = arith.constant 16 : i32
        %mul3A_653 = arith.muli %scan3A_647, %mul3A_652 : i32
        %add3A_654 = arith.addi %min3A_11, %mul3A_653 : i32
        %add3A_655 = vector.broadcast %add3A_654 : i32 to vector<16xi32>
        %add3A_656 = arith.addi %add3A_655, %iota3A : vector<16xi32>
        %ge3A_657 = vector.broadcast %mul3A_10 : i32 to vector<16xi32>
        %ge3A_658 = arith.cmpi sge, %add3A_656, %ge3A_657 : vector<16xi32>
        tpu.vector_store_idx %arg5[%iota3A, %get3A_651], %broadcast_in_dim3A_268 masked %ge3A_658 {add = true} : memref<16x64xf32, #tpu.memory_space<vmem>>[vector<16xi32>, vector<16xi32>], vector<16xf32>, vector<16xi1>
        %scan3A_659 = arith.constant 2 : i32
        %scan3A_660 = arith.addi %scan3A_634, %scan3A_659 : i32
        %mul3A_661 = arith.constant 16 : i32
        %mul3A_662 = arith.muli %scan3A_660, %mul3A_661 : i32
        %get3A_663 = arith.index_cast %mul3A_662 : i32 to index
        %get3A_664 = tpu.vector_load %arg4[%get3A_663] {strides = array<i32>} : memref<6256xi32, #tpu.memory_space<vmem>>, vector<16xi32>,
        %mul3A_665 = arith.constant 16 : i32
        %mul3A_666 = arith.muli %scan3A_660, %mul3A_665 : i32
        %add3A_667 = arith.addi %min3A_11, %mul3A_666 : i32
        %add3A_668 = vector.broadcast %add3A_667 : i32 to vector<16xi32>
        %add3A_669 = arith.addi %add3A_668, %iota3A : vector<16xi32>
        %ge3A_670 = vector.broadcast %mul3A_10 : i32 to vector<16xi32>
        %ge3A_671 = arith.cmpi sge, %add3A_669, %ge3A_670 : vector<16xi32>
        tpu.vector_store_idx %arg5[%iota3A, %get3A_664], %broadcast_in_dim3A_268 masked %ge3A_671 {add = true} : memref<16x64xf32, #tpu.memory_space<vmem>>[vector<16xi32>, vector<16xi32>], vector<16xf32>, vector<16xi1>
        %scan3A_672 = arith.constant 3 : i32
        %scan3A_673 = arith.addi %scan3A_634, %scan3A_672 : i32
        %mul3A_674 = arith.constant 16 : i32
        %mul3A_675 = arith.muli %scan3A_673, %mul3A_674 : i32
        %get3A_676 = arith.index_cast %mul3A_675 : i32 to index
        %get3A_677 = tpu.vector_load %arg4[%get3A_676] {strides = array<i32>} : memref<6256xi32, #tpu.memory_space<vmem>>, vector<16xi32>,
        %mul3A_678 = arith.constant 16 : i32
        %mul3A_679 = arith.muli %scan3A_673, %mul3A_678 : i32
        %add3A_680 = arith.addi %min3A_11, %mul3A_679 : i32
        %add3A_681 = vector.broadcast %add3A_680 : i32 to vector<16xi32>
        %add3A_682 = arith.addi %add3A_681, %iota3A : vector<16xi32>
        %ge3A_683 = vector.broadcast %mul3A_10 : i32 to vector<16xi32>
        %ge3A_684 = arith.cmpi sge, %add3A_682, %ge3A_683 : vector<16xi32>
        tpu.vector_store_idx %arg5[%iota3A, %get3A_677], %broadcast_in_dim3A_268 masked %ge3A_684 {add = true} : memref<16x64xf32, #tpu.memory_space<vmem>>[vector<16xi32>, vector<16xi32>], vector<16xf32>, vector<16xi1>
      }
      %scan3A_273 = arith.constant 388 : i32
      %scan3A_274 = arith.addi %scan3A_269, %scan3A_273 : i32
      %mul3A_275 = arith.constant 16 : i32
      %mul3A_276 = arith.muli %scan3A_274, %mul3A_275 : i32
      %get3A = arith.index_cast %mul3A_276 : i32 to index
      %get3A_277 = tpu.vector_load %arg4[%get3A] {strides = array<i32>} : memref<6256xi32, #tpu.memory_space<vmem>>, vector<16xi32>,
      %mul3A_278 = arith.constant 16 : i32
      %mul3A_279 = arith.muli %scan3A_274, %mul3A_278 : i32
      %add3A = arith.addi %min3A_11, %mul3A_279 : i32
      %add3A_280 = vector.broadcast %add3A : i32 to vector<16xi32>
      %add3A_281 = arith.addi %add3A_280, %iota3A : vector<16xi32>
      %ge3A = vector.broadcast %mul3A_10 : i32 to vector<16xi32>
      %ge3A_282 = arith.cmpi sge, %add3A_281, %ge3A : vector<16xi32>
      tpu.vector_store_idx %arg5[%iota3A, %get3A_277], %broadcast_in_dim3A_268 masked %ge3A_282 {add = true} : memref<16x64xf32, #tpu.memory_space<vmem>>[vector<16xi32>, vector<16xi32>], vector<16xf32>, vector<16xi1>
      %scan3A_283 = arith.constant 389 : i32
      %scan3A_284 = arith.addi %scan3A_269, %scan3A_283 : i32
      %mul3A_285 = arith.constant 16 : i32
      %mul3A_286 = arith.muli %scan3A_284, %mul3A_285 : i32
      %get3A_287 = arith.index_cast %mul3A_286 : i32 to index
      %get3A_288 = tpu.vector_load %arg4[%get3A_287] {strides = array<i32>} : memref<6256xi32, #tpu.memory_space<vmem>>, vector<16xi32>,
      %mul3A_289 = arith.constant 16 : i32
      %mul3A_290 = arith.muli %scan3A_284, %mul3A_289 : i32
      %add3A_291 = arith.addi %min3A_11, %mul3A_290 : i32
      %add3A_292 = vector.broadcast %add3A_291 : i32 to vector<16xi32>
      %add3A_293 = arith.addi %add3A_292, %iota3A : vector<16xi32>
      %ge3A_294 = vector.broadcast %mul3A_10 : i32 to vector<16xi32>
      %ge3A_295 = arith.cmpi sge, %add3A_293, %ge3A_294 : vector<16xi32>
      tpu.vector_store_idx %arg5[%iota3A, %get3A_288], %broadcast_in_dim3A_268 masked %ge3A_295 {add = true} : memref<16x64xf32, #tpu.memory_space<vmem>>[vector<16xi32>, vector<16xi32>], vector<16xf32>, vector<16xi1>
      %scan3A_296 = arith.constant 390 : i32
      %scan3A_297 = arith.addi %scan3A_269, %scan3A_296 : i32
      %mul3A_298 = arith.constant 16 : i32
      %mul3A_299 = arith.muli %scan3A_297, %mul3A_298 : i32
      %get3A_300 = arith.index_cast %mul3A_299 : i32 to index
      %get3A_301 = tpu.vector_load %arg4[%get3A_300] {strides = array<i32>} : memref<6256xi32, #tpu.memory_space<vmem>>, vector<16xi32>,
      %mul3A_302 = arith.constant 16 : i32
      %mul3A_303 = arith.muli %scan3A_297, %mul3A_302 : i32
      %add3A_304 = arith.addi %min3A_11, %mul3A_303 : i32
      %add3A_305 = vector.broadcast %add3A_304 : i32 to vector<16xi32>
      %add3A_306 = arith.addi %add3A_305, %iota3A : vector<16xi32>
      %ge3A_307 = vector.broadcast %mul3A_10 : i32 to vector<16xi32>
      %ge3A_308 = arith.cmpi sge, %add3A_306, %ge3A_307 : vector<16xi32>
      tpu.vector_store_idx %arg5[%iota3A, %get3A_301], %broadcast_in_dim3A_268 masked %ge3A_308 {add = true} : memref<16x64xf32, #tpu.memory_space<vmem>>[vector<16xi32>, vector<16xi32>], vector<16xf32>, vector<16xi1>
      %scan3A_309 = arith.constant 391 : i32
      %get3A_310 = arith.constant 0 : i32
      %get3A_311 = arith.index_cast %get3A_310 : i32 to index
      %get3A_312 = arith.constant 0 : index
      %get3A_313 = tpu.vector_load %arg5[%get3A_311, %get3A_312] {strides = array<i32>} : memref<16x64xf32, #tpu.memory_space<vmem>>, vector<16xf32>,
      %get3A_314 = arith.constant 1 : i32
      %get3A_315 = arith.index_cast %get3A_314 : i32 to index
      %get3A_316 = arith.constant 0 : index
      %get3A_317 = tpu.vector_load %arg5[%get3A_315, %get3A_316] {strides = array<i32>} : memref<16x64xf32, #tpu.memory_space<vmem>>, vector<16xf32>,
      %add3A_318 = arith.addf %get3A_313, %get3A_317 : vector<16xf32>
      %get3A_319 = arith.constant 2 : i32
      %get3A_320 = arith.index_cast %get3A_319 : i32 to index
      %get3A_321 = arith.constant 0 : index
      %get3A_322 = tpu.vector_load %arg5[%get3A_320, %get3A_321] {strides = array<i32>} : memref<16x64xf32, #tpu.memory_space<vmem>>, vector<16xf32>,
      %add3A_323 = arith.addf %add3A_318, %get3A_322 : vector<16xf32>
      %get3A_324 = arith.constant 3 : i32
      %get3A_325 = arith.index_cast %get3A_324 : i32 to index
      %get3A_326 = arith.constant 0 : index
      %get3A_327 = tpu.vector_load %arg5[%get3A_325, %get3A_326] {strides = array<i32>} : memref<16x64xf32, #tpu.memory_space<vmem>>, vector<16xf32>,
      %add3A_328 = arith.addf %add3A_323, %get3A_327 : vector<16xf32>
      %get3A_329 = arith.constant 4 : i32
      %get3A_330 = arith.index_cast %get3A_329 : i32 to index
      %get3A_331 = arith.constant 0 : index
      %get3A_332 = tpu.vector_load %arg5[%get3A_330, %get3A_331] {strides = array<i32>} : memref<16x64xf32, #tpu.memory_space<vmem>>, vector<16xf32>,
      %add3A_333 = arith.addf %add3A_328, %get3A_332 : vector<16xf32>
      %get3A_334 = arith.constant 5 : i32
      %get3A_335 = arith.index_cast %get3A_334 : i32 to index
      %get3A_336 = arith.constant 0 : index
      %get3A_337 = tpu.vector_load %arg5[%get3A_335, %get3A_336] {strides = array<i32>} : memref<16x64xf32, #tpu.memory_space<vmem>>, vector<16xf32>,
      %add3A_338 = arith.addf %add3A_333, %get3A_337 : vector<16xf32>
      %get3A_339 = arith.constant 6 : i32
      %get3A_340 = arith.index_cast %get3A_339 : i32 to index
      %get3A_341 = arith.constant 0 : index
      %get3A_342 = tpu.vector_load %arg5[%get3A_340, %get3A_341] {strides = array<i32>} : memref<16x64xf32, #tpu.memory_space<vmem>>, vector<16xf32>,
      %add3A_343 = arith.addf %add3A_338, %get3A_342 : vector<16xf32>
      %get3A_344 = arith.constant 7 : i32
      %get3A_345 = arith.index_cast %get3A_344 : i32 to index
      %get3A_346 = arith.constant 0 : index
      %get3A_347 = tpu.vector_load %arg5[%get3A_345, %get3A_346] {strides = array<i32>} : memref<16x64xf32, #tpu.memory_space<vmem>>, vector<16xf32>,
      %add3A_348 = arith.addf %add3A_343, %get3A_347 : vector<16xf32>
      %get3A_349 = arith.constant 8 : i32
      %get3A_350 = arith.index_cast %get3A_349 : i32 to index
      %get3A_351 = arith.constant 0 : index
      %get3A_352 = tpu.vector_load %arg5[%get3A_350, %get3A_351] {strides = array<i32>} : memref<16x64xf32, #tpu.memory_space<vmem>>, vector<16xf32>,
      %add3A_353 = arith.addf %add3A_348, %get3A_352 : vector<16xf32>
      %get3A_354 = arith.constant 9 : i32
      %get3A_355 = arith.index_cast %get3A_354 : i32 to index
      %get3A_356 = arith.constant 0 : index
      %get3A_357 = tpu.vector_load %arg5[%get3A_355, %get3A_356] {strides = array<i32>} : memref<16x64xf32, #tpu.memory_space<vmem>>, vector<16xf32>,
      %add3A_358 = arith.addf %add3A_353, %get3A_357 : vector<16xf32>
      %get3A_359 = arith.constant 10 : i32
      %get3A_360 = arith.index_cast %get3A_359 : i32 to index
      %get3A_361 = arith.constant 0 : index
      %get3A_362 = tpu.vector_load %arg5[%get3A_360, %get3A_361] {strides = array<i32>} : memref<16x64xf32, #tpu.memory_space<vmem>>, vector<16xf32>,
      %add3A_363 = arith.addf %add3A_358, %get3A_362 : vector<16xf32>
      %get3A_364 = arith.constant 11 : i32
      %get3A_365 = arith.index_cast %get3A_364 : i32 to index
      %get3A_366 = arith.constant 0 : index
      %get3A_367 = tpu.vector_load %arg5[%get3A_365, %get3A_366] {strides = array<i32>} : memref<16x64xf32, #tpu.memory_space<vmem>>, vector<16xf32>,
      %add3A_368 = arith.addf %add3A_363, %get3A_367 : vector<16xf32>
      %get3A_369 = arith.constant 12 : i32
      %get3A_370 = arith.index_cast %get3A_369 : i32 to index
      %get3A_371 = arith.constant 0 : index
      %get3A_372 = tpu.vector_load %arg5[%get3A_370, %get3A_371] {strides = array<i32>} : memref<16x64xf32, #tpu.memory_space<vmem>>, vector<16xf32>,
      %add3A_373 = arith.addf %add3A_368, %get3A_372 : vector<16xf32>
      %get3A_374 = arith.constant 13 : i32
      %get3A_375 = arith.index_cast %get3A_374 : i32 to index
      %get3A_376 = arith.constant 0 : index
      %get3A_377 = tpu.vector_load %arg5[%get3A_375, %get3A_376] {strides = array<i32>} : memref<16x64xf32, #tpu.memory_space<vmem>>, vector<16xf32>,
      %add3A_378 = arith.addf %add3A_373, %get3A_377 : vector<16xf32>
      %get3A_379 = arith.constant 14 : i32
      %get3A_380 = arith.index_cast %get3A_379 : i32 to index
      %get3A_381 = arith.constant 0 : index
      %get3A_382 = tpu.vector_load %arg5[%get3A_380, %get3A_381] {strides = array<i32>} : memref<16x64xf32, #tpu.memory_space<vmem>>, vector<16xf32>,
      %add3A_383 = arith.addf %add3A_378, %get3A_382 : vector<16xf32>
      %get3A_384 = arith.constant 15 : i32
      %get3A_385 = arith.index_cast %get3A_384 : i32 to index
      %get3A_386 = arith.constant 0 : index
      %get3A_387 = tpu.vector_load %arg5[%get3A_385, %get3A_386] {strides = array<i32>} : memref<16x64xf32, #tpu.memory_space<vmem>>, vector<16xf32>,
      %add3A_388 = arith.addf %add3A_383, %get3A_387 : vector<16xf32>
      %swap3A_389 = arith.constant 0 : index
      %swap3A_390 = tpu.vector_load %arg6[%swap3A_389] {strides = array<i32>} : memref<128xf32, #tpu.memory_space<vmem>>, vector<16xf32>,
      tpu.vector_store %arg6[%swap3A_389], %add3A_388 {strides = array<i32>} : memref<128xf32, #tpu.memory_space<vmem>>, vector<16xf32>,
      %get3A_391 = arith.constant 0 : i32
      %get3A_392 = arith.index_cast %get3A_391 : i32 to index
      %get3A_393 = arith.constant 16 : index
      %get3A_394 = tpu.vector_load %arg5[%get3A_392, %get3A_393] {strides = array<i32>} : memref<16x64xf32, #tpu.memory_space<vmem>>, vector<16xf32>,
      %get3A_395 = arith.constant 1 : i32
      %get3A_396 = arith.index_cast %get3A_395 : i32 to index
      %get3A_397 = arith.constant 16 : index
      %get3A_398 = tpu.vector_load %arg5[%get3A_396, %get3A_397] {strides = array<i32>} : memref<16x64xf32, #tpu.memory_space<vmem>>, vector<16xf32>,
      %add3A_399 = arith.addf %get3A_394, %get3A_398 : vector<16xf32>
      %get3A_400 = arith.constant 2 : i32
      %get3A_401 = arith.index_cast %get3A_400 : i32 to index
      %get3A_402 = arith.constant 16 : index
      %get3A_403 = tpu.vector_load %arg5[%get3A_401, %get3A_402] {strides = array<i32>} : memref<16x64xf32, #tpu.memory_space<vmem>>, vector<16xf32>,
      %add3A_404 = arith.addf %add3A_399, %get3A_403 : vector<16xf32>
      %get3A_405 = arith.constant 3 : i32
      %get3A_406 = arith.index_cast %get3A_405 : i32 to index
      %get3A_407 = arith.constant 16 : index
      %get3A_408 = tpu.vector_load %arg5[%get3A_406, %get3A_407] {strides = array<i32>} : memref<16x64xf32, #tpu.memory_space<vmem>>, vector<16xf32>,
      %add3A_409 = arith.addf %add3A_404, %get3A_408 : vector<16xf32>
      %get3A_410 = arith.constant 4 : i32
      %get3A_411 = arith.index_cast %get3A_410 : i32 to index
      %get3A_412 = arith.constant 16 : index
      %get3A_413 = tpu.vector_load %arg5[%get3A_411, %get3A_412] {strides = array<i32>} : memref<16x64xf32, #tpu.memory_space<vmem>>, vector<16xf32>,
      %add3A_414 = arith.addf %add3A_409, %get3A_413 : vector<16xf32>
      %get3A_415 = arith.constant 5 : i32
      %get3A_416 = arith.index_cast %get3A_415 : i32 to index
      %get3A_417 = arith.constant 16 : index
      %get3A_418 = tpu.vector_load %arg5[%get3A_416, %get3A_417] {strides = array<i32>} : memref<16x64xf32, #tpu.memory_space<vmem>>, vector<16xf32>,
      %add3A_419 = arith.addf %add3A_414, %get3A_418 : vector<16xf32>
      %get3A_420 = arith.constant 6 : i32
      %get3A_421 = arith.index_cast %get3A_420 : i32 to index
      %get3A_422 = arith.constant 16 : index
      %get3A_423 = tpu.vector_load %arg5[%get3A_421, %get3A_422] {strides = array<i32>} : memref<16x64xf32, #tpu.memory_space<vmem>>, vector<16xf32>,
      %add3A_424 = arith.addf %add3A_419, %get3A_423 : vector<16xf32>
      %get3A_425 = arith.constant 7 : i32
      %get3A_426 = arith.index_cast %get3A_425 : i32 to index
      %get3A_427 = arith.constant 16 : index
      %get3A_428 = tpu.vector_load %arg5[%get3A_426, %get3A_427] {strides = array<i32>} : memref<16x64xf32, #tpu.memory_space<vmem>>, vector<16xf32>,
      %add3A_429 = arith.addf %add3A_424, %get3A_428 : vector<16xf32>
      %get3A_430 = arith.constant 8 : i32
      %get3A_431 = arith.index_cast %get3A_430 : i32 to index
      %get3A_432 = arith.constant 16 : index
      %get3A_433 = tpu.vector_load %arg5[%get3A_431, %get3A_432] {strides = array<i32>} : memref<16x64xf32, #tpu.memory_space<vmem>>, vector<16xf32>,
      %add3A_434 = arith.addf %add3A_429, %get3A_433 : vector<16xf32>
      %get3A_435 = arith.constant 9 : i32
      %get3A_436 = arith.index_cast %get3A_435 : i32 to index
      %get3A_437 = arith.constant 16 : index
      %get3A_438 = tpu.vector_load %arg5[%get3A_436, %get3A_437] {strides = array<i32>} : memref<16x64xf32, #tpu.memory_space<vmem>>, vector<16xf32>,
      %add3A_439 = arith.addf %add3A_434, %get3A_438 : vector<16xf32>
      %get3A_440 = arith.constant 10 : i32
      %get3A_441 = arith.index_cast %get3A_440 : i32 to index
      %get3A_442 = arith.constant 16 : index
      %get3A_443 = tpu.vector_load %arg5[%get3A_441, %get3A_442] {strides = array<i32>} : memref<16x64xf32, #tpu.memory_space<vmem>>, vector<16xf32>,
      %add3A_444 = arith.addf %add3A_439, %get3A_443 : vector<16xf32>
      %get3A_445 = arith.constant 11 : i32
      %get3A_446 = arith.index_cast %get3A_445 : i32 to index
      %get3A_447 = arith.constant 16 : index
      %get3A_448 = tpu.vector_load %arg5[%get3A_446, %get3A_447] {strides = array<i32>} : memref<16x64xf32, #tpu.memory_space<vmem>>, vector<16xf32>,
      %add3A_449 = arith.addf %add3A_444, %get3A_448 : vector<16xf32>
      %get3A_450 = arith.constant 12 : i32
      %get3A_451 = arith.index_cast %get3A_450 : i32 to index
      %get3A_452 = arith.constant 16 : index
      %get3A_453 = tpu.vector_load %arg5[%get3A_451, %get3A_452] {strides = array<i32>} : memref<16x64xf32, #tpu.memory_space<vmem>>, vector<16xf32>,
      %add3A_454 = arith.addf %add3A_449, %get3A_453 : vector<16xf32>
      %get3A_455 = arith.constant 13 : i32
      %get3A_456 = arith.index_cast %get3A_455 : i32 to index
      %get3A_457 = arith.constant 16 : index
      %get3A_458 = tpu.vector_load %arg5[%get3A_456, %get3A_457] {strides = array<i32>} : memref<16x64xf32, #tpu.memory_space<vmem>>, vector<16xf32>,
      %add3A_459 = arith.addf %add3A_454, %get3A_458 : vector<16xf32>
      %get3A_460 = arith.constant 14 : i32
      %get3A_461 = arith.index_cast %get3A_460 : i32 to index
      %get3A_462 = arith.constant 16 : index
      %get3A_463 = tpu.vector_load %arg5[%get3A_461, %get3A_462] {strides = array<i32>} : memref<16x64xf32, #tpu.memory_space<vmem>>, vector<16xf32>,
      %add3A_464 = arith.addf %add3A_459, %get3A_463 : vector<16xf32>
      %get3A_465 = arith.constant 15 : i32
      %get3A_466 = arith.index_cast %get3A_465 : i32 to index
      %get3A_467 = arith.constant 16 : index
      %get3A_468 = tpu.vector_load %arg5[%get3A_466, %get3A_467] {strides = array<i32>} : memref<16x64xf32, #tpu.memory_space<vmem>>, vector<16xf32>,
      %add3A_469 = arith.addf %add3A_464, %get3A_468 : vector<16xf32>
      %swap3A_470 = arith.constant 16 : index
      %swap3A_471 = tpu.vector_load %arg6[%swap3A_470] {strides = array<i32>} : memref<128xf32, #tpu.memory_space<vmem>>, vector<16xf32>,
      tpu.vector_store %arg6[%swap3A_470], %add3A_469 {strides = array<i32>} : memref<128xf32, #tpu.memory_space<vmem>>, vector<16xf32>,
      %get3A_472 = arith.constant 0 : i32
      %get3A_473 = arith.index_cast %get3A_472 : i32 to index
      %get3A_474 = arith.constant 32 : index
      %get3A_475 = tpu.vector_load %arg5[%get3A_473, %get3A_474] {strides = array<i32>} : memref<16x64xf32, #tpu.memory_space<vmem>>, vector<16xf32>,
      %get3A_476 = arith.constant 1 : i32
      %get3A_477 = arith.index_cast %get3A_476 : i32 to index
      %get3A_478 = arith.constant 32 : index
      %get3A_479 = tpu.vector_load %arg5[%get3A_477, %get3A_478] {strides = array<i32>} : memref<16x64xf32, #tpu.memory_space<vmem>>, vector<16xf32>,
      %add3A_480 = arith.addf %get3A_475, %get3A_479 : vector<16xf32>
      %get3A_481 = arith.constant 2 : i32
      %get3A_482 = arith.index_cast %get3A_481 : i32 to index
      %get3A_483 = arith.constant 32 : index
      %get3A_484 = tpu.vector_load %arg5[%get3A_482, %get3A_483] {strides = array<i32>} : memref<16x64xf32, #tpu.memory_space<vmem>>, vector<16xf32>,
      %add3A_485 = arith.addf %add3A_480, %get3A_484 : vector<16xf32>
      %get3A_486 = arith.constant 3 : i32
      %get3A_487 = arith.index_cast %get3A_486 : i32 to index
      %get3A_488 = arith.constant 32 : index
      %get3A_489 = tpu.vector_load %arg5[%get3A_487, %get3A_488] {strides = array<i32>} : memref<16x64xf32, #tpu.memory_space<vmem>>, vector<16xf32>,
      %add3A_490 = arith.addf %add3A_485, %get3A_489 : vector<16xf32>
      %get3A_491 = arith.constant 4 : i32
      %get3A_492 = arith.index_cast %get3A_491 : i32 to index
      %get3A_493 = arith.constant 32 : index
      %get3A_494 = tpu.vector_load %arg5[%get3A_492, %get3A_493] {strides = array<i32>} : memref<16x64xf32, #tpu.memory_space<vmem>>, vector<16xf32>,
      %add3A_495 = arith.addf %add3A_490, %get3A_494 : vector<16xf32>
      %get3A_496 = arith.constant 5 : i32
      %get3A_497 = arith.index_cast %get3A_496 : i32 to index
      %get3A_498 = arith.constant 32 : index
      %get3A_499 = tpu.vector_load %arg5[%get3A_497, %get3A_498] {strides = array<i32>} : memref<16x64xf32, #tpu.memory_space<vmem>>, vector<16xf32>,
      %add3A_500 = arith.addf %add3A_495, %get3A_499 : vector<16xf32>
      %get3A_501 = arith.constant 6 : i32
      %get3A_502 = arith.index_cast %get3A_501 : i32 to index
      %get3A_503 = arith.constant 32 : index
      %get3A_504 = tpu.vector_load %arg5[%get3A_502, %get3A_503] {strides = array<i32>} : memref<16x64xf32, #tpu.memory_space<vmem>>, vector<16xf32>,
      %add3A_505 = arith.addf %add3A_500, %get3A_504 : vector<16xf32>
      %get3A_506 = arith.constant 7 : i32
      %get3A_507 = arith.index_cast %get3A_506 : i32 to index
      %get3A_508 = arith.constant 32 : index
      %get3A_509 = tpu.vector_load %arg5[%get3A_507, %get3A_508] {strides = array<i32>} : memref<16x64xf32, #tpu.memory_space<vmem>>, vector<16xf32>,
      %add3A_510 = arith.addf %add3A_505, %get3A_509 : vector<16xf32>
      %get3A_511 = arith.constant 8 : i32
      %get3A_512 = arith.index_cast %get3A_511 : i32 to index
      %get3A_513 = arith.constant 32 : index
      %get3A_514 = tpu.vector_load %arg5[%get3A_512, %get3A_513] {strides = array<i32>} : memref<16x64xf32, #tpu.memory_space<vmem>>, vector<16xf32>,
      %add3A_515 = arith.addf %add3A_510, %get3A_514 : vector<16xf32>
      %get3A_516 = arith.constant 9 : i32
      %get3A_517 = arith.index_cast %get3A_516 : i32 to index
      %get3A_518 = arith.constant 32 : index
      %get3A_519 = tpu.vector_load %arg5[%get3A_517, %get3A_518] {strides = array<i32>} : memref<16x64xf32, #tpu.memory_space<vmem>>, vector<16xf32>,
      %add3A_520 = arith.addf %add3A_515, %get3A_519 : vector<16xf32>
      %get3A_521 = arith.constant 10 : i32
      %get3A_522 = arith.index_cast %get3A_521 : i32 to index
      %get3A_523 = arith.constant 32 : index
      %get3A_524 = tpu.vector_load %arg5[%get3A_522, %get3A_523] {strides = array<i32>} : memref<16x64xf32, #tpu.memory_space<vmem>>, vector<16xf32>,
      %add3A_525 = arith.addf %add3A_520, %get3A_524 : vector<16xf32>
      %get3A_526 = arith.constant 11 : i32
      %get3A_527 = arith.index_cast %get3A_526 : i32 to index
      %get3A_528 = arith.constant 32 : index
      %get3A_529 = tpu.vector_load %arg5[%get3A_527, %get3A_528] {strides = array<i32>} : memref<16x64xf32, #tpu.memory_space<vmem>>, vector<16xf32>,
      %add3A_530 = arith.addf %add3A_525, %get3A_529 : vector<16xf32>
      %get3A_531 = arith.constant 12 : i32
      %get3A_532 = arith.index_cast %get3A_531 : i32 to index
      %get3A_533 = arith.constant 32 : index
      %get3A_534 = tpu.vector_load %arg5[%get3A_532, %get3A_533] {strides = array<i32>} : memref<16x64xf32, #tpu.memory_space<vmem>>, vector<16xf32>,
      %add3A_535 = arith.addf %add3A_530, %get3A_534 : vector<16xf32>
      %get3A_536 = arith.constant 13 : i32
      %get3A_537 = arith.index_cast %get3A_536 : i32 to index
      %get3A_538 = arith.constant 32 : index
      %get3A_539 = tpu.vector_load %arg5[%get3A_537, %get3A_538] {strides = array<i32>} : memref<16x64xf32, #tpu.memory_space<vmem>>, vector<16xf32>,
      %add3A_540 = arith.addf %add3A_535, %get3A_539 : vector<16xf32>
      %get3A_541 = arith.constant 14 : i32
      %get3A_542 = arith.index_cast %get3A_541 : i32 to index
      %get3A_543 = arith.constant 32 : index
      %get3A_544 = tpu.vector_load %arg5[%get3A_542, %get3A_543] {strides = array<i32>} : memref<16x64xf32, #tpu.memory_space<vmem>>, vector<16xf32>,
      %add3A_545 = arith.addf %add3A_540, %get3A_544 : vector<16xf32>
      %get3A_546 = arith.constant 15 : i32
      %get3A_547 = arith.index_cast %get3A_546 : i32 to index
      %get3A_548 = arith.constant 32 : index
      %get3A_549 = tpu.vector_load %arg5[%get3A_547, %get3A_548] {strides = array<i32>} : memref<16x64xf32, #tpu.memory_space<vmem>>, vector<16xf32>,
      %add3A_550 = arith.addf %add3A_545, %get3A_549 : vector<16xf32>
      %swap3A_551 = arith.constant 32 : index
      %swap3A_552 = tpu.vector_load %arg6[%swap3A_551] {strides = array<i32>} : memref<128xf32, #tpu.memory_space<vmem>>, vector<16xf32>,
      tpu.vector_store %arg6[%swap3A_551], %add3A_550 {strides = array<i32>} : memref<128xf32, #tpu.memory_space<vmem>>, vector<16xf32>,
      %get3A_553 = arith.constant 0 : i32
      %get3A_554 = arith.index_cast %get3A_553 : i32 to index
      %get3A_555 = arith.constant 48 : index
      %get3A_556 = tpu.vector_load %arg5[%get3A_554, %get3A_555] {strides = array<i32>} : memref<16x64xf32, #tpu.memory_space<vmem>>, vector<16xf32>,
      %get3A_557 = arith.constant 1 : i32
      %get3A_558 = arith.index_cast %get3A_557 : i32 to index
      %get3A_559 = arith.constant 48 : index
      %get3A_560 = tpu.vector_load %arg5[%get3A_558, %get3A_559] {strides = array<i32>} : memref<16x64xf32, #tpu.memory_space<vmem>>, vector<16xf32>,
      %add3A_561 = arith.addf %get3A_556, %get3A_560 : vector<16xf32>
      %get3A_562 = arith.constant 2 : i32
      %get3A_563 = arith.index_cast %get3A_562 : i32 to index
      %get3A_564 = arith.constant 48 : index
      %get3A_565 = tpu.vector_load %arg5[%get3A_563, %get3A_564] {strides = array<i32>} : memref<16x64xf32, #tpu.memory_space<vmem>>, vector<16xf32>,
      %add3A_566 = arith.addf %add3A_561, %get3A_565 : vector<16xf32>
      %get3A_567 = arith.constant 3 : i32
      %get3A_568 = arith.index_cast %get3A_567 : i32 to index
      %get3A_569 = arith.constant 48 : index
      %get3A_570 = tpu.vector_load %arg5[%get3A_568, %get3A_569] {strides = array<i32>} : memref<16x64xf32, #tpu.memory_space<vmem>>, vector<16xf32>,
      %add3A_571 = arith.addf %add3A_566, %get3A_570 : vector<16xf32>
      %get3A_572 = arith.constant 4 : i32
      %get3A_573 = arith.index_cast %get3A_572 : i32 to index
      %get3A_574 = arith.constant 48 : index
      %get3A_575 = tpu.vector_load %arg5[%get3A_573, %get3A_574] {strides = array<i32>} : memref<16x64xf32, #tpu.memory_space<vmem>>, vector<16xf32>,
      %add3A_576 = arith.addf %add3A_571, %get3A_575 : vector<16xf32>
      %get3A_577 = arith.constant 5 : i32
      %get3A_578 = arith.index_cast %get3A_577 : i32 to index
      %get3A_579 = arith.constant 48 : index
      %get3A_580 = tpu.vector_load %arg5[%get3A_578, %get3A_579] {strides = array<i32>} : memref<16x64xf32, #tpu.memory_space<vmem>>, vector<16xf32>,
      %add3A_581 = arith.addf %add3A_576, %get3A_580 : vector<16xf32>
      %get3A_582 = arith.constant 6 : i32
      %get3A_583 = arith.index_cast %get3A_582 : i32 to index
      %get3A_584 = arith.constant 48 : index
      %get3A_585 = tpu.vector_load %arg5[%get3A_583, %get3A_584] {strides = array<i32>} : memref<16x64xf32, #tpu.memory_space<vmem>>, vector<16xf32>,
      %add3A_586 = arith.addf %add3A_581, %get3A_585 : vector<16xf32>
      %get3A_587 = arith.constant 7 : i32
      %get3A_588 = arith.index_cast %get3A_587 : i32 to index
      %get3A_589 = arith.constant 48 : index
      %get3A_590 = tpu.vector_load %arg5[%get3A_588, %get3A_589] {strides = array<i32>} : memref<16x64xf32, #tpu.memory_space<vmem>>, vector<16xf32>,
      %add3A_591 = arith.addf %add3A_586, %get3A_590 : vector<16xf32>
      %get3A_592 = arith.constant 8 : i32
      %get3A_593 = arith.index_cast %get3A_592 : i32 to index
      %get3A_594 = arith.constant 48 : index
      %get3A_595 = tpu.vector_load %arg5[%get3A_593, %get3A_594] {strides = array<i32>} : memref<16x64xf32, #tpu.memory_space<vmem>>, vector<16xf32>,
      %add3A_596 = arith.addf %add3A_591, %get3A_595 : vector<16xf32>
      %get3A_597 = arith.constant 9 : i32
      %get3A_598 = arith.index_cast %get3A_597 : i32 to index
      %get3A_599 = arith.constant 48 : index
      %get3A_600 = tpu.vector_load %arg5[%get3A_598, %get3A_599] {strides = array<i32>} : memref<16x64xf32, #tpu.memory_space<vmem>>, vector<16xf32>,
      %add3A_601 = arith.addf %add3A_596, %get3A_600 : vector<16xf32>
      %get3A_602 = arith.constant 10 : i32
      %get3A_603 = arith.index_cast %get3A_602 : i32 to index
      %get3A_604 = arith.constant 48 : index
      %get3A_605 = tpu.vector_load %arg5[%get3A_603, %get3A_604] {strides = array<i32>} : memref<16x64xf32, #tpu.memory_space<vmem>>, vector<16xf32>,
      %add3A_606 = arith.addf %add3A_601, %get3A_605 : vector<16xf32>
      %get3A_607 = arith.constant 11 : i32
      %get3A_608 = arith.index_cast %get3A_607 : i32 to index
      %get3A_609 = arith.constant 48 : index
      %get3A_610 = tpu.vector_load %arg5[%get3A_608, %get3A_609] {strides = array<i32>} : memref<16x64xf32, #tpu.memory_space<vmem>>, vector<16xf32>,
      %add3A_611 = arith.addf %add3A_606, %get3A_610 : vector<16xf32>
      %get3A_612 = arith.constant 12 : i32
      %get3A_613 = arith.index_cast %get3A_612 : i32 to index
      %get3A_614 = arith.constant 48 : index
      %get3A_615 = tpu.vector_load %arg5[%get3A_613, %get3A_614] {strides = array<i32>} : memref<16x64xf32, #tpu.memory_space<vmem>>, vector<16xf32>,
      %add3A_616 = arith.addf %add3A_611, %get3A_615 : vector<16xf32>
      %get3A_617 = arith.constant 13 : i32
      %get3A_618 = arith.index_cast %get3A_617 : i32 to index
      %get3A_619 = arith.constant 48 : index
      %get3A_620 = tpu.vector_load %arg5[%get3A_618, %get3A_619] {strides = array<i32>} : memref<16x64xf32, #tpu.memory_space<vmem>>, vector<16xf32>,
      %add3A_621 = arith.addf %add3A_616, %get3A_620 : vector<16xf32>
      %get3A_622 = arith.constant 14 : i32
      %get3A_623 = arith.index_cast %get3A_622 : i32 to index
      %get3A_624 = arith.constant 48 : index
      %get3A_625 = tpu.vector_load %arg5[%get3A_623, %get3A_624] {strides = array<i32>} : memref<16x64xf32, #tpu.memory_space<vmem>>, vector<16xf32>,
      %add3A_626 = arith.addf %add3A_621, %get3A_625 : vector<16xf32>
      %get3A_627 = arith.constant 15 : i32
      %get3A_628 = arith.index_cast %get3A_627 : i32 to index
      %get3A_629 = arith.constant 48 : index
      %get3A_630 = tpu.vector_load %arg5[%get3A_628, %get3A_629] {strides = array<i32>} : memref<16x64xf32, #tpu.memory_space<vmem>>, vector<16xf32>,
      %add3A_631 = arith.addf %add3A_626, %get3A_630 : vector<16xf32>
      %swap3A_632 = arith.constant 48 : index
      %swap3A_633 = tpu.vector_load %arg6[%swap3A_632] {strides = array<i32>} : memref<128xf32, #tpu.memory_space<vmem>>, vector<16xf32>,
      tpu.vector_store %arg6[%swap3A_632], %add3A_631 {strides = array<i32>} : memref<128xf32, #tpu.memory_space<vmem>>, vector<16xf32>,
      "tpu.region"() ({
        %run_scoped3A = tpu.sem_alloc : memref<!tpu.dma_semaphore, #tpu.memory_space<semaphore_mem>>
        %dma_start3A = arith.constant 0 : i32
        %dma_start3A_634 = tpu.memref_slice %arg9[%arg1, %dma_start3A] : memref<16x128xf32, #tpu.memory_space<vmem_shared>> -> memref<1x128xf32, #tpu.memory_space<vmem_shared>>
        %dma_start3A_635 = tpu.memref_squeeze %dma_start3A_634 : memref<1x128xf32, #tpu.memory_space<vmem_shared>> -> memref<128xf32, #tpu.memory_space<vmem_shared>>
        %dma_start3A_636 = arith.constant 0 : i32
        %dma_start3A_637 = tpu.memref_slice %arg9[%arg1, %dma_start3A_636] : memref<16x128xf32, #tpu.memory_space<vmem_shared>> -> memref<1x128xf32, #tpu.memory_space<vmem_shared>>
        %dma_start3A_638 = tpu.memref_squeeze %dma_start3A_637 : memref<1x128xf32, #tpu.memory_space<vmem_shared>> -> memref<128xf32, #tpu.memory_space<vmem_shared>>
        tpu.enqueue_dma source(%arg6 : memref<128xf32, #tpu.memory_space<vmem>>) target(%dma_start3A_638 : memref<128xf32, #tpu.memory_space<vmem_shared>>) target_semaphore(%run_scoped3A : memref<!tpu.dma_semaphore, #tpu.memory_space<semaphore_mem>>)
        %dma_wait3A = arith.constant 0 : i32
        %dma_wait3A_639 = tpu.memref_slice %arg9[%arg1, %dma_wait3A] : memref<16x128xf32, #tpu.memory_space<vmem_shared>> -> memref<1x128xf32, #tpu.memory_space<vmem_shared>>
        %dma_wait3A_640 = tpu.memref_squeeze %dma_wait3A_639 : memref<1x128xf32, #tpu.memory_space<vmem_shared>> -> memref<128xf32, #tpu.memory_space<vmem_shared>>
        %dma_wait3A_641 = arith.constant 0 : i32
        %dma_wait3A_642 = tpu.memref_slice %arg9[%arg1, %dma_wait3A_641] : memref<16x128xf32, #tpu.memory_space<vmem_shared>> -> memref<1x128xf32, #tpu.memory_space<vmem_shared>>
        %dma_wait3A_643 = tpu.memref_squeeze %dma_wait3A_642 : memref<1x128xf32, #tpu.memory_space<vmem_shared>> -> memref<128xf32, #tpu.memory_space<vmem_shared>>
        tpu.wait_dma2 semaphore(%run_scoped3A : memref<!tpu.dma_semaphore, #tpu.memory_space<semaphore_mem>>) src(%arg6 : memref<128xf32, #tpu.memory_space<vmem>>) dst(%dma_wait3A_643 : memref<128xf32, #tpu.memory_space<vmem_shared>>)
        tpu.yield
      }) : () -> ()
    } else {
    }
    %barrier3A = arith.constant 0 : index
    tpu.barrier barrier_id(%barrier3A)
    %eq3A_3 = arith.constant 0 : i32
    %eq3A_4 = arith.cmpi eq, %arg0, %eq3A_3 : i32
    %eq3A_5 = arith.constant 0 : i32
    %eq3A_6 = arith.cmpi eq, %arg1, %eq3A_5 : i32
    %and3A = arith.andi %eq3A_4, %eq3A_6 : i1
    %convert_element_type3A_7 = arith.extui %and3A : i1 to i32
    %cond3A_8 = arith.constant 0 : i32
    %cond3A_9 = arith.cmpi ne, %convert_element_type3A_7, %cond3A_8 : i32
    scf.if %cond3A_9 {
      "tpu.region"() ({
        %run_scoped3A = tpu.sem_alloc : memref<!tpu.dma_semaphore, #tpu.memory_space<semaphore_mem>>
        tpu.enqueue_dma source(%arg9 : memref<16x128xf32, #tpu.memory_space<vmem_shared>>) target(%arg7 : memref<16x128xf32, #tpu.memory_space<vmem>>) target_semaphore(%run_scoped3A : memref<!tpu.dma_semaphore, #tpu.memory_space<semaphore_mem>>)
        tpu.wait_dma2 semaphore(%run_scoped3A : memref<!tpu.dma_semaphore, #tpu.memory_space<semaphore_mem>>) src(%arg9 : memref<16x128xf32, #tpu.memory_space<vmem_shared>>) dst(%arg7 : memref<16x128xf32, #tpu.memory_space<vmem>>)
        tpu.yield
      }) : () -> ()
      %broadcast_in_dim3A_10 = arith.constant 2.560000e+02 : f32
      %broadcast_in_dim3A_11 = vector.broadcast %broadcast_in_dim3A_10 : f32 to vector<16xf32>
      %get3A = arith.constant 0 : i32
      %get3A_12 = arith.index_cast %get3A : i32 to index
      %get3A_13 = arith.constant 0 : index
      %get3A_14 = tpu.vector_load %arg7[%get3A_12, %get3A_13] {strides = array<i32>} : memref<16x128xf32, #tpu.memory_space<vmem>>, vector<16xf32>,
      %get3A_15 = arith.constant 1 : i32
      %get3A_16 = arith.index_cast %get3A_15 : i32 to index
      %get3A_17 = arith.constant 0 : index
      %get3A_18 = tpu.vector_load %arg7[%get3A_16, %get3A_17] {strides = array<i32>} : memref<16x128xf32, #tpu.memory_space<vmem>>, vector<16xf32>,
      %add3A = arith.addf %get3A_14, %get3A_18 : vector<16xf32>
      %get3A_19 = arith.constant 2 : i32
      %get3A_20 = arith.index_cast %get3A_19 : i32 to index
      %get3A_21 = arith.constant 0 : index
      %get3A_22 = tpu.vector_load %arg7[%get3A_20, %get3A_21] {strides = array<i32>} : memref<16x128xf32, #tpu.memory_space<vmem>>, vector<16xf32>,
      %add3A_23 = arith.addf %add3A, %get3A_22 : vector<16xf32>
      %get3A_24 = arith.constant 3 : i32
      %get3A_25 = arith.index_cast %get3A_24 : i32 to index
      %get3A_26 = arith.constant 0 : index
      %get3A_27 = tpu.vector_load %arg7[%get3A_25, %get3A_26] {strides = array<i32>} : memref<16x128xf32, #tpu.memory_space<vmem>>, vector<16xf32>,
      %add3A_28 = arith.addf %add3A_23, %get3A_27 : vector<16xf32>
      %get3A_29 = arith.constant 4 : i32
      %get3A_30 = arith.index_cast %get3A_29 : i32 to index
      %get3A_31 = arith.constant 0 : index
      %get3A_32 = tpu.vector_load %arg7[%get3A_30, %get3A_31] {strides = array<i32>} : memref<16x128xf32, #tpu.memory_space<vmem>>, vector<16xf32>,
      %add3A_33 = arith.addf %add3A_28, %get3A_32 : vector<16xf32>
      %get3A_34 = arith.constant 5 : i32
      %get3A_35 = arith.index_cast %get3A_34 : i32 to index
      %get3A_36 = arith.constant 0 : index
      %get3A_37 = tpu.vector_load %arg7[%get3A_35, %get3A_36] {strides = array<i32>} : memref<16x128xf32, #tpu.memory_space<vmem>>, vector<16xf32>,
      %add3A_38 = arith.addf %add3A_33, %get3A_37 : vector<16xf32>
      %get3A_39 = arith.constant 6 : i32
      %get3A_40 = arith.index_cast %get3A_39 : i32 to index
      %get3A_41 = arith.constant 0 : index
      %get3A_42 = tpu.vector_load %arg7[%get3A_40, %get3A_41] {strides = array<i32>} : memref<16x128xf32, #tpu.memory_space<vmem>>, vector<16xf32>,
      %add3A_43 = arith.addf %add3A_38, %get3A_42 : vector<16xf32>
      %get3A_44 = arith.constant 7 : i32
      %get3A_45 = arith.index_cast %get3A_44 : i32 to index
      %get3A_46 = arith.constant 0 : index
      %get3A_47 = tpu.vector_load %arg7[%get3A_45, %get3A_46] {strides = array<i32>} : memref<16x128xf32, #tpu.memory_space<vmem>>, vector<16xf32>,
      %add3A_48 = arith.addf %add3A_43, %get3A_47 : vector<16xf32>
      %get3A_49 = arith.constant 8 : i32
      %get3A_50 = arith.index_cast %get3A_49 : i32 to index
      %get3A_51 = arith.constant 0 : index
      %get3A_52 = tpu.vector_load %arg7[%get3A_50, %get3A_51] {strides = array<i32>} : memref<16x128xf32, #tpu.memory_space<vmem>>, vector<16xf32>,
      %add3A_53 = arith.addf %add3A_48, %get3A_52 : vector<16xf32>
      %get3A_54 = arith.constant 9 : i32
      %get3A_55 = arith.index_cast %get3A_54 : i32 to index
      %get3A_56 = arith.constant 0 : index
      %get3A_57 = tpu.vector_load %arg7[%get3A_55, %get3A_56] {strides = array<i32>} : memref<16x128xf32, #tpu.memory_space<vmem>>, vector<16xf32>,
      %add3A_58 = arith.addf %add3A_53, %get3A_57 : vector<16xf32>
      %get3A_59 = arith.constant 10 : i32
      %get3A_60 = arith.index_cast %get3A_59 : i32 to index
      %get3A_61 = arith.constant 0 : index
      %get3A_62 = tpu.vector_load %arg7[%get3A_60, %get3A_61] {strides = array<i32>} : memref<16x128xf32, #tpu.memory_space<vmem>>, vector<16xf32>,
      %add3A_63 = arith.addf %add3A_58, %get3A_62 : vector<16xf32>
      %get3A_64 = arith.constant 11 : i32
      %get3A_65 = arith.index_cast %get3A_64 : i32 to index
      %get3A_66 = arith.constant 0 : index
      %get3A_67 = tpu.vector_load %arg7[%get3A_65, %get3A_66] {strides = array<i32>} : memref<16x128xf32, #tpu.memory_space<vmem>>, vector<16xf32>,
      %add3A_68 = arith.addf %add3A_63, %get3A_67 : vector<16xf32>
      %get3A_69 = arith.constant 12 : i32
      %get3A_70 = arith.index_cast %get3A_69 : i32 to index
      %get3A_71 = arith.constant 0 : index
      %get3A_72 = tpu.vector_load %arg7[%get3A_70, %get3A_71] {strides = array<i32>} : memref<16x128xf32, #tpu.memory_space<vmem>>, vector<16xf32>,
      %add3A_73 = arith.addf %add3A_68, %get3A_72 : vector<16xf32>
      %get3A_74 = arith.constant 13 : i32
      %get3A_75 = arith.index_cast %get3A_74 : i32 to index
      %get3A_76 = arith.constant 0 : index
      %get3A_77 = tpu.vector_load %arg7[%get3A_75, %get3A_76] {strides = array<i32>} : memref<16x128xf32, #tpu.memory_space<vmem>>, vector<16xf32>,
      %add3A_78 = arith.addf %add3A_73, %get3A_77 : vector<16xf32>
      %get3A_79 = arith.constant 14 : i32
      %get3A_80 = arith.index_cast %get3A_79 : i32 to index
      %get3A_81 = arith.constant 0 : index
      %get3A_82 = tpu.vector_load %arg7[%get3A_80, %get3A_81] {strides = array<i32>} : memref<16x128xf32, #tpu.memory_space<vmem>>, vector<16xf32>,
      %add3A_83 = arith.addf %add3A_78, %get3A_82 : vector<16xf32>
      %get3A_84 = arith.constant 15 : i32
      %get3A_85 = arith.index_cast %get3A_84 : i32 to index
      %get3A_86 = arith.constant 0 : index
      %get3A_87 = tpu.vector_load %arg7[%get3A_85, %get3A_86] {strides = array<i32>} : memref<16x128xf32, #tpu.memory_space<vmem>>, vector<16xf32>,
      %add3A_88 = arith.addf %add3A_83, %get3A_87 : vector<16xf32>
      %max3A = arith.constant 1.000000e+00 : f32
      %max3A_89 = vector.broadcast %max3A : f32 to vector<16xf32>
      %max3A_90 = arith.maximumf %add3A_88, %max3A_89 : vector<16xf32>
      %mul3A = arith.mulf %broadcast_in_dim3A_11, %max3A_90 : vector<16xf32>
      %div3A = arith.constant 1.000000e+00 : f32
      %div3A_91 = vector.broadcast %div3A : f32 to vector<16xf32>
      %div3A_92 = arith.divf %div3A_91, %mul3A : vector<16xf32>
      %swap3A = arith.constant 0 : index
      %swap3A_93 = tpu.vector_load %arg8[%swap3A] {strides = array<i32>} : memref<64xf32, #tpu.memory_space<vmem>>, vector<16xf32>,
      tpu.vector_store %arg8[%swap3A], %div3A_92 {strides = array<i32>} : memref<64xf32, #tpu.memory_space<vmem>>, vector<16xf32>,
      %get3A_94 = arith.constant 0 : i32
      %get3A_95 = arith.index_cast %get3A_94 : i32 to index
      %get3A_96 = arith.constant 16 : index
      %get3A_97 = tpu.vector_load %arg7[%get3A_95, %get3A_96] {strides = array<i32>} : memref<16x128xf32, #tpu.memory_space<vmem>>, vector<16xf32>,
      %get3A_98 = arith.constant 1 : i32
      %get3A_99 = arith.index_cast %get3A_98 : i32 to index
      %get3A_100 = arith.constant 16 : index
      %get3A_101 = tpu.vector_load %arg7[%get3A_99, %get3A_100] {strides = array<i32>} : memref<16x128xf32, #tpu.memory_space<vmem>>, vector<16xf32>,
      %add3A_102 = arith.addf %get3A_97, %get3A_101 : vector<16xf32>
      %get3A_103 = arith.constant 2 : i32
      %get3A_104 = arith.index_cast %get3A_103 : i32 to index
      %get3A_105 = arith.constant 16 : index
      %get3A_106 = tpu.vector_load %arg7[%get3A_104, %get3A_105] {strides = array<i32>} : memref<16x128xf32, #tpu.memory_space<vmem>>, vector<16xf32>,
      %add3A_107 = arith.addf %add3A_102, %get3A_106 : vector<16xf32>
      %get3A_108 = arith.constant 3 : i32
      %get3A_109 = arith.index_cast %get3A_108 : i32 to index
      %get3A_110 = arith.constant 16 : index
      %get3A_111 = tpu.vector_load %arg7[%get3A_109, %get3A_110] {strides = array<i32>} : memref<16x128xf32, #tpu.memory_space<vmem>>, vector<16xf32>,
      %add3A_112 = arith.addf %add3A_107, %get3A_111 : vector<16xf32>
      %get3A_113 = arith.constant 4 : i32
      %get3A_114 = arith.index_cast %get3A_113 : i32 to index
      %get3A_115 = arith.constant 16 : index
      %get3A_116 = tpu.vector_load %arg7[%get3A_114, %get3A_115] {strides = array<i32>} : memref<16x128xf32, #tpu.memory_space<vmem>>, vector<16xf32>,
      %add3A_117 = arith.addf %add3A_112, %get3A_116 : vector<16xf32>
      %get3A_118 = arith.constant 5 : i32
      %get3A_119 = arith.index_cast %get3A_118 : i32 to index
      %get3A_120 = arith.constant 16 : index
      %get3A_121 = tpu.vector_load %arg7[%get3A_119, %get3A_120] {strides = array<i32>} : memref<16x128xf32, #tpu.memory_space<vmem>>, vector<16xf32>,
      %add3A_122 = arith.addf %add3A_117, %get3A_121 : vector<16xf32>
      %get3A_123 = arith.constant 6 : i32
      %get3A_124 = arith.index_cast %get3A_123 : i32 to index
      %get3A_125 = arith.constant 16 : index
      %get3A_126 = tpu.vector_load %arg7[%get3A_124, %get3A_125] {strides = array<i32>} : memref<16x128xf32, #tpu.memory_space<vmem>>, vector<16xf32>,
      %add3A_127 = arith.addf %add3A_122, %get3A_126 : vector<16xf32>
      %get3A_128 = arith.constant 7 : i32
      %get3A_129 = arith.index_cast %get3A_128 : i32 to index
      %get3A_130 = arith.constant 16 : index
      %get3A_131 = tpu.vector_load %arg7[%get3A_129, %get3A_130] {strides = array<i32>} : memref<16x128xf32, #tpu.memory_space<vmem>>, vector<16xf32>,
      %add3A_132 = arith.addf %add3A_127, %get3A_131 : vector<16xf32>
      %get3A_133 = arith.constant 8 : i32
      %get3A_134 = arith.index_cast %get3A_133 : i32 to index
      %get3A_135 = arith.constant 16 : index
      %get3A_136 = tpu.vector_load %arg7[%get3A_134, %get3A_135] {strides = array<i32>} : memref<16x128xf32, #tpu.memory_space<vmem>>, vector<16xf32>,
      %add3A_137 = arith.addf %add3A_132, %get3A_136 : vector<16xf32>
      %get3A_138 = arith.constant 9 : i32
      %get3A_139 = arith.index_cast %get3A_138 : i32 to index
      %get3A_140 = arith.constant 16 : index
      %get3A_141 = tpu.vector_load %arg7[%get3A_139, %get3A_140] {strides = array<i32>} : memref<16x128xf32, #tpu.memory_space<vmem>>, vector<16xf32>,
      %add3A_142 = arith.addf %add3A_137, %get3A_141 : vector<16xf32>
      %get3A_143 = arith.constant 10 : i32
      %get3A_144 = arith.index_cast %get3A_143 : i32 to index
      %get3A_145 = arith.constant 16 : index
      %get3A_146 = tpu.vector_load %arg7[%get3A_144, %get3A_145] {strides = array<i32>} : memref<16x128xf32, #tpu.memory_space<vmem>>, vector<16xf32>,
      %add3A_147 = arith.addf %add3A_142, %get3A_146 : vector<16xf32>
      %get3A_148 = arith.constant 11 : i32
      %get3A_149 = arith.index_cast %get3A_148 : i32 to index
      %get3A_150 = arith.constant 16 : index
      %get3A_151 = tpu.vector_load %arg7[%get3A_149, %get3A_150] {strides = array<i32>} : memref<16x128xf32, #tpu.memory_space<vmem>>, vector<16xf32>,
      %add3A_152 = arith.addf %add3A_147, %get3A_151 : vector<16xf32>
      %get3A_153 = arith.constant 12 : i32
      %get3A_154 = arith.index_cast %get3A_153 : i32 to index
      %get3A_155 = arith.constant 16 : index
      %get3A_156 = tpu.vector_load %arg7[%get3A_154, %get3A_155] {strides = array<i32>} : memref<16x128xf32, #tpu.memory_space<vmem>>, vector<16xf32>,
      %add3A_157 = arith.addf %add3A_152, %get3A_156 : vector<16xf32>
      %get3A_158 = arith.constant 13 : i32
      %get3A_159 = arith.index_cast %get3A_158 : i32 to index
      %get3A_160 = arith.constant 16 : index
      %get3A_161 = tpu.vector_load %arg7[%get3A_159, %get3A_160] {strides = array<i32>} : memref<16x128xf32, #tpu.memory_space<vmem>>, vector<16xf32>,
      %add3A_162 = arith.addf %add3A_157, %get3A_161 : vector<16xf32>
      %get3A_163 = arith.constant 14 : i32
      %get3A_164 = arith.index_cast %get3A_163 : i32 to index
      %get3A_165 = arith.constant 16 : index
      %get3A_166 = tpu.vector_load %arg7[%get3A_164, %get3A_165] {strides = array<i32>} : memref<16x128xf32, #tpu.memory_space<vmem>>, vector<16xf32>,
      %add3A_167 = arith.addf %add3A_162, %get3A_166 : vector<16xf32>
      %get3A_168 = arith.constant 15 : i32
      %get3A_169 = arith.index_cast %get3A_168 : i32 to index
      %get3A_170 = arith.constant 16 : index
      %get3A_171 = tpu.vector_load %arg7[%get3A_169, %get3A_170] {strides = array<i32>} : memref<16x128xf32, #tpu.memory_space<vmem>>, vector<16xf32>,
      %add3A_172 = arith.addf %add3A_167, %get3A_171 : vector<16xf32>
      %max3A_173 = arith.constant 1.000000e+00 : f32
      %max3A_174 = vector.broadcast %max3A_173 : f32 to vector<16xf32>
      %max3A_175 = arith.maximumf %add3A_172, %max3A_174 : vector<16xf32>
      %mul3A_176 = arith.mulf %broadcast_in_dim3A_11, %max3A_175 : vector<16xf32>
      %div3A_177 = arith.constant 1.000000e+00 : f32
      %div3A_178 = vector.broadcast %div3A_177 : f32 to vector<16xf32>
      %div3A_179 = arith.divf %div3A_178, %mul3A_176 : vector<16xf32>
      %swap3A_180 = arith.constant 16 : index
      %swap3A_181 = tpu.vector_load %arg8[%swap3A_180] {strides = array<i32>} : memref<64xf32, #tpu.memory_space<vmem>>, vector<16xf32>,
      tpu.vector_store %arg8[%swap3A_180], %div3A_179 {strides = array<i32>} : memref<64xf32, #tpu.memory_space<vmem>>, vector<16xf32>,
      %get3A_182 = arith.constant 0 : i32
      %get3A_183 = arith.index_cast %get3A_182 : i32 to index
      %get3A_184 = arith.constant 32 : index
      %get3A_185 = tpu.vector_load %arg7[%get3A_183, %get3A_184] {strides = array<i32>} : memref<16x128xf32, #tpu.memory_space<vmem>>, vector<16xf32>,
      %get3A_186 = arith.constant 1 : i32
      %get3A_187 = arith.index_cast %get3A_186 : i32 to index
      %get3A_188 = arith.constant 32 : index
      %get3A_189 = tpu.vector_load %arg7[%get3A_187, %get3A_188] {strides = array<i32>} : memref<16x128xf32, #tpu.memory_space<vmem>>, vector<16xf32>,
      %add3A_190 = arith.addf %get3A_185, %get3A_189 : vector<16xf32>
      %get3A_191 = arith.constant 2 : i32
      %get3A_192 = arith.index_cast %get3A_191 : i32 to index
      %get3A_193 = arith.constant 32 : index
      %get3A_194 = tpu.vector_load %arg7[%get3A_192, %get3A_193] {strides = array<i32>} : memref<16x128xf32, #tpu.memory_space<vmem>>, vector<16xf32>,
      %add3A_195 = arith.addf %add3A_190, %get3A_194 : vector<16xf32>
      %get3A_196 = arith.constant 3 : i32
      %get3A_197 = arith.index_cast %get3A_196 : i32 to index
      %get3A_198 = arith.constant 32 : index
      %get3A_199 = tpu.vector_load %arg7[%get3A_197, %get3A_198] {strides = array<i32>} : memref<16x128xf32, #tpu.memory_space<vmem>>, vector<16xf32>,
      %add3A_200 = arith.addf %add3A_195, %get3A_199 : vector<16xf32>
      %get3A_201 = arith.constant 4 : i32
      %get3A_202 = arith.index_cast %get3A_201 : i32 to index
      %get3A_203 = arith.constant 32 : index
      %get3A_204 = tpu.vector_load %arg7[%get3A_202, %get3A_203] {strides = array<i32>} : memref<16x128xf32, #tpu.memory_space<vmem>>, vector<16xf32>,
      %add3A_205 = arith.addf %add3A_200, %get3A_204 : vector<16xf32>
      %get3A_206 = arith.constant 5 : i32
      %get3A_207 = arith.index_cast %get3A_206 : i32 to index
      %get3A_208 = arith.constant 32 : index
      %get3A_209 = tpu.vector_load %arg7[%get3A_207, %get3A_208] {strides = array<i32>} : memref<16x128xf32, #tpu.memory_space<vmem>>, vector<16xf32>,
      %add3A_210 = arith.addf %add3A_205, %get3A_209 : vector<16xf32>
      %get3A_211 = arith.constant 6 : i32
      %get3A_212 = arith.index_cast %get3A_211 : i32 to index
      %get3A_213 = arith.constant 32 : index
      %get3A_214 = tpu.vector_load %arg7[%get3A_212, %get3A_213] {strides = array<i32>} : memref<16x128xf32, #tpu.memory_space<vmem>>, vector<16xf32>,
      %add3A_215 = arith.addf %add3A_210, %get3A_214 : vector<16xf32>
      %get3A_216 = arith.constant 7 : i32
      %get3A_217 = arith.index_cast %get3A_216 : i32 to index
      %get3A_218 = arith.constant 32 : index
      %get3A_219 = tpu.vector_load %arg7[%get3A_217, %get3A_218] {strides = array<i32>} : memref<16x128xf32, #tpu.memory_space<vmem>>, vector<16xf32>,
      %add3A_220 = arith.addf %add3A_215, %get3A_219 : vector<16xf32>
      %get3A_221 = arith.constant 8 : i32
      %get3A_222 = arith.index_cast %get3A_221 : i32 to index
      %get3A_223 = arith.constant 32 : index
      %get3A_224 = tpu.vector_load %arg7[%get3A_222, %get3A_223] {strides = array<i32>} : memref<16x128xf32, #tpu.memory_space<vmem>>, vector<16xf32>,
      %add3A_225 = arith.addf %add3A_220, %get3A_224 : vector<16xf32>
      %get3A_226 = arith.constant 9 : i32
      %get3A_227 = arith.index_cast %get3A_226 : i32 to index
      %get3A_228 = arith.constant 32 : index
      %get3A_229 = tpu.vector_load %arg7[%get3A_227, %get3A_228] {strides = array<i32>} : memref<16x128xf32, #tpu.memory_space<vmem>>, vector<16xf32>,
      %add3A_230 = arith.addf %add3A_225, %get3A_229 : vector<16xf32>
      %get3A_231 = arith.constant 10 : i32
      %get3A_232 = arith.index_cast %get3A_231 : i32 to index
      %get3A_233 = arith.constant 32 : index
      %get3A_234 = tpu.vector_load %arg7[%get3A_232, %get3A_233] {strides = array<i32>} : memref<16x128xf32, #tpu.memory_space<vmem>>, vector<16xf32>,
      %add3A_235 = arith.addf %add3A_230, %get3A_234 : vector<16xf32>
      %get3A_236 = arith.constant 11 : i32
      %get3A_237 = arith.index_cast %get3A_236 : i32 to index
      %get3A_238 = arith.constant 32 : index
      %get3A_239 = tpu.vector_load %arg7[%get3A_237, %get3A_238] {strides = array<i32>} : memref<16x128xf32, #tpu.memory_space<vmem>>, vector<16xf32>,
      %add3A_240 = arith.addf %add3A_235, %get3A_239 : vector<16xf32>
      %get3A_241 = arith.constant 12 : i32
      %get3A_242 = arith.index_cast %get3A_241 : i32 to index
      %get3A_243 = arith.constant 32 : index
      %get3A_244 = tpu.vector_load %arg7[%get3A_242, %get3A_243] {strides = array<i32>} : memref<16x128xf32, #tpu.memory_space<vmem>>, vector<16xf32>,
      %add3A_245 = arith.addf %add3A_240, %get3A_244 : vector<16xf32>
      %get3A_246 = arith.constant 13 : i32
      %get3A_247 = arith.index_cast %get3A_246 : i32 to index
      %get3A_248 = arith.constant 32 : index
      %get3A_249 = tpu.vector_load %arg7[%get3A_247, %get3A_248] {strides = array<i32>} : memref<16x128xf32, #tpu.memory_space<vmem>>, vector<16xf32>,
      %add3A_250 = arith.addf %add3A_245, %get3A_249 : vector<16xf32>
      %get3A_251 = arith.constant 14 : i32
      %get3A_252 = arith.index_cast %get3A_251 : i32 to index
      %get3A_253 = arith.constant 32 : index
      %get3A_254 = tpu.vector_load %arg7[%get3A_252, %get3A_253] {strides = array<i32>} : memref<16x128xf32, #tpu.memory_space<vmem>>, vector<16xf32>,
      %add3A_255 = arith.addf %add3A_250, %get3A_254 : vector<16xf32>
      %get3A_256 = arith.constant 15 : i32
      %get3A_257 = arith.index_cast %get3A_256 : i32 to index
      %get3A_258 = arith.constant 32 : index
      %get3A_259 = tpu.vector_load %arg7[%get3A_257, %get3A_258] {strides = array<i32>} : memref<16x128xf32, #tpu.memory_space<vmem>>, vector<16xf32>,
      %add3A_260 = arith.addf %add3A_255, %get3A_259 : vector<16xf32>
      %max3A_261 = arith.constant 1.000000e+00 : f32
      %max3A_262 = vector.broadcast %max3A_261 : f32 to vector<16xf32>
      %max3A_263 = arith.maximumf %add3A_260, %max3A_262 : vector<16xf32>
      %mul3A_264 = arith.mulf %broadcast_in_dim3A_11, %max3A_263 : vector<16xf32>
      %div3A_265 = arith.constant 1.000000e+00 : f32
      %div3A_266 = vector.broadcast %div3A_265 : f32 to vector<16xf32>
      %div3A_267 = arith.divf %div3A_266, %mul3A_264 : vector<16xf32>
      %swap3A_268 = arith.constant 32 : index
      %swap3A_269 = tpu.vector_load %arg8[%swap3A_268] {strides = array<i32>} : memref<64xf32, #tpu.memory_space<vmem>>, vector<16xf32>,
      tpu.vector_store %arg8[%swap3A_268], %div3A_267 {strides = array<i32>} : memref<64xf32, #tpu.memory_space<vmem>>, vector<16xf32>,
      %get3A_270 = arith.constant 0 : i32
      %get3A_271 = arith.index_cast %get3A_270 : i32 to index
      %get3A_272 = arith.constant 48 : index
      %get3A_273 = tpu.vector_load %arg7[%get3A_271, %get3A_272] {strides = array<i32>} : memref<16x128xf32, #tpu.memory_space<vmem>>, vector<16xf32>,
      %get3A_274 = arith.constant 1 : i32
      %get3A_275 = arith.index_cast %get3A_274 : i32 to index
      %get3A_276 = arith.constant 48 : index
      %get3A_277 = tpu.vector_load %arg7[%get3A_275, %get3A_276] {strides = array<i32>} : memref<16x128xf32, #tpu.memory_space<vmem>>, vector<16xf32>,
      %add3A_278 = arith.addf %get3A_273, %get3A_277 : vector<16xf32>
      %get3A_279 = arith.constant 2 : i32
      %get3A_280 = arith.index_cast %get3A_279 : i32 to index
      %get3A_281 = arith.constant 48 : index
      %get3A_282 = tpu.vector_load %arg7[%get3A_280, %get3A_281] {strides = array<i32>} : memref<16x128xf32, #tpu.memory_space<vmem>>, vector<16xf32>,
      %add3A_283 = arith.addf %add3A_278, %get3A_282 : vector<16xf32>
      %get3A_284 = arith.constant 3 : i32
      %get3A_285 = arith.index_cast %get3A_284 : i32 to index
      %get3A_286 = arith.constant 48 : index
      %get3A_287 = tpu.vector_load %arg7[%get3A_285, %get3A_286] {strides = array<i32>} : memref<16x128xf32, #tpu.memory_space<vmem>>, vector<16xf32>,
      %add3A_288 = arith.addf %add3A_283, %get3A_287 : vector<16xf32>
      %get3A_289 = arith.constant 4 : i32
      %get3A_290 = arith.index_cast %get3A_289 : i32 to index
      %get3A_291 = arith.constant 48 : index
      %get3A_292 = tpu.vector_load %arg7[%get3A_290, %get3A_291] {strides = array<i32>} : memref<16x128xf32, #tpu.memory_space<vmem>>, vector<16xf32>,
      %add3A_293 = arith.addf %add3A_288, %get3A_292 : vector<16xf32>
      %get3A_294 = arith.constant 5 : i32
      %get3A_295 = arith.index_cast %get3A_294 : i32 to index
      %get3A_296 = arith.constant 48 : index
      %get3A_297 = tpu.vector_load %arg7[%get3A_295, %get3A_296] {strides = array<i32>} : memref<16x128xf32, #tpu.memory_space<vmem>>, vector<16xf32>,
      %add3A_298 = arith.addf %add3A_293, %get3A_297 : vector<16xf32>
      %get3A_299 = arith.constant 6 : i32
      %get3A_300 = arith.index_cast %get3A_299 : i32 to index
      %get3A_301 = arith.constant 48 : index
      %get3A_302 = tpu.vector_load %arg7[%get3A_300, %get3A_301] {strides = array<i32>} : memref<16x128xf32, #tpu.memory_space<vmem>>, vector<16xf32>,
      %add3A_303 = arith.addf %add3A_298, %get3A_302 : vector<16xf32>
      %get3A_304 = arith.constant 7 : i32
      %get3A_305 = arith.index_cast %get3A_304 : i32 to index
      %get3A_306 = arith.constant 48 : index
      %get3A_307 = tpu.vector_load %arg7[%get3A_305, %get3A_306] {strides = array<i32>} : memref<16x128xf32, #tpu.memory_space<vmem>>, vector<16xf32>,
      %add3A_308 = arith.addf %add3A_303, %get3A_307 : vector<16xf32>
      %get3A_309 = arith.constant 8 : i32
      %get3A_310 = arith.index_cast %get3A_309 : i32 to index
      %get3A_311 = arith.constant 48 : index
      %get3A_312 = tpu.vector_load %arg7[%get3A_310, %get3A_311] {strides = array<i32>} : memref<16x128xf32, #tpu.memory_space<vmem>>, vector<16xf32>,
      %add3A_313 = arith.addf %add3A_308, %get3A_312 : vector<16xf32>
      %get3A_314 = arith.constant 9 : i32
      %get3A_315 = arith.index_cast %get3A_314 : i32 to index
      %get3A_316 = arith.constant 48 : index
      %get3A_317 = tpu.vector_load %arg7[%get3A_315, %get3A_316] {strides = array<i32>} : memref<16x128xf32, #tpu.memory_space<vmem>>, vector<16xf32>,
      %add3A_318 = arith.addf %add3A_313, %get3A_317 : vector<16xf32>
      %get3A_319 = arith.constant 10 : i32
      %get3A_320 = arith.index_cast %get3A_319 : i32 to index
      %get3A_321 = arith.constant 48 : index
      %get3A_322 = tpu.vector_load %arg7[%get3A_320, %get3A_321] {strides = array<i32>} : memref<16x128xf32, #tpu.memory_space<vmem>>, vector<16xf32>,
      %add3A_323 = arith.addf %add3A_318, %get3A_322 : vector<16xf32>
      %get3A_324 = arith.constant 11 : i32
      %get3A_325 = arith.index_cast %get3A_324 : i32 to index
      %get3A_326 = arith.constant 48 : index
      %get3A_327 = tpu.vector_load %arg7[%get3A_325, %get3A_326] {strides = array<i32>} : memref<16x128xf32, #tpu.memory_space<vmem>>, vector<16xf32>,
      %add3A_328 = arith.addf %add3A_323, %get3A_327 : vector<16xf32>
      %get3A_329 = arith.constant 12 : i32
      %get3A_330 = arith.index_cast %get3A_329 : i32 to index
      %get3A_331 = arith.constant 48 : index
      %get3A_332 = tpu.vector_load %arg7[%get3A_330, %get3A_331] {strides = array<i32>} : memref<16x128xf32, #tpu.memory_space<vmem>>, vector<16xf32>,
      %add3A_333 = arith.addf %add3A_328, %get3A_332 : vector<16xf32>
      %get3A_334 = arith.constant 13 : i32
      %get3A_335 = arith.index_cast %get3A_334 : i32 to index
      %get3A_336 = arith.constant 48 : index
      %get3A_337 = tpu.vector_load %arg7[%get3A_335, %get3A_336] {strides = array<i32>} : memref<16x128xf32, #tpu.memory_space<vmem>>, vector<16xf32>,
      %add3A_338 = arith.addf %add3A_333, %get3A_337 : vector<16xf32>
      %get3A_339 = arith.constant 14 : i32
      %get3A_340 = arith.index_cast %get3A_339 : i32 to index
      %get3A_341 = arith.constant 48 : index
      %get3A_342 = tpu.vector_load %arg7[%get3A_340, %get3A_341] {strides = array<i32>} : memref<16x128xf32, #tpu.memory_space<vmem>>, vector<16xf32>,
      %add3A_343 = arith.addf %add3A_338, %get3A_342 : vector<16xf32>
      %get3A_344 = arith.constant 15 : i32
      %get3A_345 = arith.index_cast %get3A_344 : i32 to index
      %get3A_346 = arith.constant 48 : index
      %get3A_347 = tpu.vector_load %arg7[%get3A_345, %get3A_346] {strides = array<i32>} : memref<16x128xf32, #tpu.memory_space<vmem>>, vector<16xf32>,
      %add3A_348 = arith.addf %add3A_343, %get3A_347 : vector<16xf32>
      %max3A_349 = arith.constant 1.000000e+00 : f32
      %max3A_350 = vector.broadcast %max3A_349 : f32 to vector<16xf32>
      %max3A_351 = arith.maximumf %add3A_348, %max3A_350 : vector<16xf32>
      %mul3A_352 = arith.mulf %broadcast_in_dim3A_11, %max3A_351 : vector<16xf32>
      %div3A_353 = arith.constant 1.000000e+00 : f32
      %div3A_354 = vector.broadcast %div3A_353 : f32 to vector<16xf32>
      %div3A_355 = arith.divf %div3A_354, %mul3A_352 : vector<16xf32>
      %swap3A_356 = arith.constant 48 : index
      %swap3A_357 = tpu.vector_load %arg8[%swap3A_356] {strides = array<i32>} : memref<64xf32, #tpu.memory_space<vmem>>, vector<16xf32>,
      tpu.vector_store %arg8[%swap3A_356], %div3A_355 {strides = array<i32>} : memref<64xf32, #tpu.memory_space<vmem>>, vector<16xf32>,
      "tpu.region"() ({
        %run_scoped3A = tpu.sem_alloc : memref<!tpu.dma_semaphore, #tpu.memory_space<semaphore_mem>>
        tpu.enqueue_dma source(%arg8 : memref<64xf32, #tpu.memory_space<vmem>>) target(%arg3 : memref<64xf32, #tpu.memory_space<hbm>>) target_semaphore(%run_scoped3A : memref<!tpu.dma_semaphore, #tpu.memory_space<semaphore_mem>>)
        tpu.wait_dma2 semaphore(%run_scoped3A : memref<!tpu.dma_semaphore, #tpu.memory_space<semaphore_mem>>) src(%arg8 : memref<64xf32, #tpu.memory_space<vmem>>) dst(%arg3 : memref<64xf32, #tpu.memory_space<hbm>>)
        tpu.yield
      }) : () -> ()
    } else {
    }
    return
  }
}

#map = affine_map<(d0, d1) -> (0)>
module attributes {stable_mosaic.version = 14 : i64} {
  func.func @sum_kernel(%arg0: i32, %arg1: i32, %arg2: memref<100000xf32, #tpu.memory_space<hbm>>, %arg3: memref<100000xi32, #tpu.memory_space<hbm>>, %arg4: memref<64xf32, #tpu.memory_space<hbm>>, %arg5: memref<64xf32, #tpu.memory_space<hbm>>, %arg6: memref<6256xf32, #tpu.memory_space<vmem>>, %arg7: memref<6256xi32, #tpu.memory_space<vmem>>, %arg8: memref<16x64xf32, #tpu.memory_space<vmem>>, %arg9: memref<128xf32, #tpu.memory_space<vmem>>, %arg10: memref<16x128xf32, #tpu.memory_space<vmem>>, %arg11: memref<64xf32, #tpu.memory_space<vmem>>, %arg12: memref<64xf32, #tpu.memory_space<vmem>>, %arg13: memref<16x128xf32, #tpu.memory_space<vmem_shared>>) attributes {dimension_semantics = [#tpu.dimension_semantics<core_parallel>, #tpu.dimension_semantics<subcore_parallel>], iteration_bounds = array<i64: 2, 16>, scalar_prefetch = 0 : i64, scratch_operands = 8 : i64, tpu.core_type = #tpu.core_type<sc_vector_subcore>, window_params = [{transform_indices = #map}, {transform_indices = #map}, {transform_indices = #map}, {transform_indices = #map}]} {
    %iota3A = tpu.iota {dimensions = array<i32: 0>} : vector<16xi32>
    %broadcast_in_dim3A = arith.constant 0.000000e+00 : f32
    %broadcast_in_dim3A_0 = vector.broadcast %broadcast_in_dim3A : f32 to vector<16xf32>
    %eq3A = arith.constant 0 : i32
    %eq3A_1 = arith.cmpi eq, %arg0, %eq3A : i32
    %convert_element_type3A = arith.extui %eq3A_1 : i1 to i32
    %cond3A = arith.constant 0 : i32
    %cond3A_2 = arith.cmpi ne, %convert_element_type3A, %cond3A : i32
    scf.if %cond3A_2 {
      %mul3A = arith.constant 6256 : i32
      %mul3A_10 = arith.muli %arg1, %mul3A : i32
      %min3A = arith.constant 93744 : i32
      %min3A_11 = arith.minsi %mul3A_10, %min3A : i32
      "tpu.region"() ({
        %run_scoped3A = tpu.sem_alloc : memref<!tpu.dma_semaphore, #tpu.memory_space<semaphore_mem>>
        %dma_start3A = tpu.memref_slice %arg2[%min3A_11] : memref<100000xf32, #tpu.memory_space<hbm>> -> memref<6256xf32, #tpu.memory_space<hbm>>
        %dma_start3A_644 = tpu.memref_slice %arg2[%min3A_11] : memref<100000xf32, #tpu.memory_space<hbm>> -> memref<6256xf32, #tpu.memory_space<hbm>>
        tpu.enqueue_dma source(%dma_start3A_644 : memref<6256xf32, #tpu.memory_space<hbm>>) target(%arg6 : memref<6256xf32, #tpu.memory_space<vmem>>) target_semaphore(%run_scoped3A : memref<!tpu.dma_semaphore, #tpu.memory_space<semaphore_mem>>)
        %dma_wait3A = tpu.memref_slice %arg2[%min3A_11] : memref<100000xf32, #tpu.memory_space<hbm>> -> memref<6256xf32, #tpu.memory_space<hbm>>
        %dma_wait3A_645 = tpu.memref_slice %arg2[%min3A_11] : memref<100000xf32, #tpu.memory_space<hbm>> -> memref<6256xf32, #tpu.memory_space<hbm>>
        tpu.wait_dma2 semaphore(%run_scoped3A : memref<!tpu.dma_semaphore, #tpu.memory_space<semaphore_mem>>) src(%dma_wait3A_645 : memref<6256xf32, #tpu.memory_space<hbm>>) dst(%arg6 : memref<6256xf32, #tpu.memory_space<vmem>>)
        tpu.yield
      }) : () -> ()
      "tpu.region"() ({
        %run_scoped3A = tpu.sem_alloc : memref<!tpu.dma_semaphore, #tpu.memory_space<semaphore_mem>>
        %dma_start3A = tpu.memref_slice %arg3[%min3A_11] : memref<100000xi32, #tpu.memory_space<hbm>> -> memref<6256xi32, #tpu.memory_space<hbm>>
        %dma_start3A_644 = tpu.memref_slice %arg3[%min3A_11] : memref<100000xi32, #tpu.memory_space<hbm>> -> memref<6256xi32, #tpu.memory_space<hbm>>
        tpu.enqueue_dma source(%dma_start3A_644 : memref<6256xi32, #tpu.memory_space<hbm>>) target(%arg7 : memref<6256xi32, #tpu.memory_space<vmem>>) target_semaphore(%run_scoped3A : memref<!tpu.dma_semaphore, #tpu.memory_space<semaphore_mem>>)
        %dma_wait3A = tpu.memref_slice %arg3[%min3A_11] : memref<100000xi32, #tpu.memory_space<hbm>> -> memref<6256xi32, #tpu.memory_space<hbm>>
        %dma_wait3A_645 = tpu.memref_slice %arg3[%min3A_11] : memref<100000xi32, #tpu.memory_space<hbm>> -> memref<6256xi32, #tpu.memory_space<hbm>>
        tpu.wait_dma2 semaphore(%run_scoped3A : memref<!tpu.dma_semaphore, #tpu.memory_space<semaphore_mem>>) src(%dma_wait3A_645 : memref<6256xi32, #tpu.memory_space<hbm>>) dst(%arg7 : memref<6256xi32, #tpu.memory_space<vmem>>)
        tpu.yield
      }) : () -> ()
      %swap3A = arith.constant 0 : i32
      %swap3A_12 = arith.index_cast %swap3A : i32 to index
      %swap3A_13 = arith.constant 0 : index
      %swap3A_14 = tpu.vector_load %arg8[%swap3A_12, %swap3A_13] {strides = array<i32>} : memref<16x64xf32, #tpu.memory_space<vmem>>, vector<16xf32>,
      tpu.vector_store %arg8[%swap3A_12, %swap3A_13], %broadcast_in_dim3A_0 {strides = array<i32>} : memref<16x64xf32, #tpu.memory_space<vmem>>, vector<16xf32>,
      %swap3A_15 = arith.constant 0 : i32
      %swap3A_16 = arith.index_cast %swap3A_15 : i32 to index
      %swap3A_17 = arith.constant 16 : index
      %swap3A_18 = tpu.vector_load %arg8[%swap3A_16, %swap3A_17] {strides = array<i32>} : memref<16x64xf32, #tpu.memory_space<vmem>>, vector<16xf32>,
      tpu.vector_store %arg8[%swap3A_16, %swap3A_17], %broadcast_in_dim3A_0 {strides = array<i32>} : memref<16x64xf32, #tpu.memory_space<vmem>>, vector<16xf32>,
      %swap3A_19 = arith.constant 0 : i32
      %swap3A_20 = arith.index_cast %swap3A_19 : i32 to index
      %swap3A_21 = arith.constant 32 : index
      %swap3A_22 = tpu.vector_load %arg8[%swap3A_20, %swap3A_21] {strides = array<i32>} : memref<16x64xf32, #tpu.memory_space<vmem>>, vector<16xf32>,
      tpu.vector_store %arg8[%swap3A_20, %swap3A_21], %broadcast_in_dim3A_0 {strides = array<i32>} : memref<16x64xf32, #tpu.memory_space<vmem>>, vector<16xf32>,
      %swap3A_23 = arith.constant 0 : i32
      %swap3A_24 = arith.index_cast %swap3A_23 : i32 to index
      %swap3A_25 = arith.constant 48 : index
      %swap3A_26 = tpu.vector_load %arg8[%swap3A_24, %swap3A_25] {strides = array<i32>} : memref<16x64xf32, #tpu.memory_space<vmem>>, vector<16xf32>,
      tpu.vector_store %arg8[%swap3A_24, %swap3A_25], %broadcast_in_dim3A_0 {strides = array<i32>} : memref<16x64xf32, #tpu.memory_space<vmem>>, vector<16xf32>,
      %swap3A_27 = arith.constant 1 : i32
      %swap3A_28 = arith.index_cast %swap3A_27 : i32 to index
      %swap3A_29 = arith.constant 0 : index
      %swap3A_30 = tpu.vector_load %arg8[%swap3A_28, %swap3A_29] {strides = array<i32>} : memref<16x64xf32, #tpu.memory_space<vmem>>, vector<16xf32>,
      tpu.vector_store %arg8[%swap3A_28, %swap3A_29], %broadcast_in_dim3A_0 {strides = array<i32>} : memref<16x64xf32, #tpu.memory_space<vmem>>, vector<16xf32>,
      %swap3A_31 = arith.constant 1 : i32
      %swap3A_32 = arith.index_cast %swap3A_31 : i32 to index
      %swap3A_33 = arith.constant 16 : index
      %swap3A_34 = tpu.vector_load %arg8[%swap3A_32, %swap3A_33] {strides = array<i32>} : memref<16x64xf32, #tpu.memory_space<vmem>>, vector<16xf32>,
      tpu.vector_store %arg8[%swap3A_32, %swap3A_33], %broadcast_in_dim3A_0 {strides = array<i32>} : memref<16x64xf32, #tpu.memory_space<vmem>>, vector<16xf32>,
      %swap3A_35 = arith.constant 1 : i32
      %swap3A_36 = arith.index_cast %swap3A_35 : i32 to index
      %swap3A_37 = arith.constant 32 : index
      %swap3A_38 = tpu.vector_load %arg8[%swap3A_36, %swap3A_37] {strides = array<i32>} : memref<16x64xf32, #tpu.memory_space<vmem>>, vector<16xf32>,
      tpu.vector_store %arg8[%swap3A_36, %swap3A_37], %broadcast_in_dim3A_0 {strides = array<i32>} : memref<16x64xf32, #tpu.memory_space<vmem>>, vector<16xf32>,
      %swap3A_39 = arith.constant 1 : i32
      %swap3A_40 = arith.index_cast %swap3A_39 : i32 to index
      %swap3A_41 = arith.constant 48 : index
      %swap3A_42 = tpu.vector_load %arg8[%swap3A_40, %swap3A_41] {strides = array<i32>} : memref<16x64xf32, #tpu.memory_space<vmem>>, vector<16xf32>,
      tpu.vector_store %arg8[%swap3A_40, %swap3A_41], %broadcast_in_dim3A_0 {strides = array<i32>} : memref<16x64xf32, #tpu.memory_space<vmem>>, vector<16xf32>,
      %swap3A_43 = arith.constant 2 : i32
      %swap3A_44 = arith.index_cast %swap3A_43 : i32 to index
      %swap3A_45 = arith.constant 0 : index
      %swap3A_46 = tpu.vector_load %arg8[%swap3A_44, %swap3A_45] {strides = array<i32>} : memref<16x64xf32, #tpu.memory_space<vmem>>, vector<16xf32>,
      tpu.vector_store %arg8[%swap3A_44, %swap3A_45], %broadcast_in_dim3A_0 {strides = array<i32>} : memref<16x64xf32, #tpu.memory_space<vmem>>, vector<16xf32>,
      %swap3A_47 = arith.constant 2 : i32
      %swap3A_48 = arith.index_cast %swap3A_47 : i32 to index
      %swap3A_49 = arith.constant 16 : index
      %swap3A_50 = tpu.vector_load %arg8[%swap3A_48, %swap3A_49] {strides = array<i32>} : memref<16x64xf32, #tpu.memory_space<vmem>>, vector<16xf32>,
      tpu.vector_store %arg8[%swap3A_48, %swap3A_49], %broadcast_in_dim3A_0 {strides = array<i32>} : memref<16x64xf32, #tpu.memory_space<vmem>>, vector<16xf32>,
      %swap3A_51 = arith.constant 2 : i32
      %swap3A_52 = arith.index_cast %swap3A_51 : i32 to index
      %swap3A_53 = arith.constant 32 : index
      %swap3A_54 = tpu.vector_load %arg8[%swap3A_52, %swap3A_53] {strides = array<i32>} : memref<16x64xf32, #tpu.memory_space<vmem>>, vector<16xf32>,
      tpu.vector_store %arg8[%swap3A_52, %swap3A_53], %broadcast_in_dim3A_0 {strides = array<i32>} : memref<16x64xf32, #tpu.memory_space<vmem>>, vector<16xf32>,
      %swap3A_55 = arith.constant 2 : i32
      %swap3A_56 = arith.index_cast %swap3A_55 : i32 to index
      %swap3A_57 = arith.constant 48 : index
      %swap3A_58 = tpu.vector_load %arg8[%swap3A_56, %swap3A_57] {strides = array<i32>} : memref<16x64xf32, #tpu.memory_space<vmem>>, vector<16xf32>,
      tpu.vector_store %arg8[%swap3A_56, %swap3A_57], %broadcast_in_dim3A_0 {strides = array<i32>} : memref<16x64xf32, #tpu.memory_space<vmem>>, vector<16xf32>,
      %swap3A_59 = arith.constant 3 : i32
      %swap3A_60 = arith.index_cast %swap3A_59 : i32 to index
      %swap3A_61 = arith.constant 0 : index
      %swap3A_62 = tpu.vector_load %arg8[%swap3A_60, %swap3A_61] {strides = array<i32>} : memref<16x64xf32, #tpu.memory_space<vmem>>, vector<16xf32>,
      tpu.vector_store %arg8[%swap3A_60, %swap3A_61], %broadcast_in_dim3A_0 {strides = array<i32>} : memref<16x64xf32, #tpu.memory_space<vmem>>, vector<16xf32>,
      %swap3A_63 = arith.constant 3 : i32
      %swap3A_64 = arith.index_cast %swap3A_63 : i32 to index
      %swap3A_65 = arith.constant 16 : index
      %swap3A_66 = tpu.vector_load %arg8[%swap3A_64, %swap3A_65] {strides = array<i32>} : memref<16x64xf32, #tpu.memory_space<vmem>>, vector<16xf32>,
      tpu.vector_store %arg8[%swap3A_64, %swap3A_65], %broadcast_in_dim3A_0 {strides = array<i32>} : memref<16x64xf32, #tpu.memory_space<vmem>>, vector<16xf32>,
      %swap3A_67 = arith.constant 3 : i32
      %swap3A_68 = arith.index_cast %swap3A_67 : i32 to index
      %swap3A_69 = arith.constant 32 : index
      %swap3A_70 = tpu.vector_load %arg8[%swap3A_68, %swap3A_69] {strides = array<i32>} : memref<16x64xf32, #tpu.memory_space<vmem>>, vector<16xf32>,
      tpu.vector_store %arg8[%swap3A_68, %swap3A_69], %broadcast_in_dim3A_0 {strides = array<i32>} : memref<16x64xf32, #tpu.memory_space<vmem>>, vector<16xf32>,
      %swap3A_71 = arith.constant 3 : i32
      %swap3A_72 = arith.index_cast %swap3A_71 : i32 to index
      %swap3A_73 = arith.constant 48 : index
      %swap3A_74 = tpu.vector_load %arg8[%swap3A_72, %swap3A_73] {strides = array<i32>} : memref<16x64xf32, #tpu.memory_space<vmem>>, vector<16xf32>,
      tpu.vector_store %arg8[%swap3A_72, %swap3A_73], %broadcast_in_dim3A_0 {strides = array<i32>} : memref<16x64xf32, #tpu.memory_space<vmem>>, vector<16xf32>,
      %swap3A_75 = arith.constant 4 : i32
      %swap3A_76 = arith.index_cast %swap3A_75 : i32 to index
      %swap3A_77 = arith.constant 0 : index
      %swap3A_78 = tpu.vector_load %arg8[%swap3A_76, %swap3A_77] {strides = array<i32>} : memref<16x64xf32, #tpu.memory_space<vmem>>, vector<16xf32>,
      tpu.vector_store %arg8[%swap3A_76, %swap3A_77], %broadcast_in_dim3A_0 {strides = array<i32>} : memref<16x64xf32, #tpu.memory_space<vmem>>, vector<16xf32>,
      %swap3A_79 = arith.constant 4 : i32
      %swap3A_80 = arith.index_cast %swap3A_79 : i32 to index
      %swap3A_81 = arith.constant 16 : index
      %swap3A_82 = tpu.vector_load %arg8[%swap3A_80, %swap3A_81] {strides = array<i32>} : memref<16x64xf32, #tpu.memory_space<vmem>>, vector<16xf32>,
      tpu.vector_store %arg8[%swap3A_80, %swap3A_81], %broadcast_in_dim3A_0 {strides = array<i32>} : memref<16x64xf32, #tpu.memory_space<vmem>>, vector<16xf32>,
      %swap3A_83 = arith.constant 4 : i32
      %swap3A_84 = arith.index_cast %swap3A_83 : i32 to index
      %swap3A_85 = arith.constant 32 : index
      %swap3A_86 = tpu.vector_load %arg8[%swap3A_84, %swap3A_85] {strides = array<i32>} : memref<16x64xf32, #tpu.memory_space<vmem>>, vector<16xf32>,
      tpu.vector_store %arg8[%swap3A_84, %swap3A_85], %broadcast_in_dim3A_0 {strides = array<i32>} : memref<16x64xf32, #tpu.memory_space<vmem>>, vector<16xf32>,
      %swap3A_87 = arith.constant 4 : i32
      %swap3A_88 = arith.index_cast %swap3A_87 : i32 to index
      %swap3A_89 = arith.constant 48 : index
      %swap3A_90 = tpu.vector_load %arg8[%swap3A_88, %swap3A_89] {strides = array<i32>} : memref<16x64xf32, #tpu.memory_space<vmem>>, vector<16xf32>,
      tpu.vector_store %arg8[%swap3A_88, %swap3A_89], %broadcast_in_dim3A_0 {strides = array<i32>} : memref<16x64xf32, #tpu.memory_space<vmem>>, vector<16xf32>,
      %swap3A_91 = arith.constant 5 : i32
      %swap3A_92 = arith.index_cast %swap3A_91 : i32 to index
      %swap3A_93 = arith.constant 0 : index
      %swap3A_94 = tpu.vector_load %arg8[%swap3A_92, %swap3A_93] {strides = array<i32>} : memref<16x64xf32, #tpu.memory_space<vmem>>, vector<16xf32>,
      tpu.vector_store %arg8[%swap3A_92, %swap3A_93], %broadcast_in_dim3A_0 {strides = array<i32>} : memref<16x64xf32, #tpu.memory_space<vmem>>, vector<16xf32>,
      %swap3A_95 = arith.constant 5 : i32
      %swap3A_96 = arith.index_cast %swap3A_95 : i32 to index
      %swap3A_97 = arith.constant 16 : index
      %swap3A_98 = tpu.vector_load %arg8[%swap3A_96, %swap3A_97] {strides = array<i32>} : memref<16x64xf32, #tpu.memory_space<vmem>>, vector<16xf32>,
      tpu.vector_store %arg8[%swap3A_96, %swap3A_97], %broadcast_in_dim3A_0 {strides = array<i32>} : memref<16x64xf32, #tpu.memory_space<vmem>>, vector<16xf32>,
      %swap3A_99 = arith.constant 5 : i32
      %swap3A_100 = arith.index_cast %swap3A_99 : i32 to index
      %swap3A_101 = arith.constant 32 : index
      %swap3A_102 = tpu.vector_load %arg8[%swap3A_100, %swap3A_101] {strides = array<i32>} : memref<16x64xf32, #tpu.memory_space<vmem>>, vector<16xf32>,
      tpu.vector_store %arg8[%swap3A_100, %swap3A_101], %broadcast_in_dim3A_0 {strides = array<i32>} : memref<16x64xf32, #tpu.memory_space<vmem>>, vector<16xf32>,
      %swap3A_103 = arith.constant 5 : i32
      %swap3A_104 = arith.index_cast %swap3A_103 : i32 to index
      %swap3A_105 = arith.constant 48 : index
      %swap3A_106 = tpu.vector_load %arg8[%swap3A_104, %swap3A_105] {strides = array<i32>} : memref<16x64xf32, #tpu.memory_space<vmem>>, vector<16xf32>,
      tpu.vector_store %arg8[%swap3A_104, %swap3A_105], %broadcast_in_dim3A_0 {strides = array<i32>} : memref<16x64xf32, #tpu.memory_space<vmem>>, vector<16xf32>,
      %swap3A_107 = arith.constant 6 : i32
      %swap3A_108 = arith.index_cast %swap3A_107 : i32 to index
      %swap3A_109 = arith.constant 0 : index
      %swap3A_110 = tpu.vector_load %arg8[%swap3A_108, %swap3A_109] {strides = array<i32>} : memref<16x64xf32, #tpu.memory_space<vmem>>, vector<16xf32>,
      tpu.vector_store %arg8[%swap3A_108, %swap3A_109], %broadcast_in_dim3A_0 {strides = array<i32>} : memref<16x64xf32, #tpu.memory_space<vmem>>, vector<16xf32>,
      %swap3A_111 = arith.constant 6 : i32
      %swap3A_112 = arith.index_cast %swap3A_111 : i32 to index
      %swap3A_113 = arith.constant 16 : index
      %swap3A_114 = tpu.vector_load %arg8[%swap3A_112, %swap3A_113] {strides = array<i32>} : memref<16x64xf32, #tpu.memory_space<vmem>>, vector<16xf32>,
      tpu.vector_store %arg8[%swap3A_112, %swap3A_113], %broadcast_in_dim3A_0 {strides = array<i32>} : memref<16x64xf32, #tpu.memory_space<vmem>>, vector<16xf32>,
      %swap3A_115 = arith.constant 6 : i32
      %swap3A_116 = arith.index_cast %swap3A_115 : i32 to index
      %swap3A_117 = arith.constant 32 : index
      %swap3A_118 = tpu.vector_load %arg8[%swap3A_116, %swap3A_117] {strides = array<i32>} : memref<16x64xf32, #tpu.memory_space<vmem>>, vector<16xf32>,
      tpu.vector_store %arg8[%swap3A_116, %swap3A_117], %broadcast_in_dim3A_0 {strides = array<i32>} : memref<16x64xf32, #tpu.memory_space<vmem>>, vector<16xf32>,
      %swap3A_119 = arith.constant 6 : i32
      %swap3A_120 = arith.index_cast %swap3A_119 : i32 to index
      %swap3A_121 = arith.constant 48 : index
      %swap3A_122 = tpu.vector_load %arg8[%swap3A_120, %swap3A_121] {strides = array<i32>} : memref<16x64xf32, #tpu.memory_space<vmem>>, vector<16xf32>,
      tpu.vector_store %arg8[%swap3A_120, %swap3A_121], %broadcast_in_dim3A_0 {strides = array<i32>} : memref<16x64xf32, #tpu.memory_space<vmem>>, vector<16xf32>,
      %swap3A_123 = arith.constant 7 : i32
      %swap3A_124 = arith.index_cast %swap3A_123 : i32 to index
      %swap3A_125 = arith.constant 0 : index
      %swap3A_126 = tpu.vector_load %arg8[%swap3A_124, %swap3A_125] {strides = array<i32>} : memref<16x64xf32, #tpu.memory_space<vmem>>, vector<16xf32>,
      tpu.vector_store %arg8[%swap3A_124, %swap3A_125], %broadcast_in_dim3A_0 {strides = array<i32>} : memref<16x64xf32, #tpu.memory_space<vmem>>, vector<16xf32>,
      %swap3A_127 = arith.constant 7 : i32
      %swap3A_128 = arith.index_cast %swap3A_127 : i32 to index
      %swap3A_129 = arith.constant 16 : index
      %swap3A_130 = tpu.vector_load %arg8[%swap3A_128, %swap3A_129] {strides = array<i32>} : memref<16x64xf32, #tpu.memory_space<vmem>>, vector<16xf32>,
      tpu.vector_store %arg8[%swap3A_128, %swap3A_129], %broadcast_in_dim3A_0 {strides = array<i32>} : memref<16x64xf32, #tpu.memory_space<vmem>>, vector<16xf32>,
      %swap3A_131 = arith.constant 7 : i32
      %swap3A_132 = arith.index_cast %swap3A_131 : i32 to index
      %swap3A_133 = arith.constant 32 : index
      %swap3A_134 = tpu.vector_load %arg8[%swap3A_132, %swap3A_133] {strides = array<i32>} : memref<16x64xf32, #tpu.memory_space<vmem>>, vector<16xf32>,
      tpu.vector_store %arg8[%swap3A_132, %swap3A_133], %broadcast_in_dim3A_0 {strides = array<i32>} : memref<16x64xf32, #tpu.memory_space<vmem>>, vector<16xf32>,
      %swap3A_135 = arith.constant 7 : i32
      %swap3A_136 = arith.index_cast %swap3A_135 : i32 to index
      %swap3A_137 = arith.constant 48 : index
      %swap3A_138 = tpu.vector_load %arg8[%swap3A_136, %swap3A_137] {strides = array<i32>} : memref<16x64xf32, #tpu.memory_space<vmem>>, vector<16xf32>,
      tpu.vector_store %arg8[%swap3A_136, %swap3A_137], %broadcast_in_dim3A_0 {strides = array<i32>} : memref<16x64xf32, #tpu.memory_space<vmem>>, vector<16xf32>,
      %swap3A_139 = arith.constant 8 : i32
      %swap3A_140 = arith.index_cast %swap3A_139 : i32 to index
      %swap3A_141 = arith.constant 0 : index
      %swap3A_142 = tpu.vector_load %arg8[%swap3A_140, %swap3A_141] {strides = array<i32>} : memref<16x64xf32, #tpu.memory_space<vmem>>, vector<16xf32>,
      tpu.vector_store %arg8[%swap3A_140, %swap3A_141], %broadcast_in_dim3A_0 {strides = array<i32>} : memref<16x64xf32, #tpu.memory_space<vmem>>, vector<16xf32>,
      %swap3A_143 = arith.constant 8 : i32
      %swap3A_144 = arith.index_cast %swap3A_143 : i32 to index
      %swap3A_145 = arith.constant 16 : index
      %swap3A_146 = tpu.vector_load %arg8[%swap3A_144, %swap3A_145] {strides = array<i32>} : memref<16x64xf32, #tpu.memory_space<vmem>>, vector<16xf32>,
      tpu.vector_store %arg8[%swap3A_144, %swap3A_145], %broadcast_in_dim3A_0 {strides = array<i32>} : memref<16x64xf32, #tpu.memory_space<vmem>>, vector<16xf32>,
      %swap3A_147 = arith.constant 8 : i32
      %swap3A_148 = arith.index_cast %swap3A_147 : i32 to index
      %swap3A_149 = arith.constant 32 : index
      %swap3A_150 = tpu.vector_load %arg8[%swap3A_148, %swap3A_149] {strides = array<i32>} : memref<16x64xf32, #tpu.memory_space<vmem>>, vector<16xf32>,
      tpu.vector_store %arg8[%swap3A_148, %swap3A_149], %broadcast_in_dim3A_0 {strides = array<i32>} : memref<16x64xf32, #tpu.memory_space<vmem>>, vector<16xf32>,
      %swap3A_151 = arith.constant 8 : i32
      %swap3A_152 = arith.index_cast %swap3A_151 : i32 to index
      %swap3A_153 = arith.constant 48 : index
      %swap3A_154 = tpu.vector_load %arg8[%swap3A_152, %swap3A_153] {strides = array<i32>} : memref<16x64xf32, #tpu.memory_space<vmem>>, vector<16xf32>,
      tpu.vector_store %arg8[%swap3A_152, %swap3A_153], %broadcast_in_dim3A_0 {strides = array<i32>} : memref<16x64xf32, #tpu.memory_space<vmem>>, vector<16xf32>,
      %swap3A_155 = arith.constant 9 : i32
      %swap3A_156 = arith.index_cast %swap3A_155 : i32 to index
      %swap3A_157 = arith.constant 0 : index
      %swap3A_158 = tpu.vector_load %arg8[%swap3A_156, %swap3A_157] {strides = array<i32>} : memref<16x64xf32, #tpu.memory_space<vmem>>, vector<16xf32>,
      tpu.vector_store %arg8[%swap3A_156, %swap3A_157], %broadcast_in_dim3A_0 {strides = array<i32>} : memref<16x64xf32, #tpu.memory_space<vmem>>, vector<16xf32>,
      %swap3A_159 = arith.constant 9 : i32
      %swap3A_160 = arith.index_cast %swap3A_159 : i32 to index
      %swap3A_161 = arith.constant 16 : index
      %swap3A_162 = tpu.vector_load %arg8[%swap3A_160, %swap3A_161] {strides = array<i32>} : memref<16x64xf32, #tpu.memory_space<vmem>>, vector<16xf32>,
      tpu.vector_store %arg8[%swap3A_160, %swap3A_161], %broadcast_in_dim3A_0 {strides = array<i32>} : memref<16x64xf32, #tpu.memory_space<vmem>>, vector<16xf32>,
      %swap3A_163 = arith.constant 9 : i32
      %swap3A_164 = arith.index_cast %swap3A_163 : i32 to index
      %swap3A_165 = arith.constant 32 : index
      %swap3A_166 = tpu.vector_load %arg8[%swap3A_164, %swap3A_165] {strides = array<i32>} : memref<16x64xf32, #tpu.memory_space<vmem>>, vector<16xf32>,
      tpu.vector_store %arg8[%swap3A_164, %swap3A_165], %broadcast_in_dim3A_0 {strides = array<i32>} : memref<16x64xf32, #tpu.memory_space<vmem>>, vector<16xf32>,
      %swap3A_167 = arith.constant 9 : i32
      %swap3A_168 = arith.index_cast %swap3A_167 : i32 to index
      %swap3A_169 = arith.constant 48 : index
      %swap3A_170 = tpu.vector_load %arg8[%swap3A_168, %swap3A_169] {strides = array<i32>} : memref<16x64xf32, #tpu.memory_space<vmem>>, vector<16xf32>,
      tpu.vector_store %arg8[%swap3A_168, %swap3A_169], %broadcast_in_dim3A_0 {strides = array<i32>} : memref<16x64xf32, #tpu.memory_space<vmem>>, vector<16xf32>,
      %swap3A_171 = arith.constant 10 : i32
      %swap3A_172 = arith.index_cast %swap3A_171 : i32 to index
      %swap3A_173 = arith.constant 0 : index
      %swap3A_174 = tpu.vector_load %arg8[%swap3A_172, %swap3A_173] {strides = array<i32>} : memref<16x64xf32, #tpu.memory_space<vmem>>, vector<16xf32>,
      tpu.vector_store %arg8[%swap3A_172, %swap3A_173], %broadcast_in_dim3A_0 {strides = array<i32>} : memref<16x64xf32, #tpu.memory_space<vmem>>, vector<16xf32>,
      %swap3A_175 = arith.constant 10 : i32
      %swap3A_176 = arith.index_cast %swap3A_175 : i32 to index
      %swap3A_177 = arith.constant 16 : index
      %swap3A_178 = tpu.vector_load %arg8[%swap3A_176, %swap3A_177] {strides = array<i32>} : memref<16x64xf32, #tpu.memory_space<vmem>>, vector<16xf32>,
      tpu.vector_store %arg8[%swap3A_176, %swap3A_177], %broadcast_in_dim3A_0 {strides = array<i32>} : memref<16x64xf32, #tpu.memory_space<vmem>>, vector<16xf32>,
      %swap3A_179 = arith.constant 10 : i32
      %swap3A_180 = arith.index_cast %swap3A_179 : i32 to index
      %swap3A_181 = arith.constant 32 : index
      %swap3A_182 = tpu.vector_load %arg8[%swap3A_180, %swap3A_181] {strides = array<i32>} : memref<16x64xf32, #tpu.memory_space<vmem>>, vector<16xf32>,
      tpu.vector_store %arg8[%swap3A_180, %swap3A_181], %broadcast_in_dim3A_0 {strides = array<i32>} : memref<16x64xf32, #tpu.memory_space<vmem>>, vector<16xf32>,
      %swap3A_183 = arith.constant 10 : i32
      %swap3A_184 = arith.index_cast %swap3A_183 : i32 to index
      %swap3A_185 = arith.constant 48 : index
      %swap3A_186 = tpu.vector_load %arg8[%swap3A_184, %swap3A_185] {strides = array<i32>} : memref<16x64xf32, #tpu.memory_space<vmem>>, vector<16xf32>,
      tpu.vector_store %arg8[%swap3A_184, %swap3A_185], %broadcast_in_dim3A_0 {strides = array<i32>} : memref<16x64xf32, #tpu.memory_space<vmem>>, vector<16xf32>,
      %swap3A_187 = arith.constant 11 : i32
      %swap3A_188 = arith.index_cast %swap3A_187 : i32 to index
      %swap3A_189 = arith.constant 0 : index
      %swap3A_190 = tpu.vector_load %arg8[%swap3A_188, %swap3A_189] {strides = array<i32>} : memref<16x64xf32, #tpu.memory_space<vmem>>, vector<16xf32>,
      tpu.vector_store %arg8[%swap3A_188, %swap3A_189], %broadcast_in_dim3A_0 {strides = array<i32>} : memref<16x64xf32, #tpu.memory_space<vmem>>, vector<16xf32>,
      %swap3A_191 = arith.constant 11 : i32
      %swap3A_192 = arith.index_cast %swap3A_191 : i32 to index
      %swap3A_193 = arith.constant 16 : index
      %swap3A_194 = tpu.vector_load %arg8[%swap3A_192, %swap3A_193] {strides = array<i32>} : memref<16x64xf32, #tpu.memory_space<vmem>>, vector<16xf32>,
      tpu.vector_store %arg8[%swap3A_192, %swap3A_193], %broadcast_in_dim3A_0 {strides = array<i32>} : memref<16x64xf32, #tpu.memory_space<vmem>>, vector<16xf32>,
      %swap3A_195 = arith.constant 11 : i32
      %swap3A_196 = arith.index_cast %swap3A_195 : i32 to index
      %swap3A_197 = arith.constant 32 : index
      %swap3A_198 = tpu.vector_load %arg8[%swap3A_196, %swap3A_197] {strides = array<i32>} : memref<16x64xf32, #tpu.memory_space<vmem>>, vector<16xf32>,
      tpu.vector_store %arg8[%swap3A_196, %swap3A_197], %broadcast_in_dim3A_0 {strides = array<i32>} : memref<16x64xf32, #tpu.memory_space<vmem>>, vector<16xf32>,
      %swap3A_199 = arith.constant 11 : i32
      %swap3A_200 = arith.index_cast %swap3A_199 : i32 to index
      %swap3A_201 = arith.constant 48 : index
      %swap3A_202 = tpu.vector_load %arg8[%swap3A_200, %swap3A_201] {strides = array<i32>} : memref<16x64xf32, #tpu.memory_space<vmem>>, vector<16xf32>,
      tpu.vector_store %arg8[%swap3A_200, %swap3A_201], %broadcast_in_dim3A_0 {strides = array<i32>} : memref<16x64xf32, #tpu.memory_space<vmem>>, vector<16xf32>,
      %swap3A_203 = arith.constant 12 : i32
      %swap3A_204 = arith.index_cast %swap3A_203 : i32 to index
      %swap3A_205 = arith.constant 0 : index
      %swap3A_206 = tpu.vector_load %arg8[%swap3A_204, %swap3A_205] {strides = array<i32>} : memref<16x64xf32, #tpu.memory_space<vmem>>, vector<16xf32>,
      tpu.vector_store %arg8[%swap3A_204, %swap3A_205], %broadcast_in_dim3A_0 {strides = array<i32>} : memref<16x64xf32, #tpu.memory_space<vmem>>, vector<16xf32>,
      %swap3A_207 = arith.constant 12 : i32
      %swap3A_208 = arith.index_cast %swap3A_207 : i32 to index
      %swap3A_209 = arith.constant 16 : index
      %swap3A_210 = tpu.vector_load %arg8[%swap3A_208, %swap3A_209] {strides = array<i32>} : memref<16x64xf32, #tpu.memory_space<vmem>>, vector<16xf32>,
      tpu.vector_store %arg8[%swap3A_208, %swap3A_209], %broadcast_in_dim3A_0 {strides = array<i32>} : memref<16x64xf32, #tpu.memory_space<vmem>>, vector<16xf32>,
      %swap3A_211 = arith.constant 12 : i32
      %swap3A_212 = arith.index_cast %swap3A_211 : i32 to index
      %swap3A_213 = arith.constant 32 : index
      %swap3A_214 = tpu.vector_load %arg8[%swap3A_212, %swap3A_213] {strides = array<i32>} : memref<16x64xf32, #tpu.memory_space<vmem>>, vector<16xf32>,
      tpu.vector_store %arg8[%swap3A_212, %swap3A_213], %broadcast_in_dim3A_0 {strides = array<i32>} : memref<16x64xf32, #tpu.memory_space<vmem>>, vector<16xf32>,
      %swap3A_215 = arith.constant 12 : i32
      %swap3A_216 = arith.index_cast %swap3A_215 : i32 to index
      %swap3A_217 = arith.constant 48 : index
      %swap3A_218 = tpu.vector_load %arg8[%swap3A_216, %swap3A_217] {strides = array<i32>} : memref<16x64xf32, #tpu.memory_space<vmem>>, vector<16xf32>,
      tpu.vector_store %arg8[%swap3A_216, %swap3A_217], %broadcast_in_dim3A_0 {strides = array<i32>} : memref<16x64xf32, #tpu.memory_space<vmem>>, vector<16xf32>,
      %swap3A_219 = arith.constant 13 : i32
      %swap3A_220 = arith.index_cast %swap3A_219 : i32 to index
      %swap3A_221 = arith.constant 0 : index
      %swap3A_222 = tpu.vector_load %arg8[%swap3A_220, %swap3A_221] {strides = array<i32>} : memref<16x64xf32, #tpu.memory_space<vmem>>, vector<16xf32>,
      tpu.vector_store %arg8[%swap3A_220, %swap3A_221], %broadcast_in_dim3A_0 {strides = array<i32>} : memref<16x64xf32, #tpu.memory_space<vmem>>, vector<16xf32>,
      %swap3A_223 = arith.constant 13 : i32
      %swap3A_224 = arith.index_cast %swap3A_223 : i32 to index
      %swap3A_225 = arith.constant 16 : index
      %swap3A_226 = tpu.vector_load %arg8[%swap3A_224, %swap3A_225] {strides = array<i32>} : memref<16x64xf32, #tpu.memory_space<vmem>>, vector<16xf32>,
      tpu.vector_store %arg8[%swap3A_224, %swap3A_225], %broadcast_in_dim3A_0 {strides = array<i32>} : memref<16x64xf32, #tpu.memory_space<vmem>>, vector<16xf32>,
      %swap3A_227 = arith.constant 13 : i32
      %swap3A_228 = arith.index_cast %swap3A_227 : i32 to index
      %swap3A_229 = arith.constant 32 : index
      %swap3A_230 = tpu.vector_load %arg8[%swap3A_228, %swap3A_229] {strides = array<i32>} : memref<16x64xf32, #tpu.memory_space<vmem>>, vector<16xf32>,
      tpu.vector_store %arg8[%swap3A_228, %swap3A_229], %broadcast_in_dim3A_0 {strides = array<i32>} : memref<16x64xf32, #tpu.memory_space<vmem>>, vector<16xf32>,
      %swap3A_231 = arith.constant 13 : i32
      %swap3A_232 = arith.index_cast %swap3A_231 : i32 to index
      %swap3A_233 = arith.constant 48 : index
      %swap3A_234 = tpu.vector_load %arg8[%swap3A_232, %swap3A_233] {strides = array<i32>} : memref<16x64xf32, #tpu.memory_space<vmem>>, vector<16xf32>,
      tpu.vector_store %arg8[%swap3A_232, %swap3A_233], %broadcast_in_dim3A_0 {strides = array<i32>} : memref<16x64xf32, #tpu.memory_space<vmem>>, vector<16xf32>,
      %swap3A_235 = arith.constant 14 : i32
      %swap3A_236 = arith.index_cast %swap3A_235 : i32 to index
      %swap3A_237 = arith.constant 0 : index
      %swap3A_238 = tpu.vector_load %arg8[%swap3A_236, %swap3A_237] {strides = array<i32>} : memref<16x64xf32, #tpu.memory_space<vmem>>, vector<16xf32>,
      tpu.vector_store %arg8[%swap3A_236, %swap3A_237], %broadcast_in_dim3A_0 {strides = array<i32>} : memref<16x64xf32, #tpu.memory_space<vmem>>, vector<16xf32>,
      %swap3A_239 = arith.constant 14 : i32
      %swap3A_240 = arith.index_cast %swap3A_239 : i32 to index
      %swap3A_241 = arith.constant 16 : index
      %swap3A_242 = tpu.vector_load %arg8[%swap3A_240, %swap3A_241] {strides = array<i32>} : memref<16x64xf32, #tpu.memory_space<vmem>>, vector<16xf32>,
      tpu.vector_store %arg8[%swap3A_240, %swap3A_241], %broadcast_in_dim3A_0 {strides = array<i32>} : memref<16x64xf32, #tpu.memory_space<vmem>>, vector<16xf32>,
      %swap3A_243 = arith.constant 14 : i32
      %swap3A_244 = arith.index_cast %swap3A_243 : i32 to index
      %swap3A_245 = arith.constant 32 : index
      %swap3A_246 = tpu.vector_load %arg8[%swap3A_244, %swap3A_245] {strides = array<i32>} : memref<16x64xf32, #tpu.memory_space<vmem>>, vector<16xf32>,
      tpu.vector_store %arg8[%swap3A_244, %swap3A_245], %broadcast_in_dim3A_0 {strides = array<i32>} : memref<16x64xf32, #tpu.memory_space<vmem>>, vector<16xf32>,
      %swap3A_247 = arith.constant 14 : i32
      %swap3A_248 = arith.index_cast %swap3A_247 : i32 to index
      %swap3A_249 = arith.constant 48 : index
      %swap3A_250 = tpu.vector_load %arg8[%swap3A_248, %swap3A_249] {strides = array<i32>} : memref<16x64xf32, #tpu.memory_space<vmem>>, vector<16xf32>,
      tpu.vector_store %arg8[%swap3A_248, %swap3A_249], %broadcast_in_dim3A_0 {strides = array<i32>} : memref<16x64xf32, #tpu.memory_space<vmem>>, vector<16xf32>,
      %swap3A_251 = arith.constant 15 : i32
      %swap3A_252 = arith.index_cast %swap3A_251 : i32 to index
      %swap3A_253 = arith.constant 0 : index
      %swap3A_254 = tpu.vector_load %arg8[%swap3A_252, %swap3A_253] {strides = array<i32>} : memref<16x64xf32, #tpu.memory_space<vmem>>, vector<16xf32>,
      tpu.vector_store %arg8[%swap3A_252, %swap3A_253], %broadcast_in_dim3A_0 {strides = array<i32>} : memref<16x64xf32, #tpu.memory_space<vmem>>, vector<16xf32>,
      %swap3A_255 = arith.constant 15 : i32
      %swap3A_256 = arith.index_cast %swap3A_255 : i32 to index
      %swap3A_257 = arith.constant 16 : index
      %swap3A_258 = tpu.vector_load %arg8[%swap3A_256, %swap3A_257] {strides = array<i32>} : memref<16x64xf32, #tpu.memory_space<vmem>>, vector<16xf32>,
      tpu.vector_store %arg8[%swap3A_256, %swap3A_257], %broadcast_in_dim3A_0 {strides = array<i32>} : memref<16x64xf32, #tpu.memory_space<vmem>>, vector<16xf32>,
      %swap3A_259 = arith.constant 15 : i32
      %swap3A_260 = arith.index_cast %swap3A_259 : i32 to index
      %swap3A_261 = arith.constant 32 : index
      %swap3A_262 = tpu.vector_load %arg8[%swap3A_260, %swap3A_261] {strides = array<i32>} : memref<16x64xf32, #tpu.memory_space<vmem>>, vector<16xf32>,
      tpu.vector_store %arg8[%swap3A_260, %swap3A_261], %broadcast_in_dim3A_0 {strides = array<i32>} : memref<16x64xf32, #tpu.memory_space<vmem>>, vector<16xf32>,
      %swap3A_263 = arith.constant 15 : i32
      %swap3A_264 = arith.index_cast %swap3A_263 : i32 to index
      %swap3A_265 = arith.constant 48 : index
      %swap3A_266 = tpu.vector_load %arg8[%swap3A_264, %swap3A_265] {strides = array<i32>} : memref<16x64xf32, #tpu.memory_space<vmem>>, vector<16xf32>,
      tpu.vector_store %arg8[%swap3A_264, %swap3A_265], %broadcast_in_dim3A_0 {strides = array<i32>} : memref<16x64xf32, #tpu.memory_space<vmem>>, vector<16xf32>,
      %scan3A = arith.constant 0 : i32
      %scan3A_267 = arith.constant 0 : i32
      %scan3A_268 = arith.constant 388 : i32
      %scan3A_269 = arith.addi %scan3A_267, %scan3A_268 : i32
      %scan3A_270 = arith.constant 4 : i32
      scf.for %scan3A_644 = %scan3A_267 to %scan3A_269 step %scan3A_270  : i32 {
        %mul3A_645 = arith.constant 16 : i32
        %mul3A_646 = arith.muli %scan3A_644, %mul3A_645 : i32
        %get3A_647 = arith.index_cast %mul3A_646 : i32 to index
        %get3A_648 = tpu.vector_load %arg6[%get3A_647] {strides = array<i32>} : memref<6256xf32, #tpu.memory_space<vmem>>, vector<16xf32>,
        %mul3A_649 = arith.constant 16 : i32
        %mul3A_650 = arith.muli %scan3A_644, %mul3A_649 : i32
        %get3A_651 = arith.index_cast %mul3A_650 : i32 to index
        %get3A_652 = tpu.vector_load %arg7[%get3A_651] {strides = array<i32>} : memref<6256xi32, #tpu.memory_space<vmem>>, vector<16xi32>,
        %mul3A_653 = arith.constant 16 : i32
        %mul3A_654 = arith.muli %scan3A_644, %mul3A_653 : i32
        %add3A_655 = arith.addi %min3A_11, %mul3A_654 : i32
        %add3A_656 = vector.broadcast %add3A_655 : i32 to vector<16xi32>
        %add3A_657 = arith.addi %add3A_656, %iota3A : vector<16xi32>
        %ge3A_658 = vector.broadcast %mul3A_10 : i32 to vector<16xi32>
        %ge3A_659 = arith.cmpi sge, %add3A_657, %ge3A_658 : vector<16xi32>
        tpu.vector_store_idx %arg8[%iota3A, %get3A_652], %get3A_648 masked %ge3A_659 {add = true} : memref<16x64xf32, #tpu.memory_space<vmem>>[vector<16xi32>, vector<16xi32>], vector<16xf32>, vector<16xi1>
        %scan3A_660 = arith.constant 1 : i32
        %scan3A_661 = arith.addi %scan3A_644, %scan3A_660 : i32
        %mul3A_662 = arith.constant 16 : i32
        %mul3A_663 = arith.muli %scan3A_661, %mul3A_662 : i32
        %get3A_664 = arith.index_cast %mul3A_663 : i32 to index
        %get3A_665 = tpu.vector_load %arg6[%get3A_664] {strides = array<i32>} : memref<6256xf32, #tpu.memory_space<vmem>>, vector<16xf32>,
        %mul3A_666 = arith.constant 16 : i32
        %mul3A_667 = arith.muli %scan3A_661, %mul3A_666 : i32
        %get3A_668 = arith.index_cast %mul3A_667 : i32 to index
        %get3A_669 = tpu.vector_load %arg7[%get3A_668] {strides = array<i32>} : memref<6256xi32, #tpu.memory_space<vmem>>, vector<16xi32>,
        %mul3A_670 = arith.constant 16 : i32
        %mul3A_671 = arith.muli %scan3A_661, %mul3A_670 : i32
        %add3A_672 = arith.addi %min3A_11, %mul3A_671 : i32
        %add3A_673 = vector.broadcast %add3A_672 : i32 to vector<16xi32>
        %add3A_674 = arith.addi %add3A_673, %iota3A : vector<16xi32>
        %ge3A_675 = vector.broadcast %mul3A_10 : i32 to vector<16xi32>
        %ge3A_676 = arith.cmpi sge, %add3A_674, %ge3A_675 : vector<16xi32>
        tpu.vector_store_idx %arg8[%iota3A, %get3A_669], %get3A_665 masked %ge3A_676 {add = true} : memref<16x64xf32, #tpu.memory_space<vmem>>[vector<16xi32>, vector<16xi32>], vector<16xf32>, vector<16xi1>
        %scan3A_677 = arith.constant 2 : i32
        %scan3A_678 = arith.addi %scan3A_644, %scan3A_677 : i32
        %mul3A_679 = arith.constant 16 : i32
        %mul3A_680 = arith.muli %scan3A_678, %mul3A_679 : i32
        %get3A_681 = arith.index_cast %mul3A_680 : i32 to index
        %get3A_682 = tpu.vector_load %arg6[%get3A_681] {strides = array<i32>} : memref<6256xf32, #tpu.memory_space<vmem>>, vector<16xf32>,
        %mul3A_683 = arith.constant 16 : i32
        %mul3A_684 = arith.muli %scan3A_678, %mul3A_683 : i32
        %get3A_685 = arith.index_cast %mul3A_684 : i32 to index
        %get3A_686 = tpu.vector_load %arg7[%get3A_685] {strides = array<i32>} : memref<6256xi32, #tpu.memory_space<vmem>>, vector<16xi32>,
        %mul3A_687 = arith.constant 16 : i32
        %mul3A_688 = arith.muli %scan3A_678, %mul3A_687 : i32
        %add3A_689 = arith.addi %min3A_11, %mul3A_688 : i32
        %add3A_690 = vector.broadcast %add3A_689 : i32 to vector<16xi32>
        %add3A_691 = arith.addi %add3A_690, %iota3A : vector<16xi32>
        %ge3A_692 = vector.broadcast %mul3A_10 : i32 to vector<16xi32>
        %ge3A_693 = arith.cmpi sge, %add3A_691, %ge3A_692 : vector<16xi32>
        tpu.vector_store_idx %arg8[%iota3A, %get3A_686], %get3A_682 masked %ge3A_693 {add = true} : memref<16x64xf32, #tpu.memory_space<vmem>>[vector<16xi32>, vector<16xi32>], vector<16xf32>, vector<16xi1>
        %scan3A_694 = arith.constant 3 : i32
        %scan3A_695 = arith.addi %scan3A_644, %scan3A_694 : i32
        %mul3A_696 = arith.constant 16 : i32
        %mul3A_697 = arith.muli %scan3A_695, %mul3A_696 : i32
        %get3A_698 = arith.index_cast %mul3A_697 : i32 to index
        %get3A_699 = tpu.vector_load %arg6[%get3A_698] {strides = array<i32>} : memref<6256xf32, #tpu.memory_space<vmem>>, vector<16xf32>,
        %mul3A_700 = arith.constant 16 : i32
        %mul3A_701 = arith.muli %scan3A_695, %mul3A_700 : i32
        %get3A_702 = arith.index_cast %mul3A_701 : i32 to index
        %get3A_703 = tpu.vector_load %arg7[%get3A_702] {strides = array<i32>} : memref<6256xi32, #tpu.memory_space<vmem>>, vector<16xi32>,
        %mul3A_704 = arith.constant 16 : i32
        %mul3A_705 = arith.muli %scan3A_695, %mul3A_704 : i32
        %add3A_706 = arith.addi %min3A_11, %mul3A_705 : i32
        %add3A_707 = vector.broadcast %add3A_706 : i32 to vector<16xi32>
        %add3A_708 = arith.addi %add3A_707, %iota3A : vector<16xi32>
        %ge3A_709 = vector.broadcast %mul3A_10 : i32 to vector<16xi32>
        %ge3A_710 = arith.cmpi sge, %add3A_708, %ge3A_709 : vector<16xi32>
        tpu.vector_store_idx %arg8[%iota3A, %get3A_703], %get3A_699 masked %ge3A_710 {add = true} : memref<16x64xf32, #tpu.memory_space<vmem>>[vector<16xi32>, vector<16xi32>], vector<16xf32>, vector<16xi1>
      }
      %scan3A_271 = arith.constant 388 : i32
      %scan3A_272 = arith.addi %scan3A_267, %scan3A_271 : i32
      %mul3A_273 = arith.constant 16 : i32
      %mul3A_274 = arith.muli %scan3A_272, %mul3A_273 : i32
      %get3A = arith.index_cast %mul3A_274 : i32 to index
      %get3A_275 = tpu.vector_load %arg6[%get3A] {strides = array<i32>} : memref<6256xf32, #tpu.memory_space<vmem>>, vector<16xf32>,
      %mul3A_276 = arith.constant 16 : i32
      %mul3A_277 = arith.muli %scan3A_272, %mul3A_276 : i32
      %get3A_278 = arith.index_cast %mul3A_277 : i32 to index
      %get3A_279 = tpu.vector_load %arg7[%get3A_278] {strides = array<i32>} : memref<6256xi32, #tpu.memory_space<vmem>>, vector<16xi32>,
      %mul3A_280 = arith.constant 16 : i32
      %mul3A_281 = arith.muli %scan3A_272, %mul3A_280 : i32
      %add3A = arith.addi %min3A_11, %mul3A_281 : i32
      %add3A_282 = vector.broadcast %add3A : i32 to vector<16xi32>
      %add3A_283 = arith.addi %add3A_282, %iota3A : vector<16xi32>
      %ge3A = vector.broadcast %mul3A_10 : i32 to vector<16xi32>
      %ge3A_284 = arith.cmpi sge, %add3A_283, %ge3A : vector<16xi32>
      tpu.vector_store_idx %arg8[%iota3A, %get3A_279], %get3A_275 masked %ge3A_284 {add = true} : memref<16x64xf32, #tpu.memory_space<vmem>>[vector<16xi32>, vector<16xi32>], vector<16xf32>, vector<16xi1>
      %scan3A_285 = arith.constant 389 : i32
      %scan3A_286 = arith.addi %scan3A_267, %scan3A_285 : i32
      %mul3A_287 = arith.constant 16 : i32
      %mul3A_288 = arith.muli %scan3A_286, %mul3A_287 : i32
      %get3A_289 = arith.index_cast %mul3A_288 : i32 to index
      %get3A_290 = tpu.vector_load %arg6[%get3A_289] {strides = array<i32>} : memref<6256xf32, #tpu.memory_space<vmem>>, vector<16xf32>,
      %mul3A_291 = arith.constant 16 : i32
      %mul3A_292 = arith.muli %scan3A_286, %mul3A_291 : i32
      %get3A_293 = arith.index_cast %mul3A_292 : i32 to index
      %get3A_294 = tpu.vector_load %arg7[%get3A_293] {strides = array<i32>} : memref<6256xi32, #tpu.memory_space<vmem>>, vector<16xi32>,
      %mul3A_295 = arith.constant 16 : i32
      %mul3A_296 = arith.muli %scan3A_286, %mul3A_295 : i32
      %add3A_297 = arith.addi %min3A_11, %mul3A_296 : i32
      %add3A_298 = vector.broadcast %add3A_297 : i32 to vector<16xi32>
      %add3A_299 = arith.addi %add3A_298, %iota3A : vector<16xi32>
      %ge3A_300 = vector.broadcast %mul3A_10 : i32 to vector<16xi32>
      %ge3A_301 = arith.cmpi sge, %add3A_299, %ge3A_300 : vector<16xi32>
      tpu.vector_store_idx %arg8[%iota3A, %get3A_294], %get3A_290 masked %ge3A_301 {add = true} : memref<16x64xf32, #tpu.memory_space<vmem>>[vector<16xi32>, vector<16xi32>], vector<16xf32>, vector<16xi1>
      %scan3A_302 = arith.constant 390 : i32
      %scan3A_303 = arith.addi %scan3A_267, %scan3A_302 : i32
      %mul3A_304 = arith.constant 16 : i32
      %mul3A_305 = arith.muli %scan3A_303, %mul3A_304 : i32
      %get3A_306 = arith.index_cast %mul3A_305 : i32 to index
      %get3A_307 = tpu.vector_load %arg6[%get3A_306] {strides = array<i32>} : memref<6256xf32, #tpu.memory_space<vmem>>, vector<16xf32>,
      %mul3A_308 = arith.constant 16 : i32
      %mul3A_309 = arith.muli %scan3A_303, %mul3A_308 : i32
      %get3A_310 = arith.index_cast %mul3A_309 : i32 to index
      %get3A_311 = tpu.vector_load %arg7[%get3A_310] {strides = array<i32>} : memref<6256xi32, #tpu.memory_space<vmem>>, vector<16xi32>,
      %mul3A_312 = arith.constant 16 : i32
      %mul3A_313 = arith.muli %scan3A_303, %mul3A_312 : i32
      %add3A_314 = arith.addi %min3A_11, %mul3A_313 : i32
      %add3A_315 = vector.broadcast %add3A_314 : i32 to vector<16xi32>
      %add3A_316 = arith.addi %add3A_315, %iota3A : vector<16xi32>
      %ge3A_317 = vector.broadcast %mul3A_10 : i32 to vector<16xi32>
      %ge3A_318 = arith.cmpi sge, %add3A_316, %ge3A_317 : vector<16xi32>
      tpu.vector_store_idx %arg8[%iota3A, %get3A_311], %get3A_307 masked %ge3A_318 {add = true} : memref<16x64xf32, #tpu.memory_space<vmem>>[vector<16xi32>, vector<16xi32>], vector<16xf32>, vector<16xi1>
      %scan3A_319 = arith.constant 391 : i32
      %get3A_320 = arith.constant 0 : i32
      %get3A_321 = arith.index_cast %get3A_320 : i32 to index
      %get3A_322 = arith.constant 0 : index
      %get3A_323 = tpu.vector_load %arg8[%get3A_321, %get3A_322] {strides = array<i32>} : memref<16x64xf32, #tpu.memory_space<vmem>>, vector<16xf32>,
      %get3A_324 = arith.constant 1 : i32
      %get3A_325 = arith.index_cast %get3A_324 : i32 to index
      %get3A_326 = arith.constant 0 : index
      %get3A_327 = tpu.vector_load %arg8[%get3A_325, %get3A_326] {strides = array<i32>} : memref<16x64xf32, #tpu.memory_space<vmem>>, vector<16xf32>,
      %add3A_328 = arith.addf %get3A_323, %get3A_327 : vector<16xf32>
      %get3A_329 = arith.constant 2 : i32
      %get3A_330 = arith.index_cast %get3A_329 : i32 to index
      %get3A_331 = arith.constant 0 : index
      %get3A_332 = tpu.vector_load %arg8[%get3A_330, %get3A_331] {strides = array<i32>} : memref<16x64xf32, #tpu.memory_space<vmem>>, vector<16xf32>,
      %add3A_333 = arith.addf %add3A_328, %get3A_332 : vector<16xf32>
      %get3A_334 = arith.constant 3 : i32
      %get3A_335 = arith.index_cast %get3A_334 : i32 to index
      %get3A_336 = arith.constant 0 : index
      %get3A_337 = tpu.vector_load %arg8[%get3A_335, %get3A_336] {strides = array<i32>} : memref<16x64xf32, #tpu.memory_space<vmem>>, vector<16xf32>,
      %add3A_338 = arith.addf %add3A_333, %get3A_337 : vector<16xf32>
      %get3A_339 = arith.constant 4 : i32
      %get3A_340 = arith.index_cast %get3A_339 : i32 to index
      %get3A_341 = arith.constant 0 : index
      %get3A_342 = tpu.vector_load %arg8[%get3A_340, %get3A_341] {strides = array<i32>} : memref<16x64xf32, #tpu.memory_space<vmem>>, vector<16xf32>,
      %add3A_343 = arith.addf %add3A_338, %get3A_342 : vector<16xf32>
      %get3A_344 = arith.constant 5 : i32
      %get3A_345 = arith.index_cast %get3A_344 : i32 to index
      %get3A_346 = arith.constant 0 : index
      %get3A_347 = tpu.vector_load %arg8[%get3A_345, %get3A_346] {strides = array<i32>} : memref<16x64xf32, #tpu.memory_space<vmem>>, vector<16xf32>,
      %add3A_348 = arith.addf %add3A_343, %get3A_347 : vector<16xf32>
      %get3A_349 = arith.constant 6 : i32
      %get3A_350 = arith.index_cast %get3A_349 : i32 to index
      %get3A_351 = arith.constant 0 : index
      %get3A_352 = tpu.vector_load %arg8[%get3A_350, %get3A_351] {strides = array<i32>} : memref<16x64xf32, #tpu.memory_space<vmem>>, vector<16xf32>,
      %add3A_353 = arith.addf %add3A_348, %get3A_352 : vector<16xf32>
      %get3A_354 = arith.constant 7 : i32
      %get3A_355 = arith.index_cast %get3A_354 : i32 to index
      %get3A_356 = arith.constant 0 : index
      %get3A_357 = tpu.vector_load %arg8[%get3A_355, %get3A_356] {strides = array<i32>} : memref<16x64xf32, #tpu.memory_space<vmem>>, vector<16xf32>,
      %add3A_358 = arith.addf %add3A_353, %get3A_357 : vector<16xf32>
      %get3A_359 = arith.constant 8 : i32
      %get3A_360 = arith.index_cast %get3A_359 : i32 to index
      %get3A_361 = arith.constant 0 : index
      %get3A_362 = tpu.vector_load %arg8[%get3A_360, %get3A_361] {strides = array<i32>} : memref<16x64xf32, #tpu.memory_space<vmem>>, vector<16xf32>,
      %add3A_363 = arith.addf %add3A_358, %get3A_362 : vector<16xf32>
      %get3A_364 = arith.constant 9 : i32
      %get3A_365 = arith.index_cast %get3A_364 : i32 to index
      %get3A_366 = arith.constant 0 : index
      %get3A_367 = tpu.vector_load %arg8[%get3A_365, %get3A_366] {strides = array<i32>} : memref<16x64xf32, #tpu.memory_space<vmem>>, vector<16xf32>,
      %add3A_368 = arith.addf %add3A_363, %get3A_367 : vector<16xf32>
      %get3A_369 = arith.constant 10 : i32
      %get3A_370 = arith.index_cast %get3A_369 : i32 to index
      %get3A_371 = arith.constant 0 : index
      %get3A_372 = tpu.vector_load %arg8[%get3A_370, %get3A_371] {strides = array<i32>} : memref<16x64xf32, #tpu.memory_space<vmem>>, vector<16xf32>,
      %add3A_373 = arith.addf %add3A_368, %get3A_372 : vector<16xf32>
      %get3A_374 = arith.constant 11 : i32
      %get3A_375 = arith.index_cast %get3A_374 : i32 to index
      %get3A_376 = arith.constant 0 : index
      %get3A_377 = tpu.vector_load %arg8[%get3A_375, %get3A_376] {strides = array<i32>} : memref<16x64xf32, #tpu.memory_space<vmem>>, vector<16xf32>,
      %add3A_378 = arith.addf %add3A_373, %get3A_377 : vector<16xf32>
      %get3A_379 = arith.constant 12 : i32
      %get3A_380 = arith.index_cast %get3A_379 : i32 to index
      %get3A_381 = arith.constant 0 : index
      %get3A_382 = tpu.vector_load %arg8[%get3A_380, %get3A_381] {strides = array<i32>} : memref<16x64xf32, #tpu.memory_space<vmem>>, vector<16xf32>,
      %add3A_383 = arith.addf %add3A_378, %get3A_382 : vector<16xf32>
      %get3A_384 = arith.constant 13 : i32
      %get3A_385 = arith.index_cast %get3A_384 : i32 to index
      %get3A_386 = arith.constant 0 : index
      %get3A_387 = tpu.vector_load %arg8[%get3A_385, %get3A_386] {strides = array<i32>} : memref<16x64xf32, #tpu.memory_space<vmem>>, vector<16xf32>,
      %add3A_388 = arith.addf %add3A_383, %get3A_387 : vector<16xf32>
      %get3A_389 = arith.constant 14 : i32
      %get3A_390 = arith.index_cast %get3A_389 : i32 to index
      %get3A_391 = arith.constant 0 : index
      %get3A_392 = tpu.vector_load %arg8[%get3A_390, %get3A_391] {strides = array<i32>} : memref<16x64xf32, #tpu.memory_space<vmem>>, vector<16xf32>,
      %add3A_393 = arith.addf %add3A_388, %get3A_392 : vector<16xf32>
      %get3A_394 = arith.constant 15 : i32
      %get3A_395 = arith.index_cast %get3A_394 : i32 to index
      %get3A_396 = arith.constant 0 : index
      %get3A_397 = tpu.vector_load %arg8[%get3A_395, %get3A_396] {strides = array<i32>} : memref<16x64xf32, #tpu.memory_space<vmem>>, vector<16xf32>,
      %add3A_398 = arith.addf %add3A_393, %get3A_397 : vector<16xf32>
      %swap3A_399 = arith.constant 0 : index
      %swap3A_400 = tpu.vector_load %arg9[%swap3A_399] {strides = array<i32>} : memref<128xf32, #tpu.memory_space<vmem>>, vector<16xf32>,
      tpu.vector_store %arg9[%swap3A_399], %add3A_398 {strides = array<i32>} : memref<128xf32, #tpu.memory_space<vmem>>, vector<16xf32>,
      %get3A_401 = arith.constant 0 : i32
      %get3A_402 = arith.index_cast %get3A_401 : i32 to index
      %get3A_403 = arith.constant 16 : index
      %get3A_404 = tpu.vector_load %arg8[%get3A_402, %get3A_403] {strides = array<i32>} : memref<16x64xf32, #tpu.memory_space<vmem>>, vector<16xf32>,
      %get3A_405 = arith.constant 1 : i32
      %get3A_406 = arith.index_cast %get3A_405 : i32 to index
      %get3A_407 = arith.constant 16 : index
      %get3A_408 = tpu.vector_load %arg8[%get3A_406, %get3A_407] {strides = array<i32>} : memref<16x64xf32, #tpu.memory_space<vmem>>, vector<16xf32>,
      %add3A_409 = arith.addf %get3A_404, %get3A_408 : vector<16xf32>
      %get3A_410 = arith.constant 2 : i32
      %get3A_411 = arith.index_cast %get3A_410 : i32 to index
      %get3A_412 = arith.constant 16 : index
      %get3A_413 = tpu.vector_load %arg8[%get3A_411, %get3A_412] {strides = array<i32>} : memref<16x64xf32, #tpu.memory_space<vmem>>, vector<16xf32>,
      %add3A_414 = arith.addf %add3A_409, %get3A_413 : vector<16xf32>
      %get3A_415 = arith.constant 3 : i32
      %get3A_416 = arith.index_cast %get3A_415 : i32 to index
      %get3A_417 = arith.constant 16 : index
      %get3A_418 = tpu.vector_load %arg8[%get3A_416, %get3A_417] {strides = array<i32>} : memref<16x64xf32, #tpu.memory_space<vmem>>, vector<16xf32>,
      %add3A_419 = arith.addf %add3A_414, %get3A_418 : vector<16xf32>
      %get3A_420 = arith.constant 4 : i32
      %get3A_421 = arith.index_cast %get3A_420 : i32 to index
      %get3A_422 = arith.constant 16 : index
      %get3A_423 = tpu.vector_load %arg8[%get3A_421, %get3A_422] {strides = array<i32>} : memref<16x64xf32, #tpu.memory_space<vmem>>, vector<16xf32>,
      %add3A_424 = arith.addf %add3A_419, %get3A_423 : vector<16xf32>
      %get3A_425 = arith.constant 5 : i32
      %get3A_426 = arith.index_cast %get3A_425 : i32 to index
      %get3A_427 = arith.constant 16 : index
      %get3A_428 = tpu.vector_load %arg8[%get3A_426, %get3A_427] {strides = array<i32>} : memref<16x64xf32, #tpu.memory_space<vmem>>, vector<16xf32>,
      %add3A_429 = arith.addf %add3A_424, %get3A_428 : vector<16xf32>
      %get3A_430 = arith.constant 6 : i32
      %get3A_431 = arith.index_cast %get3A_430 : i32 to index
      %get3A_432 = arith.constant 16 : index
      %get3A_433 = tpu.vector_load %arg8[%get3A_431, %get3A_432] {strides = array<i32>} : memref<16x64xf32, #tpu.memory_space<vmem>>, vector<16xf32>,
      %add3A_434 = arith.addf %add3A_429, %get3A_433 : vector<16xf32>
      %get3A_435 = arith.constant 7 : i32
      %get3A_436 = arith.index_cast %get3A_435 : i32 to index
      %get3A_437 = arith.constant 16 : index
      %get3A_438 = tpu.vector_load %arg8[%get3A_436, %get3A_437] {strides = array<i32>} : memref<16x64xf32, #tpu.memory_space<vmem>>, vector<16xf32>,
      %add3A_439 = arith.addf %add3A_434, %get3A_438 : vector<16xf32>
      %get3A_440 = arith.constant 8 : i32
      %get3A_441 = arith.index_cast %get3A_440 : i32 to index
      %get3A_442 = arith.constant 16 : index
      %get3A_443 = tpu.vector_load %arg8[%get3A_441, %get3A_442] {strides = array<i32>} : memref<16x64xf32, #tpu.memory_space<vmem>>, vector<16xf32>,
      %add3A_444 = arith.addf %add3A_439, %get3A_443 : vector<16xf32>
      %get3A_445 = arith.constant 9 : i32
      %get3A_446 = arith.index_cast %get3A_445 : i32 to index
      %get3A_447 = arith.constant 16 : index
      %get3A_448 = tpu.vector_load %arg8[%get3A_446, %get3A_447] {strides = array<i32>} : memref<16x64xf32, #tpu.memory_space<vmem>>, vector<16xf32>,
      %add3A_449 = arith.addf %add3A_444, %get3A_448 : vector<16xf32>
      %get3A_450 = arith.constant 10 : i32
      %get3A_451 = arith.index_cast %get3A_450 : i32 to index
      %get3A_452 = arith.constant 16 : index
      %get3A_453 = tpu.vector_load %arg8[%get3A_451, %get3A_452] {strides = array<i32>} : memref<16x64xf32, #tpu.memory_space<vmem>>, vector<16xf32>,
      %add3A_454 = arith.addf %add3A_449, %get3A_453 : vector<16xf32>
      %get3A_455 = arith.constant 11 : i32
      %get3A_456 = arith.index_cast %get3A_455 : i32 to index
      %get3A_457 = arith.constant 16 : index
      %get3A_458 = tpu.vector_load %arg8[%get3A_456, %get3A_457] {strides = array<i32>} : memref<16x64xf32, #tpu.memory_space<vmem>>, vector<16xf32>,
      %add3A_459 = arith.addf %add3A_454, %get3A_458 : vector<16xf32>
      %get3A_460 = arith.constant 12 : i32
      %get3A_461 = arith.index_cast %get3A_460 : i32 to index
      %get3A_462 = arith.constant 16 : index
      %get3A_463 = tpu.vector_load %arg8[%get3A_461, %get3A_462] {strides = array<i32>} : memref<16x64xf32, #tpu.memory_space<vmem>>, vector<16xf32>,
      %add3A_464 = arith.addf %add3A_459, %get3A_463 : vector<16xf32>
      %get3A_465 = arith.constant 13 : i32
      %get3A_466 = arith.index_cast %get3A_465 : i32 to index
      %get3A_467 = arith.constant 16 : index
      %get3A_468 = tpu.vector_load %arg8[%get3A_466, %get3A_467] {strides = array<i32>} : memref<16x64xf32, #tpu.memory_space<vmem>>, vector<16xf32>,
      %add3A_469 = arith.addf %add3A_464, %get3A_468 : vector<16xf32>
      %get3A_470 = arith.constant 14 : i32
      %get3A_471 = arith.index_cast %get3A_470 : i32 to index
      %get3A_472 = arith.constant 16 : index
      %get3A_473 = tpu.vector_load %arg8[%get3A_471, %get3A_472] {strides = array<i32>} : memref<16x64xf32, #tpu.memory_space<vmem>>, vector<16xf32>,
      %add3A_474 = arith.addf %add3A_469, %get3A_473 : vector<16xf32>
      %get3A_475 = arith.constant 15 : i32
      %get3A_476 = arith.index_cast %get3A_475 : i32 to index
      %get3A_477 = arith.constant 16 : index
      %get3A_478 = tpu.vector_load %arg8[%get3A_476, %get3A_477] {strides = array<i32>} : memref<16x64xf32, #tpu.memory_space<vmem>>, vector<16xf32>,
      %add3A_479 = arith.addf %add3A_474, %get3A_478 : vector<16xf32>
      %swap3A_480 = arith.constant 16 : index
      %swap3A_481 = tpu.vector_load %arg9[%swap3A_480] {strides = array<i32>} : memref<128xf32, #tpu.memory_space<vmem>>, vector<16xf32>,
      tpu.vector_store %arg9[%swap3A_480], %add3A_479 {strides = array<i32>} : memref<128xf32, #tpu.memory_space<vmem>>, vector<16xf32>,
      %get3A_482 = arith.constant 0 : i32
      %get3A_483 = arith.index_cast %get3A_482 : i32 to index
      %get3A_484 = arith.constant 32 : index
      %get3A_485 = tpu.vector_load %arg8[%get3A_483, %get3A_484] {strides = array<i32>} : memref<16x64xf32, #tpu.memory_space<vmem>>, vector<16xf32>,
      %get3A_486 = arith.constant 1 : i32
      %get3A_487 = arith.index_cast %get3A_486 : i32 to index
      %get3A_488 = arith.constant 32 : index
      %get3A_489 = tpu.vector_load %arg8[%get3A_487, %get3A_488] {strides = array<i32>} : memref<16x64xf32, #tpu.memory_space<vmem>>, vector<16xf32>,
      %add3A_490 = arith.addf %get3A_485, %get3A_489 : vector<16xf32>
      %get3A_491 = arith.constant 2 : i32
      %get3A_492 = arith.index_cast %get3A_491 : i32 to index
      %get3A_493 = arith.constant 32 : index
      %get3A_494 = tpu.vector_load %arg8[%get3A_492, %get3A_493] {strides = array<i32>} : memref<16x64xf32, #tpu.memory_space<vmem>>, vector<16xf32>,
      %add3A_495 = arith.addf %add3A_490, %get3A_494 : vector<16xf32>
      %get3A_496 = arith.constant 3 : i32
      %get3A_497 = arith.index_cast %get3A_496 : i32 to index
      %get3A_498 = arith.constant 32 : index
      %get3A_499 = tpu.vector_load %arg8[%get3A_497, %get3A_498] {strides = array<i32>} : memref<16x64xf32, #tpu.memory_space<vmem>>, vector<16xf32>,
      %add3A_500 = arith.addf %add3A_495, %get3A_499 : vector<16xf32>
      %get3A_501 = arith.constant 4 : i32
      %get3A_502 = arith.index_cast %get3A_501 : i32 to index
      %get3A_503 = arith.constant 32 : index
      %get3A_504 = tpu.vector_load %arg8[%get3A_502, %get3A_503] {strides = array<i32>} : memref<16x64xf32, #tpu.memory_space<vmem>>, vector<16xf32>,
      %add3A_505 = arith.addf %add3A_500, %get3A_504 : vector<16xf32>
      %get3A_506 = arith.constant 5 : i32
      %get3A_507 = arith.index_cast %get3A_506 : i32 to index
      %get3A_508 = arith.constant 32 : index
      %get3A_509 = tpu.vector_load %arg8[%get3A_507, %get3A_508] {strides = array<i32>} : memref<16x64xf32, #tpu.memory_space<vmem>>, vector<16xf32>,
      %add3A_510 = arith.addf %add3A_505, %get3A_509 : vector<16xf32>
      %get3A_511 = arith.constant 6 : i32
      %get3A_512 = arith.index_cast %get3A_511 : i32 to index
      %get3A_513 = arith.constant 32 : index
      %get3A_514 = tpu.vector_load %arg8[%get3A_512, %get3A_513] {strides = array<i32>} : memref<16x64xf32, #tpu.memory_space<vmem>>, vector<16xf32>,
      %add3A_515 = arith.addf %add3A_510, %get3A_514 : vector<16xf32>
      %get3A_516 = arith.constant 7 : i32
      %get3A_517 = arith.index_cast %get3A_516 : i32 to index
      %get3A_518 = arith.constant 32 : index
      %get3A_519 = tpu.vector_load %arg8[%get3A_517, %get3A_518] {strides = array<i32>} : memref<16x64xf32, #tpu.memory_space<vmem>>, vector<16xf32>,
      %add3A_520 = arith.addf %add3A_515, %get3A_519 : vector<16xf32>
      %get3A_521 = arith.constant 8 : i32
      %get3A_522 = arith.index_cast %get3A_521 : i32 to index
      %get3A_523 = arith.constant 32 : index
      %get3A_524 = tpu.vector_load %arg8[%get3A_522, %get3A_523] {strides = array<i32>} : memref<16x64xf32, #tpu.memory_space<vmem>>, vector<16xf32>,
      %add3A_525 = arith.addf %add3A_520, %get3A_524 : vector<16xf32>
      %get3A_526 = arith.constant 9 : i32
      %get3A_527 = arith.index_cast %get3A_526 : i32 to index
      %get3A_528 = arith.constant 32 : index
      %get3A_529 = tpu.vector_load %arg8[%get3A_527, %get3A_528] {strides = array<i32>} : memref<16x64xf32, #tpu.memory_space<vmem>>, vector<16xf32>,
      %add3A_530 = arith.addf %add3A_525, %get3A_529 : vector<16xf32>
      %get3A_531 = arith.constant 10 : i32
      %get3A_532 = arith.index_cast %get3A_531 : i32 to index
      %get3A_533 = arith.constant 32 : index
      %get3A_534 = tpu.vector_load %arg8[%get3A_532, %get3A_533] {strides = array<i32>} : memref<16x64xf32, #tpu.memory_space<vmem>>, vector<16xf32>,
      %add3A_535 = arith.addf %add3A_530, %get3A_534 : vector<16xf32>
      %get3A_536 = arith.constant 11 : i32
      %get3A_537 = arith.index_cast %get3A_536 : i32 to index
      %get3A_538 = arith.constant 32 : index
      %get3A_539 = tpu.vector_load %arg8[%get3A_537, %get3A_538] {strides = array<i32>} : memref<16x64xf32, #tpu.memory_space<vmem>>, vector<16xf32>,
      %add3A_540 = arith.addf %add3A_535, %get3A_539 : vector<16xf32>
      %get3A_541 = arith.constant 12 : i32
      %get3A_542 = arith.index_cast %get3A_541 : i32 to index
      %get3A_543 = arith.constant 32 : index
      %get3A_544 = tpu.vector_load %arg8[%get3A_542, %get3A_543] {strides = array<i32>} : memref<16x64xf32, #tpu.memory_space<vmem>>, vector<16xf32>,
      %add3A_545 = arith.addf %add3A_540, %get3A_544 : vector<16xf32>
      %get3A_546 = arith.constant 13 : i32
      %get3A_547 = arith.index_cast %get3A_546 : i32 to index
      %get3A_548 = arith.constant 32 : index
      %get3A_549 = tpu.vector_load %arg8[%get3A_547, %get3A_548] {strides = array<i32>} : memref<16x64xf32, #tpu.memory_space<vmem>>, vector<16xf32>,
      %add3A_550 = arith.addf %add3A_545, %get3A_549 : vector<16xf32>
      %get3A_551 = arith.constant 14 : i32
      %get3A_552 = arith.index_cast %get3A_551 : i32 to index
      %get3A_553 = arith.constant 32 : index
      %get3A_554 = tpu.vector_load %arg8[%get3A_552, %get3A_553] {strides = array<i32>} : memref<16x64xf32, #tpu.memory_space<vmem>>, vector<16xf32>,
      %add3A_555 = arith.addf %add3A_550, %get3A_554 : vector<16xf32>
      %get3A_556 = arith.constant 15 : i32
      %get3A_557 = arith.index_cast %get3A_556 : i32 to index
      %get3A_558 = arith.constant 32 : index
      %get3A_559 = tpu.vector_load %arg8[%get3A_557, %get3A_558] {strides = array<i32>} : memref<16x64xf32, #tpu.memory_space<vmem>>, vector<16xf32>,
      %add3A_560 = arith.addf %add3A_555, %get3A_559 : vector<16xf32>
      %swap3A_561 = arith.constant 32 : index
      %swap3A_562 = tpu.vector_load %arg9[%swap3A_561] {strides = array<i32>} : memref<128xf32, #tpu.memory_space<vmem>>, vector<16xf32>,
      tpu.vector_store %arg9[%swap3A_561], %add3A_560 {strides = array<i32>} : memref<128xf32, #tpu.memory_space<vmem>>, vector<16xf32>,
      %get3A_563 = arith.constant 0 : i32
      %get3A_564 = arith.index_cast %get3A_563 : i32 to index
      %get3A_565 = arith.constant 48 : index
      %get3A_566 = tpu.vector_load %arg8[%get3A_564, %get3A_565] {strides = array<i32>} : memref<16x64xf32, #tpu.memory_space<vmem>>, vector<16xf32>,
      %get3A_567 = arith.constant 1 : i32
      %get3A_568 = arith.index_cast %get3A_567 : i32 to index
      %get3A_569 = arith.constant 48 : index
      %get3A_570 = tpu.vector_load %arg8[%get3A_568, %get3A_569] {strides = array<i32>} : memref<16x64xf32, #tpu.memory_space<vmem>>, vector<16xf32>,
      %add3A_571 = arith.addf %get3A_566, %get3A_570 : vector<16xf32>
      %get3A_572 = arith.constant 2 : i32
      %get3A_573 = arith.index_cast %get3A_572 : i32 to index
      %get3A_574 = arith.constant 48 : index
      %get3A_575 = tpu.vector_load %arg8[%get3A_573, %get3A_574] {strides = array<i32>} : memref<16x64xf32, #tpu.memory_space<vmem>>, vector<16xf32>,
      %add3A_576 = arith.addf %add3A_571, %get3A_575 : vector<16xf32>
      %get3A_577 = arith.constant 3 : i32
      %get3A_578 = arith.index_cast %get3A_577 : i32 to index
      %get3A_579 = arith.constant 48 : index
      %get3A_580 = tpu.vector_load %arg8[%get3A_578, %get3A_579] {strides = array<i32>} : memref<16x64xf32, #tpu.memory_space<vmem>>, vector<16xf32>,
      %add3A_581 = arith.addf %add3A_576, %get3A_580 : vector<16xf32>
      %get3A_582 = arith.constant 4 : i32
      %get3A_583 = arith.index_cast %get3A_582 : i32 to index
      %get3A_584 = arith.constant 48 : index
      %get3A_585 = tpu.vector_load %arg8[%get3A_583, %get3A_584] {strides = array<i32>} : memref<16x64xf32, #tpu.memory_space<vmem>>, vector<16xf32>,
      %add3A_586 = arith.addf %add3A_581, %get3A_585 : vector<16xf32>
      %get3A_587 = arith.constant 5 : i32
      %get3A_588 = arith.index_cast %get3A_587 : i32 to index
      %get3A_589 = arith.constant 48 : index
      %get3A_590 = tpu.vector_load %arg8[%get3A_588, %get3A_589] {strides = array<i32>} : memref<16x64xf32, #tpu.memory_space<vmem>>, vector<16xf32>,
      %add3A_591 = arith.addf %add3A_586, %get3A_590 : vector<16xf32>
      %get3A_592 = arith.constant 6 : i32
      %get3A_593 = arith.index_cast %get3A_592 : i32 to index
      %get3A_594 = arith.constant 48 : index
      %get3A_595 = tpu.vector_load %arg8[%get3A_593, %get3A_594] {strides = array<i32>} : memref<16x64xf32, #tpu.memory_space<vmem>>, vector<16xf32>,
      %add3A_596 = arith.addf %add3A_591, %get3A_595 : vector<16xf32>
      %get3A_597 = arith.constant 7 : i32
      %get3A_598 = arith.index_cast %get3A_597 : i32 to index
      %get3A_599 = arith.constant 48 : index
      %get3A_600 = tpu.vector_load %arg8[%get3A_598, %get3A_599] {strides = array<i32>} : memref<16x64xf32, #tpu.memory_space<vmem>>, vector<16xf32>,
      %add3A_601 = arith.addf %add3A_596, %get3A_600 : vector<16xf32>
      %get3A_602 = arith.constant 8 : i32
      %get3A_603 = arith.index_cast %get3A_602 : i32 to index
      %get3A_604 = arith.constant 48 : index
      %get3A_605 = tpu.vector_load %arg8[%get3A_603, %get3A_604] {strides = array<i32>} : memref<16x64xf32, #tpu.memory_space<vmem>>, vector<16xf32>,
      %add3A_606 = arith.addf %add3A_601, %get3A_605 : vector<16xf32>
      %get3A_607 = arith.constant 9 : i32
      %get3A_608 = arith.index_cast %get3A_607 : i32 to index
      %get3A_609 = arith.constant 48 : index
      %get3A_610 = tpu.vector_load %arg8[%get3A_608, %get3A_609] {strides = array<i32>} : memref<16x64xf32, #tpu.memory_space<vmem>>, vector<16xf32>,
      %add3A_611 = arith.addf %add3A_606, %get3A_610 : vector<16xf32>
      %get3A_612 = arith.constant 10 : i32
      %get3A_613 = arith.index_cast %get3A_612 : i32 to index
      %get3A_614 = arith.constant 48 : index
      %get3A_615 = tpu.vector_load %arg8[%get3A_613, %get3A_614] {strides = array<i32>} : memref<16x64xf32, #tpu.memory_space<vmem>>, vector<16xf32>,
      %add3A_616 = arith.addf %add3A_611, %get3A_615 : vector<16xf32>
      %get3A_617 = arith.constant 11 : i32
      %get3A_618 = arith.index_cast %get3A_617 : i32 to index
      %get3A_619 = arith.constant 48 : index
      %get3A_620 = tpu.vector_load %arg8[%get3A_618, %get3A_619] {strides = array<i32>} : memref<16x64xf32, #tpu.memory_space<vmem>>, vector<16xf32>,
      %add3A_621 = arith.addf %add3A_616, %get3A_620 : vector<16xf32>
      %get3A_622 = arith.constant 12 : i32
      %get3A_623 = arith.index_cast %get3A_622 : i32 to index
      %get3A_624 = arith.constant 48 : index
      %get3A_625 = tpu.vector_load %arg8[%get3A_623, %get3A_624] {strides = array<i32>} : memref<16x64xf32, #tpu.memory_space<vmem>>, vector<16xf32>,
      %add3A_626 = arith.addf %add3A_621, %get3A_625 : vector<16xf32>
      %get3A_627 = arith.constant 13 : i32
      %get3A_628 = arith.index_cast %get3A_627 : i32 to index
      %get3A_629 = arith.constant 48 : index
      %get3A_630 = tpu.vector_load %arg8[%get3A_628, %get3A_629] {strides = array<i32>} : memref<16x64xf32, #tpu.memory_space<vmem>>, vector<16xf32>,
      %add3A_631 = arith.addf %add3A_626, %get3A_630 : vector<16xf32>
      %get3A_632 = arith.constant 14 : i32
      %get3A_633 = arith.index_cast %get3A_632 : i32 to index
      %get3A_634 = arith.constant 48 : index
      %get3A_635 = tpu.vector_load %arg8[%get3A_633, %get3A_634] {strides = array<i32>} : memref<16x64xf32, #tpu.memory_space<vmem>>, vector<16xf32>,
      %add3A_636 = arith.addf %add3A_631, %get3A_635 : vector<16xf32>
      %get3A_637 = arith.constant 15 : i32
      %get3A_638 = arith.index_cast %get3A_637 : i32 to index
      %get3A_639 = arith.constant 48 : index
      %get3A_640 = tpu.vector_load %arg8[%get3A_638, %get3A_639] {strides = array<i32>} : memref<16x64xf32, #tpu.memory_space<vmem>>, vector<16xf32>,
      %add3A_641 = arith.addf %add3A_636, %get3A_640 : vector<16xf32>
      %swap3A_642 = arith.constant 48 : index
      %swap3A_643 = tpu.vector_load %arg9[%swap3A_642] {strides = array<i32>} : memref<128xf32, #tpu.memory_space<vmem>>, vector<16xf32>,
      tpu.vector_store %arg9[%swap3A_642], %add3A_641 {strides = array<i32>} : memref<128xf32, #tpu.memory_space<vmem>>, vector<16xf32>,
      "tpu.region"() ({
        %run_scoped3A = tpu.sem_alloc : memref<!tpu.dma_semaphore, #tpu.memory_space<semaphore_mem>>
        %dma_start3A = arith.constant 0 : i32
        %dma_start3A_644 = tpu.memref_slice %arg13[%arg1, %dma_start3A] : memref<16x128xf32, #tpu.memory_space<vmem_shared>> -> memref<1x128xf32, #tpu.memory_space<vmem_shared>>
        %dma_start3A_645 = tpu.memref_squeeze %dma_start3A_644 : memref<1x128xf32, #tpu.memory_space<vmem_shared>> -> memref<128xf32, #tpu.memory_space<vmem_shared>>
        %dma_start3A_646 = arith.constant 0 : i32
        %dma_start3A_647 = tpu.memref_slice %arg13[%arg1, %dma_start3A_646] : memref<16x128xf32, #tpu.memory_space<vmem_shared>> -> memref<1x128xf32, #tpu.memory_space<vmem_shared>>
        %dma_start3A_648 = tpu.memref_squeeze %dma_start3A_647 : memref<1x128xf32, #tpu.memory_space<vmem_shared>> -> memref<128xf32, #tpu.memory_space<vmem_shared>>
        tpu.enqueue_dma source(%arg9 : memref<128xf32, #tpu.memory_space<vmem>>) target(%dma_start3A_648 : memref<128xf32, #tpu.memory_space<vmem_shared>>) target_semaphore(%run_scoped3A : memref<!tpu.dma_semaphore, #tpu.memory_space<semaphore_mem>>)
        %dma_wait3A = arith.constant 0 : i32
        %dma_wait3A_649 = tpu.memref_slice %arg13[%arg1, %dma_wait3A] : memref<16x128xf32, #tpu.memory_space<vmem_shared>> -> memref<1x128xf32, #tpu.memory_space<vmem_shared>>
        %dma_wait3A_650 = tpu.memref_squeeze %dma_wait3A_649 : memref<1x128xf32, #tpu.memory_space<vmem_shared>> -> memref<128xf32, #tpu.memory_space<vmem_shared>>
        %dma_wait3A_651 = arith.constant 0 : i32
        %dma_wait3A_652 = tpu.memref_slice %arg13[%arg1, %dma_wait3A_651] : memref<16x128xf32, #tpu.memory_space<vmem_shared>> -> memref<1x128xf32, #tpu.memory_space<vmem_shared>>
        %dma_wait3A_653 = tpu.memref_squeeze %dma_wait3A_652 : memref<1x128xf32, #tpu.memory_space<vmem_shared>> -> memref<128xf32, #tpu.memory_space<vmem_shared>>
        tpu.wait_dma2 semaphore(%run_scoped3A : memref<!tpu.dma_semaphore, #tpu.memory_space<semaphore_mem>>) src(%arg9 : memref<128xf32, #tpu.memory_space<vmem>>) dst(%dma_wait3A_653 : memref<128xf32, #tpu.memory_space<vmem_shared>>)
        tpu.yield
      }) : () -> ()
    } else {
    }
    %barrier3A = arith.constant 0 : index
    tpu.barrier barrier_id(%barrier3A)
    %eq3A_3 = arith.constant 0 : i32
    %eq3A_4 = arith.cmpi eq, %arg0, %eq3A_3 : i32
    %eq3A_5 = arith.constant 0 : i32
    %eq3A_6 = arith.cmpi eq, %arg1, %eq3A_5 : i32
    %and3A = arith.andi %eq3A_4, %eq3A_6 : i1
    %convert_element_type3A_7 = arith.extui %and3A : i1 to i32
    %cond3A_8 = arith.constant 0 : i32
    %cond3A_9 = arith.cmpi ne, %convert_element_type3A_7, %cond3A_8 : i32
    scf.if %cond3A_9 {
      "tpu.region"() ({
        %run_scoped3A = tpu.sem_alloc : memref<!tpu.dma_semaphore, #tpu.memory_space<semaphore_mem>>
        tpu.enqueue_dma source(%arg13 : memref<16x128xf32, #tpu.memory_space<vmem_shared>>) target(%arg10 : memref<16x128xf32, #tpu.memory_space<vmem>>) target_semaphore(%run_scoped3A : memref<!tpu.dma_semaphore, #tpu.memory_space<semaphore_mem>>)
        tpu.wait_dma2 semaphore(%run_scoped3A : memref<!tpu.dma_semaphore, #tpu.memory_space<semaphore_mem>>) src(%arg13 : memref<16x128xf32, #tpu.memory_space<vmem_shared>>) dst(%arg10 : memref<16x128xf32, #tpu.memory_space<vmem>>)
        tpu.yield
      }) : () -> ()
      "tpu.region"() ({
        %run_scoped3A = tpu.sem_alloc : memref<!tpu.dma_semaphore, #tpu.memory_space<semaphore_mem>>
        tpu.enqueue_dma source(%arg4 : memref<64xf32, #tpu.memory_space<hbm>>) target(%arg11 : memref<64xf32, #tpu.memory_space<vmem>>) target_semaphore(%run_scoped3A : memref<!tpu.dma_semaphore, #tpu.memory_space<semaphore_mem>>)
        tpu.wait_dma2 semaphore(%run_scoped3A : memref<!tpu.dma_semaphore, #tpu.memory_space<semaphore_mem>>) src(%arg4 : memref<64xf32, #tpu.memory_space<hbm>>) dst(%arg11 : memref<64xf32, #tpu.memory_space<vmem>>)
        tpu.yield
      }) : () -> ()
      %get3A = arith.constant 0 : i32
      %get3A_10 = arith.index_cast %get3A : i32 to index
      %get3A_11 = arith.constant 0 : index
      %get3A_12 = tpu.vector_load %arg10[%get3A_10, %get3A_11] {strides = array<i32>} : memref<16x128xf32, #tpu.memory_space<vmem>>, vector<16xf32>,
      %get3A_13 = arith.constant 1 : i32
      %get3A_14 = arith.index_cast %get3A_13 : i32 to index
      %get3A_15 = arith.constant 0 : index
      %get3A_16 = tpu.vector_load %arg10[%get3A_14, %get3A_15] {strides = array<i32>} : memref<16x128xf32, #tpu.memory_space<vmem>>, vector<16xf32>,
      %add3A = arith.addf %get3A_12, %get3A_16 : vector<16xf32>
      %get3A_17 = arith.constant 2 : i32
      %get3A_18 = arith.index_cast %get3A_17 : i32 to index
      %get3A_19 = arith.constant 0 : index
      %get3A_20 = tpu.vector_load %arg10[%get3A_18, %get3A_19] {strides = array<i32>} : memref<16x128xf32, #tpu.memory_space<vmem>>, vector<16xf32>,
      %add3A_21 = arith.addf %add3A, %get3A_20 : vector<16xf32>
      %get3A_22 = arith.constant 3 : i32
      %get3A_23 = arith.index_cast %get3A_22 : i32 to index
      %get3A_24 = arith.constant 0 : index
      %get3A_25 = tpu.vector_load %arg10[%get3A_23, %get3A_24] {strides = array<i32>} : memref<16x128xf32, #tpu.memory_space<vmem>>, vector<16xf32>,
      %add3A_26 = arith.addf %add3A_21, %get3A_25 : vector<16xf32>
      %get3A_27 = arith.constant 4 : i32
      %get3A_28 = arith.index_cast %get3A_27 : i32 to index
      %get3A_29 = arith.constant 0 : index
      %get3A_30 = tpu.vector_load %arg10[%get3A_28, %get3A_29] {strides = array<i32>} : memref<16x128xf32, #tpu.memory_space<vmem>>, vector<16xf32>,
      %add3A_31 = arith.addf %add3A_26, %get3A_30 : vector<16xf32>
      %get3A_32 = arith.constant 5 : i32
      %get3A_33 = arith.index_cast %get3A_32 : i32 to index
      %get3A_34 = arith.constant 0 : index
      %get3A_35 = tpu.vector_load %arg10[%get3A_33, %get3A_34] {strides = array<i32>} : memref<16x128xf32, #tpu.memory_space<vmem>>, vector<16xf32>,
      %add3A_36 = arith.addf %add3A_31, %get3A_35 : vector<16xf32>
      %get3A_37 = arith.constant 6 : i32
      %get3A_38 = arith.index_cast %get3A_37 : i32 to index
      %get3A_39 = arith.constant 0 : index
      %get3A_40 = tpu.vector_load %arg10[%get3A_38, %get3A_39] {strides = array<i32>} : memref<16x128xf32, #tpu.memory_space<vmem>>, vector<16xf32>,
      %add3A_41 = arith.addf %add3A_36, %get3A_40 : vector<16xf32>
      %get3A_42 = arith.constant 7 : i32
      %get3A_43 = arith.index_cast %get3A_42 : i32 to index
      %get3A_44 = arith.constant 0 : index
      %get3A_45 = tpu.vector_load %arg10[%get3A_43, %get3A_44] {strides = array<i32>} : memref<16x128xf32, #tpu.memory_space<vmem>>, vector<16xf32>,
      %add3A_46 = arith.addf %add3A_41, %get3A_45 : vector<16xf32>
      %get3A_47 = arith.constant 8 : i32
      %get3A_48 = arith.index_cast %get3A_47 : i32 to index
      %get3A_49 = arith.constant 0 : index
      %get3A_50 = tpu.vector_load %arg10[%get3A_48, %get3A_49] {strides = array<i32>} : memref<16x128xf32, #tpu.memory_space<vmem>>, vector<16xf32>,
      %add3A_51 = arith.addf %add3A_46, %get3A_50 : vector<16xf32>
      %get3A_52 = arith.constant 9 : i32
      %get3A_53 = arith.index_cast %get3A_52 : i32 to index
      %get3A_54 = arith.constant 0 : index
      %get3A_55 = tpu.vector_load %arg10[%get3A_53, %get3A_54] {strides = array<i32>} : memref<16x128xf32, #tpu.memory_space<vmem>>, vector<16xf32>,
      %add3A_56 = arith.addf %add3A_51, %get3A_55 : vector<16xf32>
      %get3A_57 = arith.constant 10 : i32
      %get3A_58 = arith.index_cast %get3A_57 : i32 to index
      %get3A_59 = arith.constant 0 : index
      %get3A_60 = tpu.vector_load %arg10[%get3A_58, %get3A_59] {strides = array<i32>} : memref<16x128xf32, #tpu.memory_space<vmem>>, vector<16xf32>,
      %add3A_61 = arith.addf %add3A_56, %get3A_60 : vector<16xf32>
      %get3A_62 = arith.constant 11 : i32
      %get3A_63 = arith.index_cast %get3A_62 : i32 to index
      %get3A_64 = arith.constant 0 : index
      %get3A_65 = tpu.vector_load %arg10[%get3A_63, %get3A_64] {strides = array<i32>} : memref<16x128xf32, #tpu.memory_space<vmem>>, vector<16xf32>,
      %add3A_66 = arith.addf %add3A_61, %get3A_65 : vector<16xf32>
      %get3A_67 = arith.constant 12 : i32
      %get3A_68 = arith.index_cast %get3A_67 : i32 to index
      %get3A_69 = arith.constant 0 : index
      %get3A_70 = tpu.vector_load %arg10[%get3A_68, %get3A_69] {strides = array<i32>} : memref<16x128xf32, #tpu.memory_space<vmem>>, vector<16xf32>,
      %add3A_71 = arith.addf %add3A_66, %get3A_70 : vector<16xf32>
      %get3A_72 = arith.constant 13 : i32
      %get3A_73 = arith.index_cast %get3A_72 : i32 to index
      %get3A_74 = arith.constant 0 : index
      %get3A_75 = tpu.vector_load %arg10[%get3A_73, %get3A_74] {strides = array<i32>} : memref<16x128xf32, #tpu.memory_space<vmem>>, vector<16xf32>,
      %add3A_76 = arith.addf %add3A_71, %get3A_75 : vector<16xf32>
      %get3A_77 = arith.constant 14 : i32
      %get3A_78 = arith.index_cast %get3A_77 : i32 to index
      %get3A_79 = arith.constant 0 : index
      %get3A_80 = tpu.vector_load %arg10[%get3A_78, %get3A_79] {strides = array<i32>} : memref<16x128xf32, #tpu.memory_space<vmem>>, vector<16xf32>,
      %add3A_81 = arith.addf %add3A_76, %get3A_80 : vector<16xf32>
      %get3A_82 = arith.constant 15 : i32
      %get3A_83 = arith.index_cast %get3A_82 : i32 to index
      %get3A_84 = arith.constant 0 : index
      %get3A_85 = tpu.vector_load %arg10[%get3A_83, %get3A_84] {strides = array<i32>} : memref<16x128xf32, #tpu.memory_space<vmem>>, vector<16xf32>,
      %add3A_86 = arith.addf %add3A_81, %get3A_85 : vector<16xf32>
      %get3A_87 = arith.constant 0 : index
      %get3A_88 = tpu.vector_load %arg11[%get3A_87] {strides = array<i32>} : memref<64xf32, #tpu.memory_space<vmem>>, vector<16xf32>,
      %mul3A = arith.mulf %add3A_86, %get3A_88 : vector<16xf32>
      %swap3A = arith.constant 0 : index
      %swap3A_89 = tpu.vector_load %arg12[%swap3A] {strides = array<i32>} : memref<64xf32, #tpu.memory_space<vmem>>, vector<16xf32>,
      tpu.vector_store %arg12[%swap3A], %mul3A {strides = array<i32>} : memref<64xf32, #tpu.memory_space<vmem>>, vector<16xf32>,
      %get3A_90 = arith.constant 0 : i32
      %get3A_91 = arith.index_cast %get3A_90 : i32 to index
      %get3A_92 = arith.constant 16 : index
      %get3A_93 = tpu.vector_load %arg10[%get3A_91, %get3A_92] {strides = array<i32>} : memref<16x128xf32, #tpu.memory_space<vmem>>, vector<16xf32>,
      %get3A_94 = arith.constant 1 : i32
      %get3A_95 = arith.index_cast %get3A_94 : i32 to index
      %get3A_96 = arith.constant 16 : index
      %get3A_97 = tpu.vector_load %arg10[%get3A_95, %get3A_96] {strides = array<i32>} : memref<16x128xf32, #tpu.memory_space<vmem>>, vector<16xf32>,
      %add3A_98 = arith.addf %get3A_93, %get3A_97 : vector<16xf32>
      %get3A_99 = arith.constant 2 : i32
      %get3A_100 = arith.index_cast %get3A_99 : i32 to index
      %get3A_101 = arith.constant 16 : index
      %get3A_102 = tpu.vector_load %arg10[%get3A_100, %get3A_101] {strides = array<i32>} : memref<16x128xf32, #tpu.memory_space<vmem>>, vector<16xf32>,
      %add3A_103 = arith.addf %add3A_98, %get3A_102 : vector<16xf32>
      %get3A_104 = arith.constant 3 : i32
      %get3A_105 = arith.index_cast %get3A_104 : i32 to index
      %get3A_106 = arith.constant 16 : index
      %get3A_107 = tpu.vector_load %arg10[%get3A_105, %get3A_106] {strides = array<i32>} : memref<16x128xf32, #tpu.memory_space<vmem>>, vector<16xf32>,
      %add3A_108 = arith.addf %add3A_103, %get3A_107 : vector<16xf32>
      %get3A_109 = arith.constant 4 : i32
      %get3A_110 = arith.index_cast %get3A_109 : i32 to index
      %get3A_111 = arith.constant 16 : index
      %get3A_112 = tpu.vector_load %arg10[%get3A_110, %get3A_111] {strides = array<i32>} : memref<16x128xf32, #tpu.memory_space<vmem>>, vector<16xf32>,
      %add3A_113 = arith.addf %add3A_108, %get3A_112 : vector<16xf32>
      %get3A_114 = arith.constant 5 : i32
      %get3A_115 = arith.index_cast %get3A_114 : i32 to index
      %get3A_116 = arith.constant 16 : index
      %get3A_117 = tpu.vector_load %arg10[%get3A_115, %get3A_116] {strides = array<i32>} : memref<16x128xf32, #tpu.memory_space<vmem>>, vector<16xf32>,
      %add3A_118 = arith.addf %add3A_113, %get3A_117 : vector<16xf32>
      %get3A_119 = arith.constant 6 : i32
      %get3A_120 = arith.index_cast %get3A_119 : i32 to index
      %get3A_121 = arith.constant 16 : index
      %get3A_122 = tpu.vector_load %arg10[%get3A_120, %get3A_121] {strides = array<i32>} : memref<16x128xf32, #tpu.memory_space<vmem>>, vector<16xf32>,
      %add3A_123 = arith.addf %add3A_118, %get3A_122 : vector<16xf32>
      %get3A_124 = arith.constant 7 : i32
      %get3A_125 = arith.index_cast %get3A_124 : i32 to index
      %get3A_126 = arith.constant 16 : index
      %get3A_127 = tpu.vector_load %arg10[%get3A_125, %get3A_126] {strides = array<i32>} : memref<16x128xf32, #tpu.memory_space<vmem>>, vector<16xf32>,
      %add3A_128 = arith.addf %add3A_123, %get3A_127 : vector<16xf32>
      %get3A_129 = arith.constant 8 : i32
      %get3A_130 = arith.index_cast %get3A_129 : i32 to index
      %get3A_131 = arith.constant 16 : index
      %get3A_132 = tpu.vector_load %arg10[%get3A_130, %get3A_131] {strides = array<i32>} : memref<16x128xf32, #tpu.memory_space<vmem>>, vector<16xf32>,
      %add3A_133 = arith.addf %add3A_128, %get3A_132 : vector<16xf32>
      %get3A_134 = arith.constant 9 : i32
      %get3A_135 = arith.index_cast %get3A_134 : i32 to index
      %get3A_136 = arith.constant 16 : index
      %get3A_137 = tpu.vector_load %arg10[%get3A_135, %get3A_136] {strides = array<i32>} : memref<16x128xf32, #tpu.memory_space<vmem>>, vector<16xf32>,
      %add3A_138 = arith.addf %add3A_133, %get3A_137 : vector<16xf32>
      %get3A_139 = arith.constant 10 : i32
      %get3A_140 = arith.index_cast %get3A_139 : i32 to index
      %get3A_141 = arith.constant 16 : index
      %get3A_142 = tpu.vector_load %arg10[%get3A_140, %get3A_141] {strides = array<i32>} : memref<16x128xf32, #tpu.memory_space<vmem>>, vector<16xf32>,
      %add3A_143 = arith.addf %add3A_138, %get3A_142 : vector<16xf32>
      %get3A_144 = arith.constant 11 : i32
      %get3A_145 = arith.index_cast %get3A_144 : i32 to index
      %get3A_146 = arith.constant 16 : index
      %get3A_147 = tpu.vector_load %arg10[%get3A_145, %get3A_146] {strides = array<i32>} : memref<16x128xf32, #tpu.memory_space<vmem>>, vector<16xf32>,
      %add3A_148 = arith.addf %add3A_143, %get3A_147 : vector<16xf32>
      %get3A_149 = arith.constant 12 : i32
      %get3A_150 = arith.index_cast %get3A_149 : i32 to index
      %get3A_151 = arith.constant 16 : index
      %get3A_152 = tpu.vector_load %arg10[%get3A_150, %get3A_151] {strides = array<i32>} : memref<16x128xf32, #tpu.memory_space<vmem>>, vector<16xf32>,
      %add3A_153 = arith.addf %add3A_148, %get3A_152 : vector<16xf32>
      %get3A_154 = arith.constant 13 : i32
      %get3A_155 = arith.index_cast %get3A_154 : i32 to index
      %get3A_156 = arith.constant 16 : index
      %get3A_157 = tpu.vector_load %arg10[%get3A_155, %get3A_156] {strides = array<i32>} : memref<16x128xf32, #tpu.memory_space<vmem>>, vector<16xf32>,
      %add3A_158 = arith.addf %add3A_153, %get3A_157 : vector<16xf32>
      %get3A_159 = arith.constant 14 : i32
      %get3A_160 = arith.index_cast %get3A_159 : i32 to index
      %get3A_161 = arith.constant 16 : index
      %get3A_162 = tpu.vector_load %arg10[%get3A_160, %get3A_161] {strides = array<i32>} : memref<16x128xf32, #tpu.memory_space<vmem>>, vector<16xf32>,
      %add3A_163 = arith.addf %add3A_158, %get3A_162 : vector<16xf32>
      %get3A_164 = arith.constant 15 : i32
      %get3A_165 = arith.index_cast %get3A_164 : i32 to index
      %get3A_166 = arith.constant 16 : index
      %get3A_167 = tpu.vector_load %arg10[%get3A_165, %get3A_166] {strides = array<i32>} : memref<16x128xf32, #tpu.memory_space<vmem>>, vector<16xf32>,
      %add3A_168 = arith.addf %add3A_163, %get3A_167 : vector<16xf32>
      %get3A_169 = arith.constant 16 : index
      %get3A_170 = tpu.vector_load %arg11[%get3A_169] {strides = array<i32>} : memref<64xf32, #tpu.memory_space<vmem>>, vector<16xf32>,
      %mul3A_171 = arith.mulf %add3A_168, %get3A_170 : vector<16xf32>
      %swap3A_172 = arith.constant 16 : index
      %swap3A_173 = tpu.vector_load %arg12[%swap3A_172] {strides = array<i32>} : memref<64xf32, #tpu.memory_space<vmem>>, vector<16xf32>,
      tpu.vector_store %arg12[%swap3A_172], %mul3A_171 {strides = array<i32>} : memref<64xf32, #tpu.memory_space<vmem>>, vector<16xf32>,
      %get3A_174 = arith.constant 0 : i32
      %get3A_175 = arith.index_cast %get3A_174 : i32 to index
      %get3A_176 = arith.constant 32 : index
      %get3A_177 = tpu.vector_load %arg10[%get3A_175, %get3A_176] {strides = array<i32>} : memref<16x128xf32, #tpu.memory_space<vmem>>, vector<16xf32>,
      %get3A_178 = arith.constant 1 : i32
      %get3A_179 = arith.index_cast %get3A_178 : i32 to index
      %get3A_180 = arith.constant 32 : index
      %get3A_181 = tpu.vector_load %arg10[%get3A_179, %get3A_180] {strides = array<i32>} : memref<16x128xf32, #tpu.memory_space<vmem>>, vector<16xf32>,
      %add3A_182 = arith.addf %get3A_177, %get3A_181 : vector<16xf32>
      %get3A_183 = arith.constant 2 : i32
      %get3A_184 = arith.index_cast %get3A_183 : i32 to index
      %get3A_185 = arith.constant 32 : index
      %get3A_186 = tpu.vector_load %arg10[%get3A_184, %get3A_185] {strides = array<i32>} : memref<16x128xf32, #tpu.memory_space<vmem>>, vector<16xf32>,
      %add3A_187 = arith.addf %add3A_182, %get3A_186 : vector<16xf32>
      %get3A_188 = arith.constant 3 : i32
      %get3A_189 = arith.index_cast %get3A_188 : i32 to index
      %get3A_190 = arith.constant 32 : index
      %get3A_191 = tpu.vector_load %arg10[%get3A_189, %get3A_190] {strides = array<i32>} : memref<16x128xf32, #tpu.memory_space<vmem>>, vector<16xf32>,
      %add3A_192 = arith.addf %add3A_187, %get3A_191 : vector<16xf32>
      %get3A_193 = arith.constant 4 : i32
      %get3A_194 = arith.index_cast %get3A_193 : i32 to index
      %get3A_195 = arith.constant 32 : index
      %get3A_196 = tpu.vector_load %arg10[%get3A_194, %get3A_195] {strides = array<i32>} : memref<16x128xf32, #tpu.memory_space<vmem>>, vector<16xf32>,
      %add3A_197 = arith.addf %add3A_192, %get3A_196 : vector<16xf32>
      %get3A_198 = arith.constant 5 : i32
      %get3A_199 = arith.index_cast %get3A_198 : i32 to index
      %get3A_200 = arith.constant 32 : index
      %get3A_201 = tpu.vector_load %arg10[%get3A_199, %get3A_200] {strides = array<i32>} : memref<16x128xf32, #tpu.memory_space<vmem>>, vector<16xf32>,
      %add3A_202 = arith.addf %add3A_197, %get3A_201 : vector<16xf32>
      %get3A_203 = arith.constant 6 : i32
      %get3A_204 = arith.index_cast %get3A_203 : i32 to index
      %get3A_205 = arith.constant 32 : index
      %get3A_206 = tpu.vector_load %arg10[%get3A_204, %get3A_205] {strides = array<i32>} : memref<16x128xf32, #tpu.memory_space<vmem>>, vector<16xf32>,
      %add3A_207 = arith.addf %add3A_202, %get3A_206 : vector<16xf32>
      %get3A_208 = arith.constant 7 : i32
      %get3A_209 = arith.index_cast %get3A_208 : i32 to index
      %get3A_210 = arith.constant 32 : index
      %get3A_211 = tpu.vector_load %arg10[%get3A_209, %get3A_210] {strides = array<i32>} : memref<16x128xf32, #tpu.memory_space<vmem>>, vector<16xf32>,
      %add3A_212 = arith.addf %add3A_207, %get3A_211 : vector<16xf32>
      %get3A_213 = arith.constant 8 : i32
      %get3A_214 = arith.index_cast %get3A_213 : i32 to index
      %get3A_215 = arith.constant 32 : index
      %get3A_216 = tpu.vector_load %arg10[%get3A_214, %get3A_215] {strides = array<i32>} : memref<16x128xf32, #tpu.memory_space<vmem>>, vector<16xf32>,
      %add3A_217 = arith.addf %add3A_212, %get3A_216 : vector<16xf32>
      %get3A_218 = arith.constant 9 : i32
      %get3A_219 = arith.index_cast %get3A_218 : i32 to index
      %get3A_220 = arith.constant 32 : index
      %get3A_221 = tpu.vector_load %arg10[%get3A_219, %get3A_220] {strides = array<i32>} : memref<16x128xf32, #tpu.memory_space<vmem>>, vector<16xf32>,
      %add3A_222 = arith.addf %add3A_217, %get3A_221 : vector<16xf32>
      %get3A_223 = arith.constant 10 : i32
      %get3A_224 = arith.index_cast %get3A_223 : i32 to index
      %get3A_225 = arith.constant 32 : index
      %get3A_226 = tpu.vector_load %arg10[%get3A_224, %get3A_225] {strides = array<i32>} : memref<16x128xf32, #tpu.memory_space<vmem>>, vector<16xf32>,
      %add3A_227 = arith.addf %add3A_222, %get3A_226 : vector<16xf32>
      %get3A_228 = arith.constant 11 : i32
      %get3A_229 = arith.index_cast %get3A_228 : i32 to index
      %get3A_230 = arith.constant 32 : index
      %get3A_231 = tpu.vector_load %arg10[%get3A_229, %get3A_230] {strides = array<i32>} : memref<16x128xf32, #tpu.memory_space<vmem>>, vector<16xf32>,
      %add3A_232 = arith.addf %add3A_227, %get3A_231 : vector<16xf32>
      %get3A_233 = arith.constant 12 : i32
      %get3A_234 = arith.index_cast %get3A_233 : i32 to index
      %get3A_235 = arith.constant 32 : index
      %get3A_236 = tpu.vector_load %arg10[%get3A_234, %get3A_235] {strides = array<i32>} : memref<16x128xf32, #tpu.memory_space<vmem>>, vector<16xf32>,
      %add3A_237 = arith.addf %add3A_232, %get3A_236 : vector<16xf32>
      %get3A_238 = arith.constant 13 : i32
      %get3A_239 = arith.index_cast %get3A_238 : i32 to index
      %get3A_240 = arith.constant 32 : index
      %get3A_241 = tpu.vector_load %arg10[%get3A_239, %get3A_240] {strides = array<i32>} : memref<16x128xf32, #tpu.memory_space<vmem>>, vector<16xf32>,
      %add3A_242 = arith.addf %add3A_237, %get3A_241 : vector<16xf32>
      %get3A_243 = arith.constant 14 : i32
      %get3A_244 = arith.index_cast %get3A_243 : i32 to index
      %get3A_245 = arith.constant 32 : index
      %get3A_246 = tpu.vector_load %arg10[%get3A_244, %get3A_245] {strides = array<i32>} : memref<16x128xf32, #tpu.memory_space<vmem>>, vector<16xf32>,
      %add3A_247 = arith.addf %add3A_242, %get3A_246 : vector<16xf32>
      %get3A_248 = arith.constant 15 : i32
      %get3A_249 = arith.index_cast %get3A_248 : i32 to index
      %get3A_250 = arith.constant 32 : index
      %get3A_251 = tpu.vector_load %arg10[%get3A_249, %get3A_250] {strides = array<i32>} : memref<16x128xf32, #tpu.memory_space<vmem>>, vector<16xf32>,
      %add3A_252 = arith.addf %add3A_247, %get3A_251 : vector<16xf32>
      %get3A_253 = arith.constant 32 : index
      %get3A_254 = tpu.vector_load %arg11[%get3A_253] {strides = array<i32>} : memref<64xf32, #tpu.memory_space<vmem>>, vector<16xf32>,
      %mul3A_255 = arith.mulf %add3A_252, %get3A_254 : vector<16xf32>
      %swap3A_256 = arith.constant 32 : index
      %swap3A_257 = tpu.vector_load %arg12[%swap3A_256] {strides = array<i32>} : memref<64xf32, #tpu.memory_space<vmem>>, vector<16xf32>,
      tpu.vector_store %arg12[%swap3A_256], %mul3A_255 {strides = array<i32>} : memref<64xf32, #tpu.memory_space<vmem>>, vector<16xf32>,
      %get3A_258 = arith.constant 0 : i32
      %get3A_259 = arith.index_cast %get3A_258 : i32 to index
      %get3A_260 = arith.constant 48 : index
      %get3A_261 = tpu.vector_load %arg10[%get3A_259, %get3A_260] {strides = array<i32>} : memref<16x128xf32, #tpu.memory_space<vmem>>, vector<16xf32>,
      %get3A_262 = arith.constant 1 : i32
      %get3A_263 = arith.index_cast %get3A_262 : i32 to index
      %get3A_264 = arith.constant 48 : index
      %get3A_265 = tpu.vector_load %arg10[%get3A_263, %get3A_264] {strides = array<i32>} : memref<16x128xf32, #tpu.memory_space<vmem>>, vector<16xf32>,
      %add3A_266 = arith.addf %get3A_261, %get3A_265 : vector<16xf32>
      %get3A_267 = arith.constant 2 : i32
      %get3A_268 = arith.index_cast %get3A_267 : i32 to index
      %get3A_269 = arith.constant 48 : index
      %get3A_270 = tpu.vector_load %arg10[%get3A_268, %get3A_269] {strides = array<i32>} : memref<16x128xf32, #tpu.memory_space<vmem>>, vector<16xf32>,
      %add3A_271 = arith.addf %add3A_266, %get3A_270 : vector<16xf32>
      %get3A_272 = arith.constant 3 : i32
      %get3A_273 = arith.index_cast %get3A_272 : i32 to index
      %get3A_274 = arith.constant 48 : index
      %get3A_275 = tpu.vector_load %arg10[%get3A_273, %get3A_274] {strides = array<i32>} : memref<16x128xf32, #tpu.memory_space<vmem>>, vector<16xf32>,
      %add3A_276 = arith.addf %add3A_271, %get3A_275 : vector<16xf32>
      %get3A_277 = arith.constant 4 : i32
      %get3A_278 = arith.index_cast %get3A_277 : i32 to index
      %get3A_279 = arith.constant 48 : index
      %get3A_280 = tpu.vector_load %arg10[%get3A_278, %get3A_279] {strides = array<i32>} : memref<16x128xf32, #tpu.memory_space<vmem>>, vector<16xf32>,
      %add3A_281 = arith.addf %add3A_276, %get3A_280 : vector<16xf32>
      %get3A_282 = arith.constant 5 : i32
      %get3A_283 = arith.index_cast %get3A_282 : i32 to index
      %get3A_284 = arith.constant 48 : index
      %get3A_285 = tpu.vector_load %arg10[%get3A_283, %get3A_284] {strides = array<i32>} : memref<16x128xf32, #tpu.memory_space<vmem>>, vector<16xf32>,
      %add3A_286 = arith.addf %add3A_281, %get3A_285 : vector<16xf32>
      %get3A_287 = arith.constant 6 : i32
      %get3A_288 = arith.index_cast %get3A_287 : i32 to index
      %get3A_289 = arith.constant 48 : index
      %get3A_290 = tpu.vector_load %arg10[%get3A_288, %get3A_289] {strides = array<i32>} : memref<16x128xf32, #tpu.memory_space<vmem>>, vector<16xf32>,
      %add3A_291 = arith.addf %add3A_286, %get3A_290 : vector<16xf32>
      %get3A_292 = arith.constant 7 : i32
      %get3A_293 = arith.index_cast %get3A_292 : i32 to index
      %get3A_294 = arith.constant 48 : index
      %get3A_295 = tpu.vector_load %arg10[%get3A_293, %get3A_294] {strides = array<i32>} : memref<16x128xf32, #tpu.memory_space<vmem>>, vector<16xf32>,
      %add3A_296 = arith.addf %add3A_291, %get3A_295 : vector<16xf32>
      %get3A_297 = arith.constant 8 : i32
      %get3A_298 = arith.index_cast %get3A_297 : i32 to index
      %get3A_299 = arith.constant 48 : index
      %get3A_300 = tpu.vector_load %arg10[%get3A_298, %get3A_299] {strides = array<i32>} : memref<16x128xf32, #tpu.memory_space<vmem>>, vector<16xf32>,
      %add3A_301 = arith.addf %add3A_296, %get3A_300 : vector<16xf32>
      %get3A_302 = arith.constant 9 : i32
      %get3A_303 = arith.index_cast %get3A_302 : i32 to index
      %get3A_304 = arith.constant 48 : index
      %get3A_305 = tpu.vector_load %arg10[%get3A_303, %get3A_304] {strides = array<i32>} : memref<16x128xf32, #tpu.memory_space<vmem>>, vector<16xf32>,
      %add3A_306 = arith.addf %add3A_301, %get3A_305 : vector<16xf32>
      %get3A_307 = arith.constant 10 : i32
      %get3A_308 = arith.index_cast %get3A_307 : i32 to index
      %get3A_309 = arith.constant 48 : index
      %get3A_310 = tpu.vector_load %arg10[%get3A_308, %get3A_309] {strides = array<i32>} : memref<16x128xf32, #tpu.memory_space<vmem>>, vector<16xf32>,
      %add3A_311 = arith.addf %add3A_306, %get3A_310 : vector<16xf32>
      %get3A_312 = arith.constant 11 : i32
      %get3A_313 = arith.index_cast %get3A_312 : i32 to index
      %get3A_314 = arith.constant 48 : index
      %get3A_315 = tpu.vector_load %arg10[%get3A_313, %get3A_314] {strides = array<i32>} : memref<16x128xf32, #tpu.memory_space<vmem>>, vector<16xf32>,
      %add3A_316 = arith.addf %add3A_311, %get3A_315 : vector<16xf32>
      %get3A_317 = arith.constant 12 : i32
      %get3A_318 = arith.index_cast %get3A_317 : i32 to index
      %get3A_319 = arith.constant 48 : index
      %get3A_320 = tpu.vector_load %arg10[%get3A_318, %get3A_319] {strides = array<i32>} : memref<16x128xf32, #tpu.memory_space<vmem>>, vector<16xf32>,
      %add3A_321 = arith.addf %add3A_316, %get3A_320 : vector<16xf32>
      %get3A_322 = arith.constant 13 : i32
      %get3A_323 = arith.index_cast %get3A_322 : i32 to index
      %get3A_324 = arith.constant 48 : index
      %get3A_325 = tpu.vector_load %arg10[%get3A_323, %get3A_324] {strides = array<i32>} : memref<16x128xf32, #tpu.memory_space<vmem>>, vector<16xf32>,
      %add3A_326 = arith.addf %add3A_321, %get3A_325 : vector<16xf32>
      %get3A_327 = arith.constant 14 : i32
      %get3A_328 = arith.index_cast %get3A_327 : i32 to index
      %get3A_329 = arith.constant 48 : index
      %get3A_330 = tpu.vector_load %arg10[%get3A_328, %get3A_329] {strides = array<i32>} : memref<16x128xf32, #tpu.memory_space<vmem>>, vector<16xf32>,
      %add3A_331 = arith.addf %add3A_326, %get3A_330 : vector<16xf32>
      %get3A_332 = arith.constant 15 : i32
      %get3A_333 = arith.index_cast %get3A_332 : i32 to index
      %get3A_334 = arith.constant 48 : index
      %get3A_335 = tpu.vector_load %arg10[%get3A_333, %get3A_334] {strides = array<i32>} : memref<16x128xf32, #tpu.memory_space<vmem>>, vector<16xf32>,
      %add3A_336 = arith.addf %add3A_331, %get3A_335 : vector<16xf32>
      %get3A_337 = arith.constant 48 : index
      %get3A_338 = tpu.vector_load %arg11[%get3A_337] {strides = array<i32>} : memref<64xf32, #tpu.memory_space<vmem>>, vector<16xf32>,
      %mul3A_339 = arith.mulf %add3A_336, %get3A_338 : vector<16xf32>
      %swap3A_340 = arith.constant 48 : index
      %swap3A_341 = tpu.vector_load %arg12[%swap3A_340] {strides = array<i32>} : memref<64xf32, #tpu.memory_space<vmem>>, vector<16xf32>,
      tpu.vector_store %arg12[%swap3A_340], %mul3A_339 {strides = array<i32>} : memref<64xf32, #tpu.memory_space<vmem>>, vector<16xf32>,
      "tpu.region"() ({
        %run_scoped3A = tpu.sem_alloc : memref<!tpu.dma_semaphore, #tpu.memory_space<semaphore_mem>>
        tpu.enqueue_dma source(%arg12 : memref<64xf32, #tpu.memory_space<vmem>>) target(%arg5 : memref<64xf32, #tpu.memory_space<hbm>>) target_semaphore(%run_scoped3A : memref<!tpu.dma_semaphore, #tpu.memory_space<semaphore_mem>>)
        tpu.wait_dma2 semaphore(%run_scoped3A : memref<!tpu.dma_semaphore, #tpu.memory_space<semaphore_mem>>) src(%arg12 : memref<64xf32, #tpu.memory_space<vmem>>) dst(%arg5 : memref<64xf32, #tpu.memory_space<hbm>>)
        tpu.yield
      }) : () -> ()
    } else {
    }
    return
  }
}

module attributes {stable_mosaic.version = 14 : i64} {
  func.func @_rowsum_body(%arg0: i32, %arg1: memref<4000x256xf32, #tpu.memory_space<vmem>>, %arg2: memref<4000x256xf32, #tpu.memory_space<vmem>>, %arg3: memref<8x500xf32, #tpu.memory_space<vmem>>) attributes {dimension_semantics = [#tpu.dimension_semantics<arbitrary>], iteration_bounds = array<i64: 25>, scalar_prefetch = 0 : i64, scratch_operands = 0 : i64, tpu.core_type = #tpu.core_type<tc>, window_params = [{transform_indices = @transform_0, window_bounds = array<i64: 4000, 256>}, {transform_indices = @transform_1, window_bounds = array<i64: 4000, 256>}, {transform_indices = @transform_2, window_bounds = array<i64: 8, 500>}]} {
    %get3A = arith.constant 0 : index
    %get3A_0 = arith.constant 0 : index
    %get3A_1 = vector.load %arg1[%get3A, %get3A_0] : memref<4000x256xf32, #tpu.memory_space<vmem>>, vector<4000x256xf32>
    %get3A_2 = arith.constant 0 : index
    %get3A_3 = arith.constant 0 : index
    %get3A_4 = vector.load %arg2[%get3A_2, %get3A_3] : memref<4000x256xf32, #tpu.memory_space<vmem>>, vector<4000x256xf32>
    %sub3A = arith.subf %get3A_1, %get3A_4 : vector<4000x256xf32>
    %mul3A = arith.mulf %sub3A, %sub3A : vector<4000x256xf32>
    %reduce_sum3A = arith.constant dense<0.000000e+00> : vector<4000xf32>
    %reduce_sum3A_5 = vector.multi_reduction <add>, %mul3A, %reduce_sum3A [1] : vector<4000x256xf32> to vector<4000xf32>
    %reshape3A = vector.shape_cast %reduce_sum3A_5 : vector<4000xf32> to vector<8x500xf32>
    %swap3A = arith.constant 0 : index
    %swap3A_6 = arith.constant 0 : index
    %swap3A_7 = vector.load %arg3[%swap3A, %swap3A_6] : memref<8x500xf32, #tpu.memory_space<vmem>>, vector<8x500xf32>
    tpu.vector_store %arg3[%swap3A, %swap3A_6], %reshape3A {strides = array<i32>} : memref<8x500xf32, #tpu.memory_space<vmem>>, vector<8x500xf32>,
    return
  }
  func.func @transform_0(%arg0: i32) -> (i32, i32) {
    %c0_i32 = arith.constant 0 : i32
    %c0_i32_0 = arith.constant 0 : i32
    return %arg0, %c0_i32 : i32, i32
  }
  func.func @transform_1(%arg0: i32) -> (i32, i32) {
    %c0_i32 = arith.constant 0 : i32
    %c0_i32_0 = arith.constant 0 : i32
    return %arg0, %c0_i32 : i32, i32
  }
  func.func @transform_2(%arg0: i32) -> (i32, i32) {
    %c0_i32 = arith.constant 0 : i32
    %c0_i32_0 = arith.constant 0 : i32
    return %arg0, %c0_i32 : i32, i32
  }
}

</mosaic_0001>

<sc_bundles>
// kernel: kernel.5.cloned.1.call-start
scs
__scs_entry_jumppad:
0x0: {  	(pc) =	sbr.rel $0x88, $3  }
0x1: {  	(tag) =	ssettag $0x0;
	lr =	simm.s32 $0x1  }
0x2: {  	[smem:$0x3F9E] =	sst lr;
	_ =	strace $0xD0000000  }
0x3: {  	_ = 	snop  }
0x4: {  	_ = 	snop  }
0x5: {  	_ = 	snop  }
0x6: {  	_ = 	snop  }
0x7: {  	_ = 	snop  }
__scs_overlays_trampoline_lowered:
0x8: {  	[smem:$0x3FAD] =	sst s0  }
0x9: {  	[smem:$0x3FAE] =	sst s1  }
0xa: {  	[smem:$0x3FAF] =	sst s2  }
0xb: {  	[smem:$0x3FB0] =	sst s3  }
0xc: {  	[smem:$0x3FB1] =	sst s4  }
0xd: {  	[smem:$0x3FB2] =	sst s5  }
0xe: {  	[smem:$0x3FB3] =	sst s6  }
0xf: {  	[smem:$0x3FB4] =	sst s7  }
0x10: {  	[smem:$0x3FB5] =	sst s8  }
0x11: {  	[smem:$0x3FB6] =	sst s9;
	s0 =	simm.s32 @!p0 $0x0  }
0x12: {  	s1 =	sld [smem:$0x3F9C];
	s0 =	simm.s32 @p0 $0x1  }
0x13: {  	[smem:$0x3FB7] =	sst s0;
	s0 =	simm.s32 @!p1 $0x0  }
0x14: {  	s2 =	sld [smem:$0x3F9B];
	s0 =	simm.s32 @p1 $0x1  }
0x15: {  	[smem:$0x3FB8] =	sst s0;
	s0 =	simm.s32 @!p2 $0x0  }
0x16: {  	s3 =	sld [smem:$0x3FDB];
	s0 =	simm.s32 @p2 $0x1  }
0x17: {  	s4 =	simm.s32 $0x1BF5;
	[smem:$0x3FBA] =	sst s0  }
0x18: {  	s0 =	sld [smem:$0x3F9D];
	_ =	swait.ge [sflag:s4], $0x0  }
0x19: {  	s7 =	sld [smem:$0x3F9E]  }
0x1a: {  	s8 =	sadd.s32 $0xFFFFE003, lr  }
0x1b: {  	s9 =	sadd.s32 $0xFFFFFEF7, lr;
	s5 =	simm.s32 $0xFFFFFFFF;
	p2 =	slt.u32 s8, $0xFFFFF086  }
0x1c: {  	p1 =	slt.u32 s9, $0xF7A;
	s5 =	simm.s32 @!p2 $0x0  }
0x1d: {  	s5 =	simm.s32 @p1 $0x1;
	p0 =	seq.s32 s7, s2  }
0x1e: {  	s7 =	smul.u32 @!p0 $0xF7A, s2;
	p2 =	seq.s32 @!p0 s5, $0x0  }
0x1f: {  	s9 =	smul.u32 $0xF7A, s1;
	s8 =	simm.s32 @!p0 $0x1BF5;
	p2 =	por !p2, p0  }
0x20: {  	[sflag:s8] =	ssyncset.s32 @!p0 $0xFFFFF086;
	s6 =	sadd.s32 @!p0 s3, s7;
	s7 =	simm.s32 @!p0 $0x108  }
0x21: {  	s3 =	sadd.s32 s3, s9;
	s6 =	sadd.s32 @!p0 $0x88, s6;
	s7 =	simm.s32 @p2 $0x1082  }
0x22: {  	[simem:s7], [sflag:s8] =	dma.local @!p0 [hbm:s6], $0xF7A  }
0x23: {  	s9 =	sor.u32 $0xD0000000, s2;
	s6 =	simm.s32 $0x108;
	_ =	swait.ge @!p0 [sflag:s8], $0x0  }
0x24: {  	s3 =	sadd.s32 $0x88, s3;
	s6 =	simm.s32 @!p1 $0x1082;
	[sflag:s4] =	ssyncset.s32 $0xFFFFF086  }
0x25: {  	[simem:s6], [sflag:s4] =	dma.local [hbm:s3], $0xF7A  }
0x26: {  	[smem:$0x3F9E] =	sst s1;
	(tag) =	ssettag s2;
	_ =	strace s9  }
0x27: {  	s1 =	sld [smem:$0x3FAE]  }
0x28: {  	s2 =	sld [smem:$0x3FAF]  }
0x29: {  	s4 =	sld [smem:$0x3FB1]  }
0x2a: {  	p0 =	seq.s32 s5, $0x0;
	s5 =	sld [smem:$0x3FB2]  }
0x2b: {  	s6 =	sld [smem:$0x3FB3]  }
0x2c: {  	s7 =	sld [smem:$0x3FB4]  }
0x2d: {  	s3 =	simm.s32 $0x108;
	s8 =	sld [smem:$0x3FB5]  }
0x2e: {  	s3 =	simm.s32 @!p0 $0x1082;
	s9 =	sld [smem:$0x3FB6]  }
0x2f: {  	lr =	sadd.s32 s0, s3;
	s0 =	sld [smem:$0x3FAD]  }
0x30: {  	s3 =	sld [smem:$0x3FB0]  }
0x31: {  	[smem:$0x3FB9] =	sst s10  }
0x32: {  	s10 =	sld [smem:$0x3FB7];
	_ =	sdelay $0x3  }
0x33: {  	p0 =	seq.s32 s10, $0x1;
	s10 =	sld [smem:$0x3FB9];
	_ =	sdelay $0x3  }
0x34: {  	[smem:$0x3FB9] =	sst s10  }
0x35: {  	s10 =	sld [smem:$0x3FB8];
	_ =	sdelay $0x3  }
0x36: {  	p1 =	seq.s32 s10, $0x1;
	s10 =	sld [smem:$0x3FB9];
	_ =	sdelay $0x3  }
0x37: {  	[smem:$0x3FB9] =	sst s10  }
0x38: {  	s10 =	sld [smem:$0x3FBA]  }
0x39: {  	_ = 	snop;
	(pc) =	sbr.ind lr, $3  }
0x3a: {  	_ = 	snop  }
0x3b: {  	_ = 	snop  }
0x3c: {  	p2 =	seq.s32 s10, $0x1;
	s10 =	sld [smem:$0x3FB9]  }
0x3d: {  	_ =	shalt  }
0x3e: {  	_ =	shalt  }
0x3f: {  	_ =	shalt  }
0x40: {  	_ =	shalt  }
0x41: {  	_ =	shalt  }
0x42: {  	_ =	shalt  }
0x43: {  	_ =	shalt  }
0x44: {  	_ =	shalt  }
0x45: {  	_ =	shalt  }
0x46: {  	_ =	shalt  }
0x47: {  	_ =	shalt  }
0x48: {  	_ =	shalt  }
0x49: {  	_ =	shalt  }
0x4a: {  	_ =	shalt  }
0x4b: {  	_ =	shalt  }
0x4c: {  	_ =	shalt  }
0x4d: {  	_ =	shalt  }
0x4e: {  	_ =	shalt  }
0x4f: {  	_ =	shalt  }
0x50: {  	_ =	shalt  }
0x51: {  	_ =	shalt  }
0x52: {  	_ =	shalt  }
0x53: {  	_ =	shalt  }
0x54: {  	_ =	shalt  }
0x55: {  	_ =	shalt  }
0x56: {  	_ =	shalt  }
0x57: {  	_ =	shalt  }
0x58: {  	_ =	shalt  }
0x59: {  	_ =	shalt  }
0x5a: {  	_ =	shalt  }
0x5b: {  	_ =	shalt  }
0x5c: {  	_ =	shalt  }
0x5d: {  	_ =	shalt  }
0x5e: {  	_ =	shalt  }
0x5f: {  	_ =	shalt  }
0x60: {  	_ =	shalt  }
0x61: {  	_ =	shalt  }
0x62: {  	_ =	shalt  }
0x63: {  	_ =	shalt  }
0x64: {  	_ =	shalt  }
0x65: {  	_ =	shalt  }
0x66: {  	_ =	shalt  }
0x67: {  	_ =	shalt  }
0x68: {  	_ =	shalt  }
0x69: {  	_ =	shalt  }
0x6a: {  	_ =	shalt  }
0x6b: {  	_ =	shalt  }
0x6c: {  	_ =	shalt  }
0x6d: {  	_ =	shalt  }
0x6e: {  	_ =	shalt  }
0x6f: {  	_ =	shalt  }
0x70: {  	_ =	shalt  }
0x71: {  	_ =	shalt  }
0x72: {  	_ =	shalt  }
0x73: {  	_ =	shalt  }
0x74: {  	_ =	shalt  }
0x75: {  	_ =	shalt  }
0x76: {  	_ =	shalt  }
0x77: {  	_ =	shalt  }
0x78: {  	_ =	shalt  }
0x79: {  	_ =	shalt  }
0x7a: {  	_ =	shalt  }
0x7b: {  	_ =	shalt  }
0x7c: {  	_ =	shalt  }
0x7d: {  	_ =	shalt  }
0x7e: {  	_ =	shalt  }
0x7f: {  	_ =	shalt  }
0x80: {  	_ =	shalt  }
0x81: {  	_ =	shalt  }
0x82: {  	_ =	shalt  }
0x83: {  	_ =	shalt  }
0x84: {  	_ =	shalt  }
0x85: {  	_ =	shalt  }
0x86: {  	_ =	shalt  }
0x87: {  	_ =	shalt  }
.Lfunc_end0:
.L_simem_size_0:
called_computation_lowered:
.L_overlay_start_0:
0x88: {  	s2 =	sld [smem:$0x3FD9]  }
0x89: {  	s3 =	sld [smem:$0x3FFE];
	_ =	sdelay $0x1  }
0x8a: {  	s1 =	srdreg.scid  }
0x8b: {  	s0 =	sand.u32 $0x1, s1  }
0x8c: {  	s17 =	sshll.u32 s0, $0xA;
	s2 =	sadd.s32 s3, s2  }
0x8d: {  	s2 =	sadd.s32 s2, s17  }
0x8e: {  	[smem:$0x3FC5] =	sst s2  }
0x8f: {  	_ = 	snop  }
0x90: {  	s2 =	sld [smem:$0x3FC7];
	(tm) =	ssettm $0x1  }
0x91: {  	s18 =	sld [smem:$0x3FFB];
	_ =	sdelay $0x3  }
0x92: {  	_ =	strace s18  }
0x93: {  	s3 =	sld [smem:$0x3FFC];
	_ =	sdelay $0x3  }
0x94: {  	_ =	strace s3  }
0x95: {  	s3 =	sld [smem:$0x3FFD];
	_ =	sdelay $0x3  }
0x96: {  	_ =	strace s3  }
0x97: {  	_ =	strace $0x8FFFFFFF  }
0x98: {  	s19 =	sld [smem:$0x3FDB];
	_ =	sdelay $0x1  }
0x99: {  	s4 =	simm.s32 $_scs_section_size  }
0x9a: {  	s5 =	simm.s32 $_size__tile_overlayer_lowered;
	s6 =	simm.s32 $_tile_overlayer_lowered  }
0x9b: {  	s22 =	simm.s32 $0x1BFF;
	s21 =	sshll.u32 s6, $0x1;
	s3 =	sadd.s32 s4, s19  }
0x9c: {  	s7 =	simm.s32 $0x0;
	s20 =	sshll.u32 s5, $0x1;
	s5 =	sadd.s32 s21, s3  }
0x9d: {  	[timem:s7], [sflag:s22] =	dma.local [hbm:s5], s20  }
0x9e: {  	_ =	swait.ge [sflag:s22], s20  }
0x9f: {  	s4 =	ssub.s32 $0x0, s20;
	[sflag:s22] =	ssyncset.done $0x0  }
0xa0: {  	[sflag:s22] =	ssyncadd.s32 s4;
	_ =	sdelay $0x1  }
0xa1: {  	s23 =	simm.s32 $0x1B8B  }
0xa2: {  	_ =	swait.ge [sflag:s23], $0x1  }
0xa3: {  	[sflag:s23] =	ssyncset.done $0x0  }
0xa4: {  	s25 =	simm.s32 $0x1B8E;
	s24 =	sld [smem:$0x3FFE];
	[sflag:s23] =	ssyncadd.s32 $0xFFFFFFFF  }
0xa5: {  	s26 =	simm.s32 $execute0_lowered;
	[smem:$0x3FD2] =	sst s25  }
0xa6: {  	s5 =	sshll.u32 s26, $0x1;
	_ =	strace $0x80000046;
	[dreg:$0x1] =	wrdreg $0xFFFFFFFF  }
0xa7: {  	s28 =	simm.s32 $_size_execute0_lowered;
	s3 =	sadd.s32 s3, s5;
	[dreg:$0x0] =	wrdreg $0x0  }
0xa8: {  	s5 =	sshll.u32 s28, $0x1;
	[dreg:$0x2] =	wrdreg s3  }
0xa9: {  	[dreg:$0x3] =	wrdreg s5  }
0xaa: {  	[dreg:$0x4] =	wrdreg $0xC0  }
0xab: {  	_ =	task [dreg:s7], $0x5FFFF  }
0xac: {  	[dreg:$0x1] =	wrdreg $0xFFFFFFFF  }
0xad: {  	[dreg:$0x0] =	wrdreg $0x60  }
0xae: {  	[dreg:$0x2] =	wrdreg s2  }
0xaf: {  	[dreg:$0x3] =	wrdreg s24  }
0xb0: {  	[dreg:$0x4] =	wrdreg $0x29800  }
0xb1: {  	[dreg:$0x5] =	wrdreg $0x9  }
0xb2: {  	_ =	task.clear_ibuf [dreg:s7], $0x6FFFF;
	_ =	strace $0x90000046  }
0xb3: {  	s29 =	simm.s32 $0x9;
	_ =	strace $0x80000048  }
0xb4: {  	_ =	swait.ge [sflag:s29], $0x1  }
0xb5: {  	[sflag:s29] =	ssyncadd.s32 $0xFFFFFFFF  }
0xb6: {  	_ =	strace $0x90000048  }
0xb7: {  	_ =	sfence  }
0xb8: {  	s30 =	sld [smem:$0x0];
	_ =	sdelay $0x2  }
0xb9: {  	s31 =	sshll.u32 s1, $0xD;
	s1 =	sshrl.u32 s1, $0x2  }
0xba: {  	s3 =	sand.u32 $0x4000, s31;
	s1 =	sadd.s32 s1, s30  }
0xbb: {  	s0 =	sor.u32 s3, s0;
	s1 =	sshll.u32 s1, $0x11  }
0xbc: {  	s0 =	sor.u32 s1, s0  }
0xbd: {  	s0 =	sadd.s32 $0x8F2B, s0  }
0xbe: {  	[sflag:s0] =	ssyncadd.remote.s32 $0x1  }
0xbf: {  	_ =	sfence.sel $0xFFFF  }
0xc0: {  	[dreg:$0x0] =	wrdreg $0xFFFFFFFF;
	(pc) =	sbr.abs _section_cstart, $3  }
0xc1: {  	[dreg:$0x1] =	wrdreg $0xFFFFFFFF  }
0xc2: {  	_ =	task.clear_ibuf [dreg:s7], $0x2FFFF;
	_ =	strace $0x9FFFFFFF  }
0xc3: {  	(tm) =	ssettm $0x7FFFFFFF  }
tec
execute0_lowered:
.L_overlay_start_1:
0x0: {  	(tag) =	ssettag $0x1  }
0x1: {  	s6 =	rddreg [dreg:$0x0]  }
0x2: {  	s5 =	rddreg [dreg:$0x1]  }
0x3: {  	s2 =	rddreg [dreg:$0x2];
	s0 =	stileid.u32  }
0x4: {  	s4 =	srdreg.scid;
	s1 =	rddreg [dreg:$0x3];
	s3 =	simm.s32 $0x0  }
0x5: {  	s14 =	simm.s32 $0x0;
	s7 =	smul.u32 $0x1870, s0;
	s9 =	sand.u32 $0x1, s4  }
0x6: {  	[smem:$0x7FF] =	sst s3;
	s5 =	sadd.s32 $0x800, s5;
	s12 =	sshll.u32 s0, $0x7  }
0x7: {  	s8 =	ssub.s32 $0x2, s9;
	_ =	strace $0x80000047;
	s31 =	sor.u32 s0, s9  }
0x8: {  	p0 =	sne.s32 s9, $0x0;
	s9 =	simm.s32 $0x1;
	s4 =	smin.u32 s7, $0x16E30  }
.Ltmp0:
0x9: {  	s10 =	sshrl.u32 s8, $0x1;
	v0 =	vmov s7;
	s7 =	sadd.s32 s12, s2;
	(pc) =	sbr.rel .LBB2_1-.Ltmp0, $4  }
0xa: {  	v1 =	vlaneseq.u32;
	p1 =	sne.s32 s31, $0x0;
	s12 =	simm.s32 $0x2100;
	s11 =	sshrl.u32 s4, $0x3  }
0xb: {  	v2 =	vimm.f32 $0.0e+00;
	v4 =	vimm.f32 $1.000000000e+00;
	v3 =	vmul.u32 $0x80, v1;
	s29 =	sadd.s32 $0x1840, s4;
	s30 =	sadd.s32 $0x1850, s4;
	s13 =	sadd.s32 $0x1860, s4  }
0xc: {  	s8 =	ssub.s32 s8, s10;
	s10 =	simm.s32 $0x1880;
	s6 =	sadd.s32 s6, s11;
	v5 =	vor.u32 s29, v1;
	v6 =	vor.u32 s30, v1;
	v7 =	vor.u32 s13, v1  }
0xd: {  	s8 =	smax.u32 s8, $0x1;
	s11 =	simm.s32 $0x2080;
	s13 =	simm.s32 $0x2900;
	vm0 =	vge.u32 v7, v0;
	vm1 =	vge.u32 v6, v0;
	vm2 =	vge.u32 v5, v0  }
.LBB2_5:
.Ltmp1:
0xe: {  	(pc) =	sbr.rel @!p1 .LBB2_6-.Ltmp1, $2  }
0xf: {  	_ =	sdelay $0x1  }
0x10: {  	[bflag:$0x0] =	sbarrier.arrive $0xFFFF;
	_ =	sdelay $0x1  }
.LBB2_7:
0x11: {  	s14 =	sadd.s32 $0x1, s14  }
0x12: {  	p2 =	sne.s32 s14, s8  }
.Ltmp2:
0x13: {  	_ = 	snop;
	(pc) =	sbr.rel @!p2 .LBB2_8-.Ltmp2, $1  }
0x14: {  	_ =	sdelay $0x3  }
.LBB2_1:
.Ltmp3:
0x15: {  	(pc) =	sbr.rel @p0 .LBB2_5-.Ltmp3, $1  }
0x16: {  	_ =	sdelay $0x3  }
0x17: {  	[tilespmem:s3], [sflag:$0x1] =	stream.linear.gather [hbm4b:s6+s3], $0x1870, $0x38;
	[tilespmem:$0x2A00] =	vst v63  }
0x18: {  	_ =	swait.ge [sflag:s9], $0x1870  }
0x19: {  	[sflag:s9] =	ssyncset.done $0x0  }
0x1a: {  	[sflag:s9] =	ssyncadd.s32 $0xFFFFE790  }
0x1b: {  	[tilespmem:$0x1880] =	vst v2  }
0x1c: {  	[tilespmem:$0x1890] =	vst v2  }
0x1d: {  	[tilespmem:$0x18A0] =	vst v2  }
0x1e: {  	[tilespmem:$0x18B0] =	vst v2  }
0x1f: {  	[tilespmem:$0x1900] =	vst v2  }
0x20: {  	[tilespmem:$0x1910] =	vst v2  }
0x21: {  	[tilespmem:$0x1920] =	vst v2  }
0x22: {  	[tilespmem:$0x1930] =	vst v2  }
0x23: {  	[tilespmem:$0x1980] =	vst v2  }
0x24: {  	[tilespmem:$0x1990] =	vst v2  }
0x25: {  	[tilespmem:$0x19A0] =	vst v2  }
0x26: {  	[tilespmem:$0x19B0] =	vst v2  }
0x27: {  	[tilespmem:$0x1A00] =	vst v2  }
0x28: {  	[tilespmem:$0x1A10] =	vst v2  }
0x29: {  	[tilespmem:$0x1A20] =	vst v2  }
0x2a: {  	[tilespmem:$0x1A30] =	vst v2  }
0x2b: {  	[tilespmem:$0x1A80] =	vst v2  }
0x2c: {  	[tilespmem:$0x1A90] =	vst v2  }
0x2d: {  	[tilespmem:$0x1AA0] =	vst v2  }
0x2e: {  	[tilespmem:$0x1AB0] =	vst v2  }
0x2f: {  	[tilespmem:$0x1B00] =	vst v2  }
0x30: {  	[tilespmem:$0x1B10] =	vst v2  }
0x31: {  	[tilespmem:$0x1B20] =	vst v2  }
0x32: {  	[tilespmem:$0x1B30] =	vst v2  }
0x33: {  	[tilespmem:$0x1B80] =	vst v2  }
0x34: {  	[tilespmem:$0x1B90] =	vst v2  }
0x35: {  	[tilespmem:$0x1BA0] =	vst v2  }
0x36: {  	[tilespmem:$0x1BB0] =	vst v2  }
0x37: {  	[tilespmem:$0x1C00] =	vst v2  }
0x38: {  	[tilespmem:$0x1C10] =	vst v2  }
0x39: {  	[tilespmem:$0x1C20] =	vst v2  }
0x3a: {  	[tilespmem:$0x1C30] =	vst v2  }
0x3b: {  	[tilespmem:$0x1C80] =	vst v2  }
0x3c: {  	[tilespmem:$0x1C90] =	vst v2  }
0x3d: {  	[tilespmem:$0x1CA0] =	vst v2  }
0x3e: {  	[tilespmem:$0x1CB0] =	vst v2  }
0x3f: {  	[tilespmem:$0x1D00] =	vst v2  }
0x40: {  	[tilespmem:$0x1D10] =	vst v2  }
0x41: {  	[tilespmem:$0x1D20] =	vst v2  }
0x42: {  	[tilespmem:$0x1D30] =	vst v2  }
0x43: {  	[tilespmem:$0x1D80] =	vst v2  }
0x44: {  	[tilespmem:$0x1D90] =	vst v2  }
0x45: {  	[tilespmem:$0x1DA0] =	vst v2  }
0x46: {  	[tilespmem:$0x1DB0] =	vst v2  }
0x47: {  	[tilespmem:$0x1E00] =	vst v2  }
0x48: {  	[tilespmem:$0x1E10] =	vst v2  }
0x49: {  	[tilespmem:$0x1E20] =	vst v2  }
0x4a: {  	[tilespmem:$0x1E30] =	vst v2  }
0x4b: {  	[tilespmem:$0x1E80] =	vst v2  }
0x4c: {  	[tilespmem:$0x1E90] =	vst v2  }
0x4d: {  	[tilespmem:$0x1EA0] =	vst v2  }
0x4e: {  	[tilespmem:$0x1EB0] =	vst v2  }
0x4f: {  	[tilespmem:$0x1F00] =	vst v2  }
0x50: {  	[tilespmem:$0x1F10] =	vst v2  }
0x51: {  	[tilespmem:$0x1F20] =	vst v2  }
0x52: {  	[tilespmem:$0x1F30] =	vst v2  }
0x53: {  	[tilespmem:$0x1F80] =	vst v2  }
0x54: {  	[tilespmem:$0x1F90] =	vst v2  }
0x55: {  	[tilespmem:$0x1FA0] =	vst v2  }
0x56: {  	[tilespmem:$0x1FB0] =	vst v2  }
0x57: {  	[tilespmem:$0x2000] =	vst v2  }
0x58: {  	[tilespmem:$0x2010] =	vst v2  }
0x59: {  	[tilespmem:$0x2020] =	vst v2  }
0x5a: {  	s15 =	simm.s32 $0xFFFFFFFC;
	s16 =	simm.s32 $0x20;
	s17 =	smov.u32 s4;
	[tilespmem:$0x2030] =	vst v2  }
.LBB2_3:
0x5b: {  	v5 =	vld [tilespmem:s16+$0xFFFFFFE0];
	_ =	sdelay $0x2  }
0x5c: {  	v6 =	vor.u32 s17, v1  }
0x5d: {  	vm3 =	vge.u32 v6, v0  }
0x5e: {  	v5 =	vadd.s32 v3, v5;
	_ =	sdelay $0x4  }
0x5f: {  	[tilespmem:v5+s10+$0x0] =	vst.idx.add.f32.msk vm3, v4  }
0x60: {  	v5 =	vld [tilespmem:s16+$0xFFFFFFF0];
	_ =	sdelay $0x1  }
0x61: {  	s18 =	sadd.s32 $0x10, s17  }
0x62: {  	v6 =	vor.u32 s18, v1  }
0x63: {  	vm3 =	vge.u32 v6, v0  }
0x64: {  	v5 =	vadd.s32 v3, v5;
	_ =	sdelay $0x4  }
0x65: {  	[tilespmem:v5+s10+$0x0] =	vst.idx.add.f32.msk vm3, v4  }
0x66: {  	v5 =	vld [tilespmem:s16+$0x0];
	_ =	sdelay $0x1  }
0x67: {  	s30 =	sadd.s32 $0x20, s17  }
0x68: {  	v6 =	vor.u32 s30, v1  }
0x69: {  	vm3 =	vge.u32 v6, v0  }
0x6a: {  	v5 =	vadd.s32 v3, v5;
	_ =	sdelay $0x4  }
0x6b: {  	[tilespmem:v5+s10+$0x0] =	vst.idx.add.f32.msk vm3, v4  }
0x6c: {  	v5 =	vld [tilespmem:s16+$0x10];
	_ =	sdelay $0x1  }
0x6d: {  	s31 =	sadd.s32 $0x30, s17  }
0x6e: {  	v6 =	vor.u32 s31, v1  }
0x6f: {  	s15 =	sadd.s32 $0x4, s15;
	vm3 =	vge.u32 v6, v0  }
0x70: {  	p2 =	slt.u32 s15, $0x180;
	v5 =	vadd.s32 v3, v5  }
.Ltmp4:
0x71: {  	_ = 	snop;
	(pc) =	sbr.rel @p2 .LBB2_3-.Ltmp4, $2  }
0x72: {  	_ =	sdelay $0x2  }
0x73: {  	s17 =	sadd.s32 $0x40, s17;
	s16 =	sadd.s32 $0x40, s16;
	[tilespmem:v5+s10+$0x0] =	vst.idx.add.f32.msk vm3, v4  }
0x74: {  	v5 =	vld [tilespmem:$0x1840];
	_ =	sdelay $0x4  }
0x75: {  	v5 =	vadd.s32 v3, v5;
	_ =	sdelay $0x4  }
0x76: {  	[tilespmem:v5+s10+$0x0] =	vst.idx.add.f32.msk vm2, v4  }
0x77: {  	v5 =	vld [tilespmem:$0x1850];
	_ =	sdelay $0x4  }
0x78: {  	v5 =	vadd.s32 v3, v5;
	_ =	sdelay $0x4  }
0x79: {  	[tilespmem:v5+s10+$0x0] =	vst.idx.add.f32.msk vm1, v4  }
0x7a: {  	v5 =	vld [tilespmem:$0x1860];
	_ =	sdelay $0x4  }
0x7b: {  	v5 =	vadd.s32 v3, v5;
	_ =	sdelay $0x4  }
0x7c: {  	[tilespmem:v5+s10+$0x0] =	vst.idx.add.f32.msk vm0, v4  }
0x7d: {  	v5 =	vld [tilespmem:$0x1880]  }
0x7e: {  	v6 =	vld [tilespmem:$0x1900]  }
0x7f: {  	v7 =	vld [tilespmem:$0x1980]  }
0x80: {  	v8 =	vld [tilespmem:$0x1A00]  }
0x81: {  	v9 =	vld [tilespmem:$0x1A80]  }
0x82: {  	v10 =	vld [tilespmem:$0x1B00]  }
0x83: {  	v11 =	vld [tilespmem:$0x1B80]  }
0x84: {  	v12 =	vld [tilespmem:$0x1C00]  }
0x85: {  	v13 =	vld [tilespmem:$0x1C80]  }
0x86: {  	v14 =	vld [tilespmem:$0x1D00]  }
0x87: {  	v15 =	vld [tilespmem:$0x1D80]  }
0x88: {  	v16 =	vld [tilespmem:$0x1E00]  }
0x89: {  	v17 =	vld [tilespmem:$0x1E80]  }
0x8a: {  	v18 =	vld [tilespmem:$0x1F00]  }
0x8b: {  	v19 =	vld [tilespmem:$0x1F80]  }
0x8c: {  	v20 =	vld [tilespmem:$0x2000]  }
0x8d: {  	v21 =	vld [tilespmem:$0x1890]  }
0x8e: {  	v22 =	vld [tilespmem:$0x1910]  }
0x8f: {  	v23 =	vld [tilespmem:$0x1990]  }
0x90: {  	v24 =	vld [tilespmem:$0x1A10]  }
0x91: {  	v25 =	vld [tilespmem:$0x1A90]  }
0x92: {  	v26 =	vld [tilespmem:$0x1B10]  }
0x93: {  	v27 =	vld [tilespmem:$0x1B90]  }
0x94: {  	v28 =	vld [tilespmem:$0x1C10]  }
0x95: {  	v29 =	vld [tilespmem:$0x1C90]  }
0x96: {  	v30 =	vld [tilespmem:$0x1D10]  }
0x97: {  	v31 =	vld [tilespmem:$0x1D90]  }
0x98: {  	v32 =	vld [tilespmem:$0x1E10]  }
0x99: {  	v33 =	vld [tilespmem:$0x1E90]  }
0x9a: {  	v34 =	vld [tilespmem:$0x1F10]  }
0x9b: {  	v35 =	vld [tilespmem:$0x1F90]  }
0x9c: {  	v36 =	vld [tilespmem:$0x2010]  }
0x9d: {  	v37 =	vld [tilespmem:$0x18A0]  }
0x9e: {  	v38 =	vld [tilespmem:$0x1920]  }
0x9f: {  	v39 =	vld [tilespmem:$0x18B0]  }
0xa0: {  	v40 =	vld [tilespmem:$0x1930]  }
0xa1: {  	v41 =	vld [tilespmem:$0x19A0]  }
0xa2: {  	v5 =	vadd.f32 v6, v5;
	v6 =	vld [tilespmem:$0x19B0]  }
0xa3: {  	v60 =	vld [tilespmem:$0x1A20];
	v21 =	vadd.f32 v22, v21  }
0xa4: {  	v61 =	vld [tilespmem:$0x1A30];
	v5 =	vadd.f32 v7, v5;
	v7 =	vadd.f32 v38, v37  }
0xa5: {  	v63 =	vld [tilespmem:$0x1AA0];
	v62 =	vadd.f32 v40, v39;
	v21 =	vadd.f32 v23, v21  }
0xa6: {  	v39 =	vld [tilespmem:$0x1AB0];
	v5 =	vadd.f32 v8, v5;
	v7 =	vadd.f32 v41, v7  }
0xa7: {  	v40 =	vld [tilespmem:$0x1B20];
	v21 =	vadd.f32 v24, v21;
	v6 =	vadd.f32 v6, v62  }
0xa8: {  	v41 =	vld [tilespmem:$0x1B30];
	v5 =	vadd.f32 v9, v5;
	v7 =	vadd.f32 v60, v7  }
0xa9: {  	v42 =	vld [tilespmem:$0x1BA0];
	v21 =	vadd.f32 v25, v21;
	v6 =	vadd.f32 v61, v6  }
0xaa: {  	v43 =	vld [tilespmem:$0x1BB0];
	v5 =	vadd.f32 v10, v5;
	v7 =	vadd.f32 v63, v7  }
0xab: {  	v44 =	vld [tilespmem:$0x1C20];
	v21 =	vadd.f32 v26, v21;
	v6 =	vadd.f32 v39, v6  }
0xac: {  	v45 =	vld [tilespmem:$0x1C30];
	v5 =	vadd.f32 v11, v5;
	v7 =	vadd.f32 v40, v7  }
0xad: {  	v46 =	vld [tilespmem:$0x1CA0];
	v21 =	vadd.f32 v27, v21;
	v6 =	vadd.f32 v41, v6  }
0xae: {  	v47 =	vld [tilespmem:$0x1CB0];
	v5 =	vadd.f32 v12, v5;
	v7 =	vadd.f32 v42, v7  }
0xaf: {  	v48 =	vld [tilespmem:$0x1D20];
	v21 =	vadd.f32 v28, v21;
	v6 =	vadd.f32 v43, v6  }
0xb0: {  	v49 =	vld [tilespmem:$0x1D30];
	v5 =	vadd.f32 v13, v5;
	v7 =	vadd.f32 v44, v7  }
0xb1: {  	v51 =	vld [tilespmem:$0x1DA0];
	v50 =	vadd.f32 v29, v21;
	v6 =	vadd.f32 v45, v6  }
0xb2: {  	v52 =	vld [tilespmem:$0x1DB0];
	v5 =	vadd.f32 v14, v5;
	v7 =	vadd.f32 v46, v7  }
0xb3: {  	v53 =	vld [tilespmem:$0x1E20];
	v13 =	vadd.f32 v30, v50;
	v6 =	vadd.f32 v47, v6  }
0xb4: {  	v54 =	vld [tilespmem:$0x1E30];
	v5 =	vadd.f32 v15, v5;
	v7 =	vadd.f32 v48, v7  }
0xb5: {  	v55 =	vld [tilespmem:$0x1EA0];
	v13 =	vadd.f32 v31, v13;
	v6 =	vadd.f32 v49, v6  }
0xb6: {  	v56 =	vld [tilespmem:$0x1EB0];
	v5 =	vadd.f32 v16, v5;
	v7 =	vadd.f32 v51, v7  }
0xb7: {  	v57 =	vld [tilespmem:$0x1F20];
	v13 =	vadd.f32 v32, v13;
	v6 =	vadd.f32 v52, v6  }
0xb8: {  	v58 =	vld [tilespmem:$0x1F30];
	v5 =	vadd.f32 v17, v5;
	v7 =	vadd.f32 v53, v7  }
0xb9: {  	v59 =	vld [tilespmem:$0x1FA0];
	v13 =	vadd.f32 v33, v13;
	v6 =	vadd.f32 v54, v6  }
0xba: {  	v60 =	vld [tilespmem:$0x1FB0];
	v5 =	vadd.f32 v18, v5;
	v7 =	vadd.f32 v55, v7  }
0xbb: {  	v61 =	vld [tilespmem:$0x2020];
	v13 =	vadd.f32 v34, v13;
	v6 =	vadd.f32 v56, v6  }
0xbc: {  	v62 =	vld [tilespmem:$0x2030];
	v5 =	vadd.f32 v19, v5;
	v7 =	vadd.f32 v57, v7  }
0xbd: {  	v13 =	vadd.f32 v35, v13;
	v6 =	vadd.f32 v58, v6  }
0xbe: {  	v5 =	vadd.f32 v20, v5;
	v7 =	vadd.f32 v59, v7  }
0xbf: {  	v63 =	vadd.f32 v36, v13;
	v6 =	vadd.f32 v60, v6  }
0xc0: {  	[tilespmem:$0x2080] =	vst v5;
	v5 =	vadd.f32 v61, v7  }
0xc1: {  	[tilespmem:$0x2090] =	vst v63;
	v6 =	vadd.f32 v62, v6  }
0xc2: {  	[tilespmem:$0x20A0] =	vst v5  }
.Ltmp5:
0xc3: {  	[tilespmem:$0x20B0] =	vst v6;
	(pc) =	sbr.rel .LBB2_5-.Ltmp5, $4  }
0xc4: {  	[spmem:s7] =	stream.linear.scatter [tilespmem:s11], [sflag:$0x1], $0x80, $0x38;
	[tilespmem:$0x2A00] =	vst v63  }
0xc5: {  	_ =	swait.ge [sflag:s9], $0x80  }
0xc6: {  	[sflag:s9] =	ssyncset.done $0x0  }
0xc7: {  	[sflag:s9] =	ssyncadd.s32 $0xFFFFFF80  }
.LBB2_6:
0xc8: {  	[tilespmem:s12], [sflag:$0x1] =	stream.linear.gather [spmem:s2], $0x800, $0x38;
	[tilespmem:$0x2A00] =	vst v63  }
0xc9: {  	_ =	swait.ge [sflag:s9], $0x800  }
0xca: {  	[sflag:s9] =	ssyncset.done $0x0  }
0xcb: {  	[sflag:s9] =	ssyncadd.s32 $0xFFFFF800  }
0xcc: {  	v5 =	vld [tilespmem:$0x2100]  }
0xcd: {  	v6 =	vld [tilespmem:$0x2180]  }
0xce: {  	v7 =	vld [tilespmem:$0x2200]  }
0xcf: {  	v8 =	vld [tilespmem:$0x2280]  }
0xd0: {  	v9 =	vld [tilespmem:$0x2300]  }
0xd1: {  	v10 =	vld [tilespmem:$0x2380]  }
0xd2: {  	v11 =	vld [tilespmem:$0x2400]  }
0xd3: {  	v12 =	vld [tilespmem:$0x2480]  }
0xd4: {  	v13 =	vld [tilespmem:$0x2500]  }
0xd5: {  	v14 =	vld [tilespmem:$0x2580]  }
0xd6: {  	v15 =	vld [tilespmem:$0x2600]  }
0xd7: {  	v16 =	vld [tilespmem:$0x2680]  }
0xd8: {  	v17 =	vld [tilespmem:$0x2700]  }
0xd9: {  	v18 =	vld [tilespmem:$0x2780]  }
0xda: {  	v19 =	vld [tilespmem:$0x2800]  }
0xdb: {  	v20 =	vld [tilespmem:$0x2880]  }
0xdc: {  	v21 =	vld [tilespmem:$0x2110]  }
0xdd: {  	v22 =	vld [tilespmem:$0x2190]  }
0xde: {  	v23 =	vld [tilespmem:$0x2210]  }
0xdf: {  	v24 =	vld [tilespmem:$0x2290]  }
0xe0: {  	v25 =	vld [tilespmem:$0x2310]  }
0xe1: {  	v26 =	vld [tilespmem:$0x2390]  }
0xe2: {  	v27 =	vld [tilespmem:$0x2410]  }
0xe3: {  	v28 =	vld [tilespmem:$0x2490]  }
0xe4: {  	v29 =	vld [tilespmem:$0x2510]  }
0xe5: {  	v30 =	vld [tilespmem:$0x2590]  }
0xe6: {  	v31 =	vld [tilespmem:$0x2610]  }
0xe7: {  	v32 =	vld [tilespmem:$0x2690]  }
0xe8: {  	v33 =	vld [tilespmem:$0x2710]  }
0xe9: {  	v34 =	vld [tilespmem:$0x2790]  }
0xea: {  	v35 =	vld [tilespmem:$0x2810]  }
0xeb: {  	v36 =	vld [tilespmem:$0x2890]  }
0xec: {  	v37 =	vld [tilespmem:$0x2120]  }
0xed: {  	v38 =	vld [tilespmem:$0x21A0]  }
0xee: {  	v39 =	vld [tilespmem:$0x2130]  }
0xef: {  	v40 =	vld [tilespmem:$0x21B0]  }
0xf0: {  	v41 =	vld [tilespmem:$0x2220]  }
0xf1: {  	v5 =	vadd.f32 v6, v5;
	v6 =	vld [tilespmem:$0x2230]  }
0xf2: {  	v59 =	vld [tilespmem:$0x22A0];
	v21 =	vadd.f32 v22, v21  }
0xf3: {  	v60 =	vld [tilespmem:$0x22B0];
	v5 =	vadd.f32 v7, v5;
	v7 =	vadd.f32 v38, v37  }
0xf4: {  	v62 =	vld [tilespmem:$0x2320];
	v61 =	vadd.f32 v40, v39;
	v21 =	vadd.f32 v23, v21  }
0xf5: {  	v63 =	vld [tilespmem:$0x2330];
	v5 =	vadd.f32 v8, v5;
	v7 =	vadd.f32 v41, v7  }
0xf6: {  	v39 =	vld [tilespmem:$0x23A0];
	v21 =	vadd.f32 v24, v21;
	v6 =	vadd.f32 v6, v61  }
0xf7: {  	v40 =	vld [tilespmem:$0x23B0];
	v5 =	vadd.f32 v9, v5;
	v7 =	vadd.f32 v59, v7  }
0xf8: {  	v41 =	vld [tilespmem:$0x2420];
	v21 =	vadd.f32 v25, v21;
	v6 =	vadd.f32 v60, v6  }
0xf9: {  	v42 =	vld [tilespmem:$0x2430];
	v5 =	vadd.f32 v10, v5;
	v7 =	vadd.f32 v62, v7  }
0xfa: {  	v43 =	vld [tilespmem:$0x24A0];
	v21 =	vadd.f32 v26, v21;
	v6 =	vadd.f32 v63, v6  }
0xfb: {  	v44 =	vld [tilespmem:$0x24B0];
	v5 =	vadd.f32 v11, v5;
	v7 =	vadd.f32 v39, v7  }
0xfc: {  	v45 =	vld [tilespmem:$0x2520];
	v21 =	vadd.f32 v27, v21;
	v6 =	vadd.f32 v40, v6  }
0xfd: {  	v46 =	vld [tilespmem:$0x2530];
	v5 =	vadd.f32 v12, v5;
	v7 =	vadd.f32 v41, v7  }
0xfe: {  	v47 =	vld [tilespmem:$0x25A0];
	v21 =	vadd.f32 v28, v21;
	v6 =	vadd.f32 v42, v6  }
0xff: {  	v48 =	vld [tilespmem:$0x25B0];
	v5 =	vadd.f32 v13, v5;
	v7 =	vadd.f32 v43, v7  }
0x100: {  	v50 =	vld [tilespmem:$0x2620];
	v49 =	vadd.f32 v29, v21;
	v6 =	vadd.f32 v44, v6  }
0x101: {  	v51 =	vld [tilespmem:$0x2630];
	v5 =	vadd.f32 v14, v5;
	v7 =	vadd.f32 v45, v7  }
0x102: {  	v52 =	vld [tilespmem:$0x26A0];
	v13 =	vadd.f32 v30, v49;
	v6 =	vadd.f32 v46, v6  }
0x103: {  	v53 =	vld [tilespmem:$0x26B0];
	v5 =	vadd.f32 v15, v5;
	v7 =	vadd.f32 v47, v7  }
0x104: {  	v54 =	vld [tilespmem:$0x2720];
	v13 =	vadd.f32 v31, v13;
	v6 =	vadd.f32 v48, v6  }
0x105: {  	v55 =	vld [tilespmem:$0x2730];
	v5 =	vadd.f32 v16, v5;
	v7 =	vadd.f32 v50, v7  }
0x106: {  	v56 =	vld [tilespmem:$0x27A0];
	v13 =	vadd.f32 v32, v13;
	v6 =	vadd.f32 v51, v6  }
0x107: {  	v57 =	vld [tilespmem:$0x27B0];
	v5 =	vadd.f32 v17, v5;
	v7 =	vadd.f32 v52, v7  }
0x108: {  	v58 =	vld [tilespmem:$0x2820];
	v13 =	vadd.f32 v33, v13;
	v6 =	vadd.f32 v53, v6  }
0x109: {  	v59 =	vld [tilespmem:$0x2830];
	v5 =	vadd.f32 v18, v5;
	v7 =	vadd.f32 v54, v7  }
0x10a: {  	v60 =	vld [tilespmem:$0x28A0];
	v13 =	vadd.f32 v34, v13;
	v6 =	vadd.f32 v55, v6  }
0x10b: {  	v61 =	vld [tilespmem:$0x28B0];
	v5 =	vadd.f32 v19, v5;
	v7 =	vadd.f32 v56, v7  }
0x10c: {  	v13 =	vadd.f32 v35, v13;
	v6 =	vadd.f32 v57, v6  }
0x10d: {  	v5 =	vadd.f32 v20, v5;
	v7 =	vadd.f32 v58, v7  }
0x10e: {  	v62 =	vadd.f32 v36, v13;
	v6 =	vadd.f32 v59, v6  }
0x10f: {  	v7 =	vadd.f32 v60, v7;
	v5 =	vmax.f32 v5, $1.000000000e+00  }
0x110: {  	v63 =	vmax.f32 v62, $1.000000000e+00;
	v6 =	vadd.f32 v61, v6;
	v5 =	vmul.f32 $2.560000000e+02, v5  }
0x111: {  	v8 =	vmul.f32 $2.560000000e+02, v63;
	v7 =	vmax.f32 v7, $1.000000000e+00  }
0x112: {  	(erf) = vrcp.f32 v5;
	v5 =	vmul.f32 $2.560000000e+02, v7;
	v6 =	vmax.f32 v6, $1.000000000e+00  }
0x113: {  	(erf) = vrcp.f32 v8;
	v6 =	vmul.f32 $2.560000000e+02, v6  }
0x114: {  	(erf) = vrcp.f32 v5  }
0x115: {  	(erf) = vrcp.f32 v6;
	_ =	sdelay $0x5  }
0x116: {  	v5 =	vpop (erf)  }
0x117: {  	v6 =	vpop (erf);
	[tilespmem:$0x2900] =	vst v5  }
0x118: {  	v5 =	vpop (erf);
	[tilespmem:$0x2910] =	vst v6  }
0x119: {  	[tilespmem:$0x2920] =	vst v5;
	v5 =	vpop (erf)  }
.Ltmp6:
0x11a: {  	[tilespmem:$0x2930] =	vst v5;
	(pc) =	sbr.rel .LBB2_7-.Ltmp6, $4  }
0x11b: {  	[hbm4b:s5+s3] =	stream.linear.scatter [tilespmem:s13], [sflag:$0x1], $0x80, $0x38;
	[tilespmem:$0x2A00] =	vst v63  }
0x11c: {  	_ =	swait.ge [sflag:s9], $0x80  }
0x11d: {  	[sflag:s9] =	ssyncset.done $0x0  }
0x11e: {  	[sflag:s9] =	ssyncadd.s32 $0xFFFFFF80  }
.LBB2_8:
0x11f: {  	_ =	sfence.sel $0x180000  }
0x120: {  	[bflag:$0x0] =	sbarrier.arrive $0xFFFF  }
0x121: {  	p0 =	sne.s32 s0, $0x0;
	_ =	strace $0x90000047  }
0x122: {  	s0 =	sadd.s32 @!p0 $0x100000, s1;
	[bflag:$0x2] =	sbarrier.arrive $0xFFFF  }
0x123: {  	[sflag:s0] =	ssyncadd.tile.s32 @!p0 $0x1;
	_ =	shalt  }
.Lfunc_end2:
_tile_overlayer_lowered:
.L_overlay_start_2:
0x124: {  	(tag) =	ssettag $0x2  }
0x125: {  	s0 =	rddreg [dreg:$0x0];
	s2 =	stileid.u32  }
0x126: {  	s1 =	rddreg [dreg:$0x1];
	p0 =	sne.s32 s2, $0x0  }
0x127: {  	s3 =	rddreg [dreg:$0x2];
	[bflag:$0x3] =	sbarrier.arrive $0xFFFF;
	s2 =	simm.s32 @!p0 $0x1C01  }
0x128: {  	[timem:s3], [sflag:s2] =	dma.local @!p0 [hbm:s0], s1  }
0x129: {  	s0 =	simm.s32 @!p0 $0x1  }
0x12a: {  	_ =	swait.ge @!p0 [sflag:s0], s1  }
0x12b: {  	s1 =	ssub.s32 @!p0 $0x0, s1;
	[sflag:s0] =	ssyncset.done @!p0 $0x0  }
0x12c: {  	[sflag:s0] =	ssyncadd.s32 @!p0 s1  }
0x12d: {  	[bflag:$0x3] =	sbarrier.arrive $0xFFFF  }
0x12e: {  	_ =	shalt  }

// kernel: kernel.8.cloned.1.call-start
scs
__scs_entry_jumppad:
0x0: {  	(pc) =	sbr.rel $0x88, $3  }
0x1: {  	(tag) =	ssettag $0x0;
	lr =	simm.s32 $0x1  }
0x2: {  	[smem:$0x3F9E] =	sst lr;
	_ =	strace $0xD0000000  }
0x3: {  	_ = 	snop  }
0x4: {  	_ = 	snop  }
0x5: {  	_ = 	snop  }
0x6: {  	_ = 	snop  }
0x7: {  	_ = 	snop  }
__scs_overlays_trampoline_lowered:
0x8: {  	[smem:$0x3FAD] =	sst s0  }
0x9: {  	[smem:$0x3FAE] =	sst s1  }
0xa: {  	[smem:$0x3FAF] =	sst s2  }
0xb: {  	[smem:$0x3FB0] =	sst s3  }
0xc: {  	[smem:$0x3FB1] =	sst s4  }
0xd: {  	[smem:$0x3FB2] =	sst s5  }
0xe: {  	[smem:$0x3FB3] =	sst s6  }
0xf: {  	[smem:$0x3FB4] =	sst s7  }
0x10: {  	[smem:$0x3FB5] =	sst s8  }
0x11: {  	[smem:$0x3FB6] =	sst s9;
	s0 =	simm.s32 @!p0 $0x0  }
0x12: {  	s1 =	sld [smem:$0x3F9C];
	s0 =	simm.s32 @p0 $0x1  }
0x13: {  	[smem:$0x3FB7] =	sst s0;
	s0 =	simm.s32 @!p1 $0x0  }
0x14: {  	s2 =	sld [smem:$0x3F9B];
	s0 =	simm.s32 @p1 $0x1  }
0x15: {  	[smem:$0x3FB8] =	sst s0;
	s0 =	simm.s32 @!p2 $0x0  }
0x16: {  	s3 =	sld [smem:$0x3FDB];
	s0 =	simm.s32 @p2 $0x1  }
0x17: {  	s4 =	simm.s32 $0x1BF5;
	[smem:$0x3FBA] =	sst s0  }
0x18: {  	s0 =	sld [smem:$0x3F9D];
	_ =	swait.ge [sflag:s4], $0x0  }
0x19: {  	s7 =	sld [smem:$0x3F9E]  }
0x1a: {  	s8 =	sadd.s32 $0xFFFFE003, lr  }
0x1b: {  	s9 =	sadd.s32 $0xFFFFFEF7, lr;
	s5 =	simm.s32 $0xFFFFFFFF;
	p2 =	slt.u32 s8, $0xFFFFF086  }
0x1c: {  	p1 =	slt.u32 s9, $0xF7A;
	s5 =	simm.s32 @!p2 $0x0  }
0x1d: {  	s5 =	simm.s32 @p1 $0x1;
	p0 =	seq.s32 s7, s2  }
0x1e: {  	s7 =	smul.u32 @!p0 $0xF7A, s2;
	p2 =	seq.s32 @!p0 s5, $0x0  }
0x1f: {  	s9 =	smul.u32 $0xF7A, s1;
	s8 =	simm.s32 @!p0 $0x1BF5;
	p2 =	por !p2, p0  }
0x20: {  	[sflag:s8] =	ssyncset.s32 @!p0 $0xFFFFF086;
	s6 =	sadd.s32 @!p0 s3, s7;
	s7 =	simm.s32 @!p0 $0x108  }
0x21: {  	s3 =	sadd.s32 s3, s9;
	s6 =	sadd.s32 @!p0 $0x88, s6;
	s7 =	simm.s32 @p2 $0x1082  }
0x22: {  	[simem:s7], [sflag:s8] =	dma.local @!p0 [hbm:s6], $0xF7A  }
0x23: {  	s9 =	sor.u32 $0xD0000000, s2;
	s6 =	simm.s32 $0x108;
	_ =	swait.ge @!p0 [sflag:s8], $0x0  }
0x24: {  	s3 =	sadd.s32 $0x88, s3;
	s6 =	simm.s32 @!p1 $0x1082;
	[sflag:s4] =	ssyncset.s32 $0xFFFFF086  }
0x25: {  	[simem:s6], [sflag:s4] =	dma.local [hbm:s3], $0xF7A  }
0x26: {  	[smem:$0x3F9E] =	sst s1;
	(tag) =	ssettag s2;
	_ =	strace s9  }
0x27: {  	s1 =	sld [smem:$0x3FAE]  }
0x28: {  	s2 =	sld [smem:$0x3FAF]  }
0x29: {  	s4 =	sld [smem:$0x3FB1]  }
0x2a: {  	p0 =	seq.s32 s5, $0x0;
	s5 =	sld [smem:$0x3FB2]  }
0x2b: {  	s6 =	sld [smem:$0x3FB3]  }
0x2c: {  	s7 =	sld [smem:$0x3FB4]  }
0x2d: {  	s3 =	simm.s32 $0x108;
	s8 =	sld [smem:$0x3FB5]  }
0x2e: {  	s3 =	simm.s32 @!p0 $0x1082;
	s9 =	sld [smem:$0x3FB6]  }
0x2f: {  	lr =	sadd.s32 s0, s3;
	s0 =	sld [smem:$0x3FAD]  }
0x30: {  	s3 =	sld [smem:$0x3FB0]  }
0x31: {  	[smem:$0x3FB9] =	sst s10  }
0x32: {  	s10 =	sld [smem:$0x3FB7];
	_ =	sdelay $0x3  }
0x33: {  	p0 =	seq.s32 s10, $0x1;
	s10 =	sld [smem:$0x3FB9];
	_ =	sdelay $0x3  }
0x34: {  	[smem:$0x3FB9] =	sst s10  }
0x35: {  	s10 =	sld [smem:$0x3FB8];
	_ =	sdelay $0x3  }
0x36: {  	p1 =	seq.s32 s10, $0x1;
	s10 =	sld [smem:$0x3FB9];
	_ =	sdelay $0x3  }
0x37: {  	[smem:$0x3FB9] =	sst s10  }
0x38: {  	s10 =	sld [smem:$0x3FBA]  }
0x39: {  	_ = 	snop;
	(pc) =	sbr.ind lr, $3  }
0x3a: {  	_ = 	snop  }
0x3b: {  	_ = 	snop  }
0x3c: {  	p2 =	seq.s32 s10, $0x1;
	s10 =	sld [smem:$0x3FB9]  }
0x3d: {  	_ =	shalt  }
0x3e: {  	_ =	shalt  }
0x3f: {  	_ =	shalt  }
0x40: {  	_ =	shalt  }
0x41: {  	_ =	shalt  }
0x42: {  	_ =	shalt  }
0x43: {  	_ =	shalt  }
0x44: {  	_ =	shalt  }
0x45: {  	_ =	shalt  }
0x46: {  	_ =	shalt  }
0x47: {  	_ =	shalt  }
0x48: {  	_ =	shalt  }
0x49: {  	_ =	shalt  }
0x4a: {  	_ =	shalt  }
0x4b: {  	_ =	shalt  }
0x4c: {  	_ =	shalt  }
0x4d: {  	_ =	shalt  }
0x4e: {  	_ =	shalt  }
0x4f: {  	_ =	shalt  }
0x50: {  	_ =	shalt  }
0x51: {  	_ =	shalt  }
0x52: {  	_ =	shalt  }
0x53: {  	_ =	shalt  }
0x54: {  	_ =	shalt  }
0x55: {  	_ =	shalt  }
0x56: {  	_ =	shalt  }
0x57: {  	_ =	shalt  }
0x58: {  	_ =	shalt  }
0x59: {  	_ =	shalt  }
0x5a: {  	_ =	shalt  }
0x5b: {  	_ =	shalt  }
0x5c: {  	_ =	shalt  }
0x5d: {  	_ =	shalt  }
0x5e: {  	_ =	shalt  }
0x5f: {  	_ =	shalt  }
0x60: {  	_ =	shalt  }
0x61: {  	_ =	shalt  }
0x62: {  	_ =	shalt  }
0x63: {  	_ =	shalt  }
0x64: {  	_ =	shalt  }
0x65: {  	_ =	shalt  }
0x66: {  	_ =	shalt  }
0x67: {  	_ =	shalt  }
0x68: {  	_ =	shalt  }
0x69: {  	_ =	shalt  }
0x6a: {  	_ =	shalt  }
0x6b: {  	_ =	shalt  }
0x6c: {  	_ =	shalt  }
0x6d: {  	_ =	shalt  }
0x6e: {  	_ =	shalt  }
0x6f: {  	_ =	shalt  }
0x70: {  	_ =	shalt  }
0x71: {  	_ =	shalt  }
0x72: {  	_ =	shalt  }
0x73: {  	_ =	shalt  }
0x74: {  	_ =	shalt  }
0x75: {  	_ =	shalt  }
0x76: {  	_ =	shalt  }
0x77: {  	_ =	shalt  }
0x78: {  	_ =	shalt  }
0x79: {  	_ =	shalt  }
0x7a: {  	_ =	shalt  }
0x7b: {  	_ =	shalt  }
0x7c: {  	_ =	shalt  }
0x7d: {  	_ =	shalt  }
0x7e: {  	_ =	shalt  }
0x7f: {  	_ =	shalt  }
0x80: {  	_ =	shalt  }
0x81: {  	_ =	shalt  }
0x82: {  	_ =	shalt  }
0x83: {  	_ =	shalt  }
0x84: {  	_ =	shalt  }
0x85: {  	_ =	shalt  }
0x86: {  	_ =	shalt  }
0x87: {  	_ =	shalt  }
.Lfunc_end0:
.L_simem_size_0:
called_computation.1_lowered:
.L_overlay_start_0:
0x88: {  	s2 =	sld [smem:$0x3FD9]  }
0x89: {  	s3 =	sld [smem:$0x3FFE];
	_ =	sdelay $0x1  }
0x8a: {  	s1 =	srdreg.scid  }
0x8b: {  	s0 =	sand.u32 $0x1, s1  }
0x8c: {  	s17 =	sshll.u32 s0, $0xA;
	s2 =	sadd.s32 s3, s2  }
0x8d: {  	s2 =	sadd.s32 s2, s17  }
0x8e: {  	[smem:$0x3FC5] =	sst s2  }
0x8f: {  	_ = 	snop  }
0x90: {  	s2 =	sld [smem:$0x3FC7]  }
0x91: {  	s18 =	sld [smem:$0x3FD0];
	(tm) =	ssettm $0x1  }
0x92: {  	s4 =	sld [smem:$0x3FFB];
	_ =	sdelay $0x3  }
0x93: {  	_ =	strace s4  }
0x94: {  	s4 =	sld [smem:$0x3FFC];
	_ =	sdelay $0x3  }
0x95: {  	_ =	strace s4  }
0x96: {  	s4 =	sld [smem:$0x3FFD];
	_ =	sdelay $0x3  }
0x97: {  	_ =	strace s4  }
0x98: {  	_ =	strace $0x8FFFFFFF  }
0x99: {  	s19 =	sld [smem:$0x3FDB];
	_ =	sdelay $0x1  }
0x9a: {  	s5 =	simm.s32 $_scs_section_size  }
0x9b: {  	s6 =	simm.s32 $_size__tile_overlayer_lowered;
	s7 =	simm.s32 $_tile_overlayer_lowered  }
0x9c: {  	s22 =	simm.s32 $0x1BFF;
	s21 =	sshll.u32 s7, $0x1;
	s4 =	sadd.s32 s5, s19  }
0x9d: {  	s8 =	simm.s32 $0x0;
	s20 =	sshll.u32 s6, $0x1;
	s6 =	sadd.s32 s21, s4  }
0x9e: {  	[timem:s8], [sflag:s22] =	dma.local [hbm:s6], s20  }
0x9f: {  	_ =	swait.ge [sflag:s22], s20  }
0xa0: {  	s5 =	ssub.s32 $0x0, s20;
	[sflag:s22] =	ssyncset.done $0x0  }
0xa1: {  	[sflag:s22] =	ssyncadd.s32 s5;
	_ =	sdelay $0x1  }
0xa2: {  	s23 =	simm.s32 $0x1B8B  }
0xa3: {  	_ =	swait.ge [sflag:s23], $0x1  }
0xa4: {  	[sflag:s23] =	ssyncset.done $0x0  }
0xa5: {  	s25 =	simm.s32 $0x1B8E;
	s24 =	sld [smem:$0x3FFE];
	[sflag:s23] =	ssyncadd.s32 $0xFFFFFFFF  }
0xa6: {  	s26 =	simm.s32 $execute0_lowered;
	[smem:$0x3FD2] =	sst s25  }
0xa7: {  	s6 =	sshll.u32 s26, $0x1;
	_ =	strace $0x80000049;
	[dreg:$0x1] =	wrdreg $0xFFFFFFFF  }
0xa8: {  	s28 =	simm.s32 $_size_execute0_lowered;
	s4 =	sadd.s32 s4, s6;
	[dreg:$0x0] =	wrdreg $0x0  }
0xa9: {  	s6 =	sshll.u32 s28, $0x1;
	[dreg:$0x2] =	wrdreg s4  }
0xaa: {  	[dreg:$0x3] =	wrdreg s6  }
0xab: {  	[dreg:$0x4] =	wrdreg $0xC0  }
0xac: {  	_ =	task [dreg:s8], $0x5FFFF  }
0xad: {  	[dreg:$0x1] =	wrdreg $0xFFFFFFFF  }
0xae: {  	[dreg:$0x0] =	wrdreg $0x60  }
0xaf: {  	[dreg:$0x2] =	wrdreg s24  }
0xb0: {  	[dreg:$0x3] =	wrdreg s2  }
0xb1: {  	[dreg:$0x4] =	wrdreg s18  }
0xb2: {  	[dreg:$0x5] =	wrdreg $0x42800  }
0xb3: {  	[dreg:$0x6] =	wrdreg $0x9  }
0xb4: {  	_ =	task.clear_ibuf [dreg:s8], $0x7FFFF;
	_ =	strace $0x90000049  }
0xb5: {  	s29 =	simm.s32 $0x9;
	_ =	strace $0x8000004B  }
0xb6: {  	_ =	swait.ge [sflag:s29], $0x1  }
0xb7: {  	[sflag:s29] =	ssyncadd.s32 $0xFFFFFFFF  }
0xb8: {  	_ =	strace $0x9000004B  }
0xb9: {  	_ =	sfence  }
0xba: {  	s30 =	sld [smem:$0x0];
	_ =	sdelay $0x2  }
0xbb: {  	s31 =	sshll.u32 s1, $0xD;
	s1 =	sshrl.u32 s1, $0x2  }
0xbc: {  	s3 =	sand.u32 $0x4000, s31;
	s1 =	sadd.s32 s1, s30  }
0xbd: {  	s0 =	sor.u32 s3, s0;
	s1 =	sshll.u32 s1, $0x11  }
0xbe: {  	s0 =	sor.u32 s1, s0  }
0xbf: {  	s0 =	sadd.s32 $0x8F2B, s0  }
0xc0: {  	[sflag:s0] =	ssyncadd.remote.s32 $0x1  }
0xc1: {  	_ =	sfence.sel $0xFFFF  }
0xc2: {  	[dreg:$0x0] =	wrdreg $0xFFFFFFFF;
	(pc) =	sbr.abs _section_cstart, $3  }
0xc3: {  	[dreg:$0x1] =	wrdreg $0xFFFFFFFF  }
0xc4: {  	_ =	task.clear_ibuf [dreg:s8], $0x2FFFF;
	_ =	strace $0x9FFFFFFF  }
0xc5: {  	(tm) =	ssettm $0x7FFFFFFF  }
tec
execute0_lowered:
.L_overlay_start_1:
0x0: {  	(tag) =	ssettag $0x1  }
0x1: {  	s6 =	rddreg [dreg:$0x0]  }
0x2: {  	s8 =	rddreg [dreg:$0x1]  }
0x3: {  	s2 =	rddreg [dreg:$0x2]  }
0x4: {  	s3 =	rddreg [dreg:$0x3]  }
0x5: {  	s0 =	stileid.u32;
	s1 =	rddreg [dreg:$0x4]  }
0x6: {  	s7 =	srdreg.scid;
	s4 =	simm.s32 $0x0;
	s18 =	simm.s32 $0x0  }
0x7: {  	s11 =	smul.u32 $0x1870, s0;
	s12 =	sand.u32 $0x1, s7;
	[smem:$0x7FF] =	sst s4  }
0x8: {  	s31 =	sshll.u32 s0, $0x7;
	s7 =	ssub.s32 $0x2, s12;
	_ =	strace $0x8000004A  }
0x9: {  	s17 =	sor.u32 s0, s12;
	p0 =	sne.s32 s12, $0x0;
	s12 =	simm.s32 $0x1880  }
0xa: {  	s5 =	smin.u32 s11, $0x16E30;
	s13 =	sshrl.u32 s7, $0x1;
	v1 =	vmov s11;
	s11 =	simm.s32 $0x1  }
0xb: {  	p1 =	sne.s32 s17, $0x0;
	s17 =	simm.s32 $0x4200;
	s9 =	sshrl.u32 s5, $0x3  }
.Ltmp0:
0xc: {  	s13 =	ssub.s32 s7, s13;
	s14 =	sadd.s32 $0x1840, s5;
	(pc) =	sbr.rel .LBB2_1-.Ltmp0, $4  }
0xd: {  	v0 =	vlaneseq.u32;
	s15 =	sadd.s32 $0x1850, s5;
	s16 =	sadd.s32 $0x1860, s5;
	s10 =	sadd.s32 s9, s6  }
0xe: {  	v2 =	vimm.f32 $0.0e+00;
	v3 =	vmul.u32 $0x80, v0;
	s6 =	sadd.s32 $0x800, s6;
	s8 =	sadd.s32 s8, s9;
	s9 =	sadd.s32 s31, s3  }
0xf: {  	v4 =	vor.u32 s14, v0;
	v5 =	vor.u32 s15, v0;
	v6 =	vor.u32 s16, v0;
	s14 =	simm.s32 $0x3900;
	s15 =	simm.s32 $0x3980;
	s16 =	simm.s32 $0x4180  }
0x10: {  	s7 =	sadd.s32 $0xA00, s10;
	s10 =	smax.u32 s13, $0x1;
	s13 =	simm.s32 $0x3100;
	vm0 =	vge.u32 v6, v1;
	vm1 =	vge.u32 v5, v1;
	vm2 =	vge.u32 v4, v1  }
.LBB2_5:
.Ltmp1:
0x11: {  	(pc) =	sbr.rel @!p1 .LBB2_6-.Ltmp1, $2  }
0x12: {  	_ =	sdelay $0x1  }
0x13: {  	[bflag:$0x0] =	sbarrier.arrive $0xFFFF;
	_ =	sdelay $0x1  }
.LBB2_7:
0x14: {  	s18 =	sadd.s32 $0x1, s18  }
0x15: {  	p2 =	sne.s32 s18, s10  }
.Ltmp2:
0x16: {  	_ = 	snop;
	(pc) =	sbr.rel @!p2 .LBB2_8-.Ltmp2, $1  }
0x17: {  	_ =	sdelay $0x3  }
.LBB2_1:
.Ltmp3:
0x18: {  	(pc) =	sbr.rel @p0 .LBB2_5-.Ltmp3, $1  }
0x19: {  	_ =	sdelay $0x3  }
0x1a: {  	[tilespmem:s4], [sflag:$0x1] =	stream.linear.gather [hbm4b:s7+s4], $0x1870, $0x38;
	[tilespmem:$0x4300] =	vst v63  }
0x1b: {  	_ =	swait.ge [sflag:s11], $0x1870  }
0x1c: {  	[sflag:s11] =	ssyncset.done $0x0  }
0x1d: {  	[sflag:s11] =	ssyncadd.s32 $0xFFFFE790  }
0x1e: {  	[tilespmem:s12], [sflag:$0x1] =	stream.linear.gather [hbm4b:s8+s4], $0x1870, $0x38;
	[tilespmem:$0x4300] =	vst v63  }
0x1f: {  	_ =	swait.ge [sflag:s11], $0x1870  }
0x20: {  	[sflag:s11] =	ssyncset.done $0x0  }
0x21: {  	[sflag:s11] =	ssyncadd.s32 $0xFFFFE790  }
0x22: {  	[tilespmem:$0x3100] =	vst v2  }
0x23: {  	[tilespmem:$0x3110] =	vst v2  }
0x24: {  	[tilespmem:$0x3120] =	vst v2  }
0x25: {  	[tilespmem:$0x3130] =	vst v2  }
0x26: {  	[tilespmem:$0x3180] =	vst v2  }
0x27: {  	[tilespmem:$0x3190] =	vst v2  }
0x28: {  	[tilespmem:$0x31A0] =	vst v2  }
0x29: {  	[tilespmem:$0x31B0] =	vst v2  }
0x2a: {  	[tilespmem:$0x3200] =	vst v2  }
0x2b: {  	[tilespmem:$0x3210] =	vst v2  }
0x2c: {  	[tilespmem:$0x3220] =	vst v2  }
0x2d: {  	[tilespmem:$0x3230] =	vst v2  }
0x2e: {  	[tilespmem:$0x3280] =	vst v2  }
0x2f: {  	[tilespmem:$0x3290] =	vst v2  }
0x30: {  	[tilespmem:$0x32A0] =	vst v2  }
0x31: {  	[tilespmem:$0x32B0] =	vst v2  }
0x32: {  	[tilespmem:$0x3300] =	vst v2  }
0x33: {  	[tilespmem:$0x3310] =	vst v2  }
0x34: {  	[tilespmem:$0x3320] =	vst v2  }
0x35: {  	[tilespmem:$0x3330] =	vst v2  }
0x36: {  	[tilespmem:$0x3380] =	vst v2  }
0x37: {  	[tilespmem:$0x3390] =	vst v2  }
0x38: {  	[tilespmem:$0x33A0] =	vst v2  }
0x39: {  	[tilespmem:$0x33B0] =	vst v2  }
0x3a: {  	[tilespmem:$0x3400] =	vst v2  }
0x3b: {  	[tilespmem:$0x3410] =	vst v2  }
0x3c: {  	[tilespmem:$0x3420] =	vst v2  }
0x3d: {  	[tilespmem:$0x3430] =	vst v2  }
0x3e: {  	[tilespmem:$0x3480] =	vst v2  }
0x3f: {  	[tilespmem:$0x3490] =	vst v2  }
0x40: {  	[tilespmem:$0x34A0] =	vst v2  }
0x41: {  	[tilespmem:$0x34B0] =	vst v2  }
0x42: {  	[tilespmem:$0x3500] =	vst v2  }
0x43: {  	[tilespmem:$0x3510] =	vst v2  }
0x44: {  	[tilespmem:$0x3520] =	vst v2  }
0x45: {  	[tilespmem:$0x3530] =	vst v2  }
0x46: {  	[tilespmem:$0x3580] =	vst v2  }
0x47: {  	[tilespmem:$0x3590] =	vst v2  }
0x48: {  	[tilespmem:$0x35A0] =	vst v2  }
0x49: {  	[tilespmem:$0x35B0] =	vst v2  }
0x4a: {  	[tilespmem:$0x3600] =	vst v2  }
0x4b: {  	[tilespmem:$0x3610] =	vst v2  }
0x4c: {  	[tilespmem:$0x3620] =	vst v2  }
0x4d: {  	[tilespmem:$0x3630] =	vst v2  }
0x4e: {  	[tilespmem:$0x3680] =	vst v2  }
0x4f: {  	[tilespmem:$0x3690] =	vst v2  }
0x50: {  	[tilespmem:$0x36A0] =	vst v2  }
0x51: {  	[tilespmem:$0x36B0] =	vst v2  }
0x52: {  	[tilespmem:$0x3700] =	vst v2  }
0x53: {  	[tilespmem:$0x3710] =	vst v2  }
0x54: {  	[tilespmem:$0x3720] =	vst v2  }
0x55: {  	[tilespmem:$0x3730] =	vst v2  }
0x56: {  	[tilespmem:$0x3780] =	vst v2  }
0x57: {  	[tilespmem:$0x3790] =	vst v2  }
0x58: {  	[tilespmem:$0x37A0] =	vst v2  }
0x59: {  	[tilespmem:$0x37B0] =	vst v2  }
0x5a: {  	[tilespmem:$0x3800] =	vst v2  }
0x5b: {  	[tilespmem:$0x3810] =	vst v2  }
0x5c: {  	[tilespmem:$0x3820] =	vst v2  }
0x5d: {  	[tilespmem:$0x3830] =	vst v2  }
0x5e: {  	[tilespmem:$0x3880] =	vst v2  }
0x5f: {  	[tilespmem:$0x3890] =	vst v2  }
0x60: {  	s19 =	simm.s32 $0xFFFFFFFC;
	[tilespmem:$0x38A0] =	vst v2  }
0x61: {  	s20 =	simm.s32 $0x20;
	s21 =	simm.s32 $0x18A0;
	s22 =	smov.u32 s5;
	[tilespmem:$0x38B0] =	vst v2  }
.LBB2_3:
0x62: {  	v4 =	vld [tilespmem:s21+$0xFFFFFFE0];
	_ =	sdelay $0x2  }
0x63: {  	v5 =	vor.u32 s22, v0  }
0x64: {  	vm3 =	vge.u32 v5, v1  }
0x65: {  	v5 =	vld [tilespmem:s20+$0xFFFFFFE0];
	v4 =	vadd.s32 v3, v4;
	_ =	sdelay $0x4  }
0x66: {  	[tilespmem:v4+s13+$0x0] =	vst.idx.add.f32.msk vm3, v5  }
0x67: {  	v4 =	vld [tilespmem:s21+$0xFFFFFFF0];
	_ =	sdelay $0x1  }
0x68: {  	s23 =	sadd.s32 $0x10, s22  }
0x69: {  	v5 =	vor.u32 s23, v0  }
0x6a: {  	vm3 =	vge.u32 v5, v1  }
0x6b: {  	v5 =	vld [tilespmem:s20+$0xFFFFFFF0];
	v4 =	vadd.s32 v3, v4;
	_ =	sdelay $0x4  }
0x6c: {  	[tilespmem:v4+s13+$0x0] =	vst.idx.add.f32.msk vm3, v5  }
0x6d: {  	v4 =	vld [tilespmem:s21+$0x0];
	_ =	sdelay $0x1  }
0x6e: {  	s30 =	sadd.s32 $0x20, s22  }
0x6f: {  	v5 =	vor.u32 s30, v0  }
0x70: {  	vm3 =	vge.u32 v5, v1  }
0x71: {  	v5 =	vld [tilespmem:s20+$0x0];
	v4 =	vadd.s32 v3, v4;
	_ =	sdelay $0x4  }
0x72: {  	[tilespmem:v4+s13+$0x0] =	vst.idx.add.f32.msk vm3, v5  }
0x73: {  	v4 =	vld [tilespmem:s21+$0x10];
	_ =	sdelay $0x1  }
0x74: {  	s31 =	sadd.s32 $0x30, s22  }
0x75: {  	v5 =	vor.u32 s31, v0  }
0x76: {  	s19 =	sadd.s32 $0x4, s19;
	vm3 =	vge.u32 v5, v1  }
0x77: {  	p2 =	slt.u32 s19, $0x180;
	v5 =	vld [tilespmem:s20+$0x10];
	v4 =	vadd.s32 v3, v4  }
.Ltmp4:
0x78: {  	_ = 	snop;
	(pc) =	sbr.rel @p2 .LBB2_3-.Ltmp4, $2  }
0x79: {  	_ =	sdelay $0x2  }
0x7a: {  	s22 =	sadd.s32 $0x40, s22;
	s20 =	sadd.s32 $0x40, s20;
	s21 =	sadd.s32 $0x40, s21;
	[tilespmem:v4+s13+$0x0] =	vst.idx.add.f32.msk vm3, v5  }
0x7b: {  	v4 =	vld [tilespmem:$0x30C0];
	_ =	sdelay $0x4  }
0x7c: {  	v5 =	vld [tilespmem:$0x1840];
	v4 =	vadd.s32 v3, v4;
	_ =	sdelay $0x4  }
0x7d: {  	[tilespmem:v4+s13+$0x0] =	vst.idx.add.f32.msk vm2, v5  }
0x7e: {  	v4 =	vld [tilespmem:$0x30D0];
	_ =	sdelay $0x4  }
0x7f: {  	v5 =	vld [tilespmem:$0x1850];
	v4 =	vadd.s32 v3, v4;
	_ =	sdelay $0x4  }
0x80: {  	[tilespmem:v4+s13+$0x0] =	vst.idx.add.f32.msk vm1, v5  }
0x81: {  	v4 =	vld [tilespmem:$0x30E0];
	_ =	sdelay $0x4  }
0x82: {  	v5 =	vld [tilespmem:$0x1860];
	v4 =	vadd.s32 v3, v4;
	_ =	sdelay $0x4  }
0x83: {  	[tilespmem:v4+s13+$0x0] =	vst.idx.add.f32.msk vm0, v5  }
0x84: {  	v4 =	vld [tilespmem:$0x3100]  }
0x85: {  	v5 =	vld [tilespmem:$0x3180]  }
0x86: {  	v6 =	vld [tilespmem:$0x3200]  }
0x87: {  	v7 =	vld [tilespmem:$0x3280]  }
0x88: {  	v8 =	vld [tilespmem:$0x3300]  }
0x89: {  	v9 =	vld [tilespmem:$0x3380]  }
0x8a: {  	v10 =	vld [tilespmem:$0x3400]  }
0x8b: {  	v11 =	vld [tilespmem:$0x3480]  }
0x8c: {  	v12 =	vld [tilespmem:$0x3500]  }
0x8d: {  	v13 =	vld [tilespmem:$0x3580]  }
0x8e: {  	v14 =	vld [tilespmem:$0x3600]  }
0x8f: {  	v15 =	vld [tilespmem:$0x3680]  }
0x90: {  	v16 =	vld [tilespmem:$0x3700]  }
0x91: {  	v17 =	vld [tilespmem:$0x3780]  }
0x92: {  	v18 =	vld [tilespmem:$0x3800]  }
0x93: {  	v19 =	vld [tilespmem:$0x3880]  }
0x94: {  	v20 =	vld [tilespmem:$0x3110]  }
0x95: {  	v21 =	vld [tilespmem:$0x3190]  }
0x96: {  	v22 =	vld [tilespmem:$0x3210]  }
0x97: {  	v23 =	vld [tilespmem:$0x3290]  }
0x98: {  	v24 =	vld [tilespmem:$0x3310]  }
0x99: {  	v25 =	vld [tilespmem:$0x3390]  }
0x9a: {  	v26 =	vld [tilespmem:$0x3410]  }
0x9b: {  	v27 =	vld [tilespmem:$0x3490]  }
0x9c: {  	v28 =	vld [tilespmem:$0x3510]  }
0x9d: {  	v29 =	vld [tilespmem:$0x3590]  }
0x9e: {  	v30 =	vld [tilespmem:$0x3610]  }
0x9f: {  	v31 =	vld [tilespmem:$0x3690]  }
0xa0: {  	v32 =	vld [tilespmem:$0x3710]  }
0xa1: {  	v33 =	vld [tilespmem:$0x3790]  }
0xa2: {  	v34 =	vld [tilespmem:$0x3810]  }
0xa3: {  	v35 =	vld [tilespmem:$0x3890]  }
0xa4: {  	v36 =	vld [tilespmem:$0x3120]  }
0xa5: {  	v37 =	vld [tilespmem:$0x31A0]  }
0xa6: {  	v38 =	vld [tilespmem:$0x3130]  }
0xa7: {  	v39 =	vld [tilespmem:$0x31B0]  }
0xa8: {  	v40 =	vld [tilespmem:$0x3220]  }
0xa9: {  	v4 =	vadd.f32 v5, v4;
	v5 =	vld [tilespmem:$0x3230]  }
0xaa: {  	v59 =	vld [tilespmem:$0x32A0];
	v20 =	vadd.f32 v21, v20  }
0xab: {  	v61 =	vld [tilespmem:$0x32B0];
	v60 =	vadd.f32 v37, v36;
	v4 =	vadd.f32 v6, v4  }
0xac: {  	v63 =	vld [tilespmem:$0x3320];
	v62 =	vadd.f32 v39, v38;
	v20 =	vadd.f32 v22, v20  }
0xad: {  	v39 =	vld [tilespmem:$0x3330];
	v6 =	vadd.f32 v40, v60;
	v4 =	vadd.f32 v7, v4  }
0xae: {  	v40 =	vld [tilespmem:$0x33A0];
	v20 =	vadd.f32 v23, v20;
	v5 =	vadd.f32 v5, v62  }
0xaf: {  	v41 =	vld [tilespmem:$0x33B0];
	v6 =	vadd.f32 v59, v6;
	v4 =	vadd.f32 v8, v4  }
0xb0: {  	v42 =	vld [tilespmem:$0x3420];
	v20 =	vadd.f32 v24, v20;
	v5 =	vadd.f32 v61, v5  }
0xb1: {  	v43 =	vld [tilespmem:$0x3430];
	v6 =	vadd.f32 v63, v6;
	v4 =	vadd.f32 v9, v4  }
0xb2: {  	v44 =	vld [tilespmem:$0x34A0];
	v20 =	vadd.f32 v25, v20;
	v5 =	vadd.f32 v39, v5  }
0xb3: {  	v45 =	vld [tilespmem:$0x34B0];
	v6 =	vadd.f32 v40, v6;
	v4 =	vadd.f32 v10, v4  }
0xb4: {  	v46 =	vld [tilespmem:$0x3520];
	v20 =	vadd.f32 v26, v20;
	v5 =	vadd.f32 v41, v5  }
0xb5: {  	v47 =	vld [tilespmem:$0x3530];
	v6 =	vadd.f32 v42, v6;
	v4 =	vadd.f32 v11, v4  }
0xb6: {  	v48 =	vld [tilespmem:$0x35A0];
	v20 =	vadd.f32 v27, v20;
	v5 =	vadd.f32 v43, v5  }
0xb7: {  	v49 =	vld [tilespmem:$0x35B0];
	v6 =	vadd.f32 v44, v6;
	v4 =	vadd.f32 v12, v4  }
0xb8: {  	v51 =	vld [tilespmem:$0x3620];
	v50 =	vadd.f32 v28, v20;
	v5 =	vadd.f32 v45, v5  }
0xb9: {  	v52 =	vld [tilespmem:$0x3630];
	v6 =	vadd.f32 v46, v6;
	v4 =	vadd.f32 v13, v4  }
0xba: {  	v53 =	vld [tilespmem:$0x36A0];
	v12 =	vadd.f32 v29, v50;
	v5 =	vadd.f32 v47, v5  }
0xbb: {  	v54 =	vld [tilespmem:$0x36B0];
	v6 =	vadd.f32 v48, v6;
	v4 =	vadd.f32 v14, v4  }
0xbc: {  	v55 =	vld [tilespmem:$0x3720];
	v12 =	vadd.f32 v30, v12;
	v5 =	vadd.f32 v49, v5  }
0xbd: {  	v56 =	vld [tilespmem:$0x3730];
	v6 =	vadd.f32 v51, v6;
	v4 =	vadd.f32 v15, v4  }
0xbe: {  	v57 =	vld [tilespmem:$0x37A0];
	v12 =	vadd.f32 v31, v12;
	v5 =	vadd.f32 v52, v5  }
0xbf: {  	v58 =	vld [tilespmem:$0x37B0];
	v6 =	vadd.f32 v53, v6;
	v4 =	vadd.f32 v16, v4  }
0xc0: {  	v59 =	vld [tilespmem:$0x3820];
	v12 =	vadd.f32 v32, v12;
	v5 =	vadd.f32 v54, v5  }
0xc1: {  	v60 =	vld [tilespmem:$0x3830];
	v6 =	vadd.f32 v55, v6;
	v4 =	vadd.f32 v17, v4  }
0xc2: {  	v61 =	vld [tilespmem:$0x38A0];
	v12 =	vadd.f32 v33, v12;
	v5 =	vadd.f32 v56, v5  }
0xc3: {  	v62 =	vld [tilespmem:$0x38B0];
	v6 =	vadd.f32 v57, v6;
	v4 =	vadd.f32 v18, v4  }
0xc4: {  	v12 =	vadd.f32 v34, v12;
	v5 =	vadd.f32 v58, v5  }
0xc5: {  	v6 =	vadd.f32 v59, v6;
	v4 =	vadd.f32 v19, v4  }
0xc6: {  	v63 =	vadd.f32 v35, v12;
	v5 =	vadd.f32 v60, v5  }
0xc7: {  	[tilespmem:$0x3900] =	vst v4;
	v4 =	vadd.f32 v61, v6  }
0xc8: {  	[tilespmem:$0x3910] =	vst v63;
	v5 =	vadd.f32 v62, v5  }
0xc9: {  	[tilespmem:$0x3920] =	vst v4  }
.Ltmp5:
0xca: {  	[tilespmem:$0x3930] =	vst v5;
	(pc) =	sbr.rel .LBB2_5-.Ltmp5, $4  }
0xcb: {  	[spmem:s9] =	stream.linear.scatter [tilespmem:s14], [sflag:$0x1], $0x80, $0x38;
	[tilespmem:$0x4300] =	vst v63  }
0xcc: {  	_ =	swait.ge [sflag:s11], $0x80  }
0xcd: {  	[sflag:s11] =	ssyncset.done $0x0  }
0xce: {  	[sflag:s11] =	ssyncadd.s32 $0xFFFFFF80  }
.LBB2_6:
0xcf: {  	[tilespmem:s15], [sflag:$0x1] =	stream.linear.gather [spmem:s3], $0x800, $0x38;
	[tilespmem:$0x4300] =	vst v63  }
0xd0: {  	_ =	swait.ge [sflag:s11], $0x800  }
0xd1: {  	[sflag:s11] =	ssyncset.done $0x0  }
0xd2: {  	[sflag:s11] =	ssyncadd.s32 $0xFFFFF800  }
0xd3: {  	[tilespmem:s16], [sflag:$0x1] =	stream.linear.gather [hbm4b:s6+s4], $0x80, $0x38;
	[tilespmem:$0x4300] =	vst v63  }
0xd4: {  	_ =	swait.ge [sflag:s11], $0x80  }
0xd5: {  	[sflag:s11] =	ssyncset.done $0x0  }
0xd6: {  	[sflag:s11] =	ssyncadd.s32 $0xFFFFFF80  }
0xd7: {  	v4 =	vld [tilespmem:$0x3980]  }
0xd8: {  	v5 =	vld [tilespmem:$0x3A00]  }
0xd9: {  	v6 =	vld [tilespmem:$0x3A80]  }
0xda: {  	v7 =	vld [tilespmem:$0x3B00]  }
0xdb: {  	v8 =	vld [tilespmem:$0x3B80]  }
0xdc: {  	v9 =	vld [tilespmem:$0x3C00]  }
0xdd: {  	v10 =	vld [tilespmem:$0x3C80]  }
0xde: {  	v11 =	vld [tilespmem:$0x3D00]  }
0xdf: {  	v12 =	vld [tilespmem:$0x3D80]  }
0xe0: {  	v13 =	vld [tilespmem:$0x3E00]  }
0xe1: {  	v14 =	vld [tilespmem:$0x3E80]  }
0xe2: {  	v15 =	vld [tilespmem:$0x3F00]  }
0xe3: {  	v16 =	vld [tilespmem:$0x3F80]  }
0xe4: {  	v17 =	vld [tilespmem:$0x4000]  }
0xe5: {  	v18 =	vld [tilespmem:$0x4080]  }
0xe6: {  	v19 =	vld [tilespmem:$0x4100]  }
0xe7: {  	v20 =	vld [tilespmem:$0x4180]  }
0xe8: {  	v21 =	vld [tilespmem:$0x3990]  }
0xe9: {  	v22 =	vld [tilespmem:$0x3A10]  }
0xea: {  	v23 =	vld [tilespmem:$0x3A90]  }
0xeb: {  	v24 =	vld [tilespmem:$0x3B10]  }
0xec: {  	v25 =	vld [tilespmem:$0x3B90]  }
0xed: {  	v26 =	vld [tilespmem:$0x3C10]  }
0xee: {  	v27 =	vld [tilespmem:$0x3C90]  }
0xef: {  	v28 =	vld [tilespmem:$0x3D10]  }
0xf0: {  	v29 =	vld [tilespmem:$0x3D90]  }
0xf1: {  	v30 =	vld [tilespmem:$0x3E10]  }
0xf2: {  	v31 =	vld [tilespmem:$0x3E90]  }
0xf3: {  	v32 =	vld [tilespmem:$0x3F10]  }
0xf4: {  	v33 =	vld [tilespmem:$0x3F90]  }
0xf5: {  	v34 =	vld [tilespmem:$0x4010]  }
0xf6: {  	v35 =	vld [tilespmem:$0x4090]  }
0xf7: {  	v36 =	vld [tilespmem:$0x4110]  }
0xf8: {  	v37 =	vld [tilespmem:$0x4190]  }
0xf9: {  	v38 =	vld [tilespmem:$0x39A0]  }
0xfa: {  	v39 =	vld [tilespmem:$0x3A20]  }
0xfb: {  	v40 =	vld [tilespmem:$0x39B0]  }
0xfc: {  	v41 =	vld [tilespmem:$0x3A30]  }
0xfd: {  	v42 =	vld [tilespmem:$0x3AA0]  }
0xfe: {  	v4 =	vadd.f32 v5, v4;
	v5 =	vld [tilespmem:$0x3AB0]  }
0xff: {  	v57 =	vld [tilespmem:$0x3B20];
	v21 =	vadd.f32 v22, v21  }
0x100: {  	v59 =	vld [tilespmem:$0x3B30];
	v58 =	vadd.f32 v39, v38;
	v4 =	vadd.f32 v6, v4  }
0x101: {  	v61 =	vld [tilespmem:$0x3BA0];
	v60 =	vadd.f32 v41, v40;
	v21 =	vadd.f32 v23, v21  }
0x102: {  	v62 =	vld [tilespmem:$0x3BB0];
	v6 =	vadd.f32 v42, v58;
	v4 =	vadd.f32 v7, v4  }
0x103: {  	v63 =	vld [tilespmem:$0x3C20];
	v21 =	vadd.f32 v24, v21;
	v5 =	vadd.f32 v5, v60  }
0x104: {  	v6 =	vadd.f32 v57, v6;
	v24 =	vld [tilespmem:$0x3C30];
	v4 =	vadd.f32 v8, v4  }
0x105: {  	v40 =	vld [tilespmem:$0x3CA0];
	v21 =	vadd.f32 v25, v21;
	v5 =	vadd.f32 v59, v5  }
0x106: {  	v41 =	vld [tilespmem:$0x3CB0];
	v6 =	vadd.f32 v61, v6;
	v4 =	vadd.f32 v9, v4  }
0x107: {  	v42 =	vld [tilespmem:$0x3D20];
	v21 =	vadd.f32 v26, v21;
	v5 =	vadd.f32 v62, v5  }
0x108: {  	v43 =	vld [tilespmem:$0x3D30];
	v6 =	vadd.f32 v63, v6;
	v4 =	vadd.f32 v10, v4  }
0x109: {  	v44 =	vld [tilespmem:$0x3DA0];
	v21 =	vadd.f32 v27, v21;
	v5 =	vadd.f32 v24, v5  }
0x10a: {  	v45 =	vld [tilespmem:$0x3DB0];
	v6 =	vadd.f32 v40, v6;
	v4 =	vadd.f32 v11, v4  }
0x10b: {  	v46 =	vld [tilespmem:$0x3E20];
	v21 =	vadd.f32 v28, v21;
	v5 =	vadd.f32 v41, v5  }
0x10c: {  	v47 =	vld [tilespmem:$0x3E30];
	v6 =	vadd.f32 v42, v6;
	v4 =	vadd.f32 v12, v4  }
0x10d: {  	v49 =	vld [tilespmem:$0x3EA0];
	v48 =	vadd.f32 v29, v21;
	v5 =	vadd.f32 v43, v5  }
0x10e: {  	v50 =	vld [tilespmem:$0x3EB0];
	v6 =	vadd.f32 v44, v6;
	v4 =	vadd.f32 v13, v4  }
0x10f: {  	v51 =	vld [tilespmem:$0x3F20];
	v12 =	vadd.f32 v30, v48;
	v5 =	vadd.f32 v45, v5  }
0x110: {  	v52 =	vld [tilespmem:$0x3F30];
	v6 =	vadd.f32 v46, v6;
	v4 =	vadd.f32 v14, v4  }
0x111: {  	v53 =	vld [tilespmem:$0x3FA0];
	v12 =	vadd.f32 v31, v12;
	v5 =	vadd.f32 v47, v5  }
0x112: {  	v54 =	vld [tilespmem:$0x3FB0];
	v6 =	vadd.f32 v49, v6;
	v4 =	vadd.f32 v15, v4  }
0x113: {  	v55 =	vld [tilespmem:$0x4020];
	v12 =	vadd.f32 v32, v12;
	v5 =	vadd.f32 v50, v5  }
0x114: {  	v56 =	vld [tilespmem:$0x4030];
	v6 =	vadd.f32 v51, v6;
	v4 =	vadd.f32 v16, v4  }
0x115: {  	v57 =	vld [tilespmem:$0x40A0];
	v12 =	vadd.f32 v33, v12;
	v5 =	vadd.f32 v52, v5  }
0x116: {  	v58 =	vld [tilespmem:$0x40B0];
	v6 =	vadd.f32 v53, v6;
	v4 =	vadd.f32 v17, v4  }
0x117: {  	v59 =	vld [tilespmem:$0x4120];
	v12 =	vadd.f32 v34, v12;
	v5 =	vadd.f32 v54, v5  }
0x118: {  	v60 =	vld [tilespmem:$0x4130];
	v6 =	vadd.f32 v55, v6;
	v4 =	vadd.f32 v18, v4  }
0x119: {  	v61 =	vld [tilespmem:$0x41A0];
	v12 =	vadd.f32 v35, v12;
	v5 =	vadd.f32 v56, v5  }
0x11a: {  	v62 =	vld [tilespmem:$0x41B0];
	v6 =	vadd.f32 v57, v6;
	v4 =	vadd.f32 v19, v4  }
0x11b: {  	v12 =	vadd.f32 v36, v12;
	v5 =	vadd.f32 v58, v5  }
0x11c: {  	v6 =	vadd.f32 v59, v6;
	v4 =	vmul.f32 v20, v4  }
0x11d: {  	v63 =	vmul.f32 v37, v12;
	v5 =	vadd.f32 v60, v5  }
0x11e: {  	[tilespmem:$0x4200] =	vst v4;
	v4 =	vmul.f32 v61, v6  }
0x11f: {  	[tilespmem:$0x4210] =	vst v63;
	v5 =	vmul.f32 v62, v5  }
0x120: {  	[tilespmem:$0x4220] =	vst v4  }
.Ltmp6:
0x121: {  	[tilespmem:$0x4230] =	vst v5;
	(pc) =	sbr.rel .LBB2_7-.Ltmp6, $4  }
0x122: {  	[hbm4b:s2+s4] =	stream.linear.scatter [tilespmem:s17], [sflag:$0x1], $0x80, $0x38;
	[tilespmem:$0x4300] =	vst v63  }
0x123: {  	_ =	swait.ge [sflag:s11], $0x80  }
0x124: {  	[sflag:s11] =	ssyncset.done $0x0  }
0x125: {  	[sflag:s11] =	ssyncadd.s32 $0xFFFFFF80  }
.LBB2_8:
0x126: {  	_ =	sfence.sel $0x180000  }
0x127: {  	[bflag:$0x0] =	sbarrier.arrive $0xFFFF  }
0x128: {  	p0 =	sne.s32 s0, $0x0;
	_ =	strace $0x9000004A  }
0x129: {  	s0 =	sadd.s32 @!p0 $0x100000, s1;
	[bflag:$0x2] =	sbarrier.arrive $0xFFFF  }
0x12a: {  	[sflag:s0] =	ssyncadd.tile.s32 @!p0 $0x1;
	_ =	shalt  }
.Lfunc_end2:
_tile_overlayer_lowered:
.L_overlay_start_2:
0x12b: {  	(tag) =	ssettag $0x2  }
0x12c: {  	s0 =	rddreg [dreg:$0x0];
	s2 =	stileid.u32  }
0x12d: {  	s1 =	rddreg [dreg:$0x1];
	p0 =	sne.s32 s2, $0x0  }
0x12e: {  	s3 =	rddreg [dreg:$0x2];
	[bflag:$0x3] =	sbarrier.arrive $0xFFFF;
	s2 =	simm.s32 @!p0 $0x1C01  }
0x12f: {  	[timem:s3], [sflag:s2] =	dma.local @!p0 [hbm:s0], s1  }
0x130: {  	s0 =	simm.s32 @!p0 $0x1  }
0x131: {  	_ =	swait.ge @!p0 [sflag:s0], s1  }
0x132: {  	s1 =	ssub.s32 @!p0 $0x0, s1;
	[sflag:s0] =	ssyncset.done @!p0 $0x0  }
0x133: {  	[sflag:s0] =	ssyncadd.s32 @!p0 s1  }
0x134: {  	[bflag:$0x3] =	sbarrier.arrive $0xFFFF  }
0x135: {  	_ =	shalt  }

</sc_bundles>
